<compile_context>
chip_gen: v7x
topology: tpu7x:2x2x1
jax: 0.10.2.dev20260603
libtpu: 0.0.44.dev20260713+nightly
codegen_flags: <defaults>
</compile_context>

<pallas_src>
import functools

import jax
import jax.numpy as jnp
from jax import lax
from jax.experimental import pallas as pl
from jax.experimental.pallas import tpu as pltpu
from jax.experimental.pallas import tpu_sc as plsc

_B = 16384
_V = 100000
_D = 64
_L = 16
_NC = 2
_NS = 16
_NW = _NC * _NS
_BPW = _B // _NW
_CHUNK = 128
_NCHUNK = _BPW // _CHUNK
_NBLK = _D // _L
_CBH = 4096
_VH = 53248


def _tc_pack(t0, t1, t2, item):
    t0t, t1t, t2t, itt = t0.T, t1.T, t2.T, item.T

    def pack_body(a0l, a0h, a1l, a1h, a2l, a2h, itl, ith, u_ref, i_ref):
        ul = a0l[...] + 0.5 * (a1l[...] + a2l[...])
        uh = a0h[...] + 0.5 * (a1h[...] + a2h[...])
        u_ref[...] = jnp.concatenate([ul.T, uh.T], axis=1)
        i_ref[...] = jnp.concatenate([itl[...].T, ith[...].T], axis=1)

    nblk = _VH // _CBH
    last_in_blk = pl.cdiv(_V, _CBH) - 1
    lo_spec = pl.BlockSpec((_D, _CBH), lambda j: (0, j))
    hi_spec = pl.BlockSpec(
        (_D, _CBH), lambda j: (0, jnp.minimum(j + nblk, last_in_blk)))
    out_spec = pl.BlockSpec((_CBH, 2 * _D), lambda j: (j, 0))
    return pl.pallas_call(
        pack_body,
        grid=(nblk,),
        in_specs=[lo_spec, hi_spec] * 4,
        out_specs=[out_spec] * 2,
        out_shape=[jax.ShapeDtypeStruct((_VH, 2 * _D), jnp.float32)] * 2,
    )(t0t, t0t, t1t, t1t, t2t, t2t, itt, itt)


def _sc_gather_score(users, pos, neg, utab, itab):
    mesh = plsc.VectorSubcoreMesh(core_axis_name="c", subcore_axis_name="s")

    rowbuf = pltpu.VMEM((_CHUNK, 2 * _D), jnp.float32)

    @functools.partial(
        pl.kernel,
        out_type=(
            jax.ShapeDtypeStruct((_L, _B), jnp.float32),
            jax.ShapeDtypeStruct((_NW, _L), jnp.float32),
        ),
        mesh=mesh,
        compiler_params=pltpu.CompilerParams(use_tc_tiling_on_sc=True,
                                             needs_layout_passes=False),
        scratch_types=[
            pltpu.VMEM((_BPW,), jnp.int32),
            pltpu.VMEM((_BPW,), jnp.int32),
            pltpu.VMEM((_BPW,), jnp.int32),
            pltpu.VMEM((_BPW,), jnp.int32),
            pltpu.VMEM((_BPW,), jnp.int32),
            pltpu.VMEM((_BPW,), jnp.int32),
            rowbuf, rowbuf, rowbuf,
            rowbuf, rowbuf, rowbuf,
            pltpu.VMEM((_L, _BPW), jnp.float32),
            pltpu.VMEM((_L,), jnp.float32),
            pltpu.SemaphoreType.DMA,
            pltpu.SemaphoreType.DMA,
        ],
    )
    def sc_body(users_h, pos_h, neg_h, utab_h, itab_h,
                q_h, r_h,
                uidx, pidx, nidx, muidx, mpidx, mnidx,
                uva, pva, nva, uvb, pvb, nvb,
                qv, regv, sema, semb):
        wid = lax.axis_index("s") * _NC + lax.axis_index("c")
        base = wid * _BPW
        pltpu.sync_copy(users_h.at[pl.ds(base, _BPW)], uidx)
        pltpu.sync_copy(pos_h.at[pl.ds(base, _BPW)], pidx)
        pltpu.sync_copy(neg_h.at[pl.ds(base, _BPW)], nidx)

        lane = lax.iota(jnp.int32, _L)

        def m_body(g, carry):
            sl16 = pl.ds(g * _L, _L)
            for src, dst in ((uidx, muidx), (pidx, mpidx), (nidx, mnidx)):
                v = src[sl16]
                dst[sl16] = v - jnp.where(v >= _VH, _VH, 0)
            return carry

        lax.fori_loop(0, _BPW // _L, m_body, 0)

        def fire(ci, uv, pv, nv, sem):
            isl = pl.ds(ci * _CHUNK, _CHUNK)
            pltpu.async_copy(utab_h.at[muidx.at[isl]], uv, sem)
            pltpu.async_copy(itab_h.at[mpidx.at[isl]], pv, sem)
            pltpu.async_copy(itab_h.at[mnidx.at[isl]], nv, sem)

        def drain(uv, pv, nv, sem):
            pltpu.make_async_copy(utab_h.at[pl.ds(0, _CHUNK)], uv, sem).wait()
            pltpu.make_async_copy(itab_h.at[pl.ds(0, _CHUNK)], pv, sem).wait()
            pltpu.make_async_copy(itab_h.at[pl.ds(0, _CHUNK)], nv, sem).wait()

        def compute(ci, uv, pv, nv, regacc):
            off = ci * _CHUNK

            def row_body(r, reg):
                rsplat = jnp.full((_L,), r, jnp.int32)
                isplat = rsplat + off
                cu = jnp.where(plsc.load_gather(uidx, [isplat]) >= _VH,
                               _D, 0) + lane
                cp = jnp.where(plsc.load_gather(pidx, [isplat]) >= _VH,
                               _D, 0) + lane
                cn = jnp.where(plsc.load_gather(nidx, [isplat]) >= _VH,
                               _D, 0) + lane
                q = None
                for k in range(_NBLK):
                    u = plsc.load_gather(uv, [rsplat, cu + k * _L])
                    pp = plsc.load_gather(pv, [rsplat, cp + k * _L])
                    nn = plsc.load_gather(nv, [rsplat, cn + k * _L])
                    term = u * (nn - pp)
                    q = term if q is None else q + term
                    reg = reg + (u * u + pp * pp + nn * nn)
                plsc.store_scatter(qv, [lane, isplat], q)
                return reg

            return plsc.parallel_loop(0, _CHUNK, unroll=4,
                                      carry=regacc)(row_body)

        regacc = jnp.zeros((_L,), jnp.float32)
        fire(0, uva, pva, nva, sema)
        fire(1, uvb, pvb, nvb, semb)
        drain(uva, pva, nva, sema)
        regacc = compute(0, uva, pva, nva, regacc)
        fire(2, uva, pva, nva, sema)
        drain(uvb, pvb, nvb, semb)
        regacc = compute(1, uvb, pvb, nvb, regacc)
        fire(3, uvb, pvb, nvb, semb)
        drain(uva, pva, nva, sema)
        regacc = compute(2, uva, pva, nva, regacc)
        drain(uvb, pvb, nvb, semb)
        regacc = compute(3, uvb, pvb, nvb, regacc)

        pltpu.sync_copy(qv, q_h.at[:, pl.ds(base, _BPW)])
        regv[...] = regacc
        pltpu.sync_copy(regv, r_h.at[wid])

    return sc_body(users, pos, neg, utab, itab)


def _tc_finalize(q, r):
    def tc_body(q_ref, r_ref, loss_ref, reg_ref):
        d = jnp.sum(q_ref[...], axis=0)
        loss_ref[0, 0] = jnp.mean(jax.nn.softplus(d))
        reg_ref[0, 0] = 0.5 * jnp.sum(r_ref[...]) / float(_B)

    loss, reg = pl.pallas_call(
        tc_body,
        out_shape=(
            jax.ShapeDtypeStruct((1, 1), jnp.float32),
            jax.ShapeDtypeStruct((1, 1), jnp.float32),
        ),
        out_specs=(
            pl.BlockSpec(memory_space=pltpu.SMEM),
            pl.BlockSpec(memory_space=pltpu.SMEM),
        ),
    )(q, r)
    return loss[0, 0], reg[0, 0]


def kernel(users, pos, neg, user_table_0, user_table_1, user_table_2,
           item_table):
    utab, itab = _tc_pack(user_table_0, user_table_1, user_table_2,
                          item_table)
    q, r = _sc_gather_score(users, pos, neg, utab, itab)
    loss, reg_loss = _tc_finalize(q, r)
    return (loss, reg_loss)

# --- scband reference (transcript-rebuilt; emitter-appended) ---
"""Pipeline reference for scband-multi-recommend-base-75033078661534 (READ-ONLY COPY).

The authoritative reference and input builder live on the scoring server;
editing this copy changes nothing except your own understanding.
"""

import jax, jax.numpy as jnp
import numpy as np

NUM_DOMAINS = 3
TARGET = 0
V_USER = 100000
V_ITEM = 100000
D = 64
B = 16384


def setup_inputs(seed: int = 0) -> dict:
    key = jax.random.key(seed)
    ks = jax.random.split(key, 8)
    inp = {}
    inp["users"] = jax.random.randint(ks[0], (B,), 0, V_USER, dtype=jnp.int64 if jax.config.jax_enable_x64 else jnp.int32)
    inp["pos"] = jax.random.randint(ks[1], (B,), 0, V_ITEM, dtype=jnp.int64 if jax.config.jax_enable_x64 else jnp.int32)
    inp["neg"] = jax.random.randint(ks[2], (B,), 0, V_ITEM, dtype=jnp.int64 if jax.config.jax_enable_x64 else jnp.int32)
    # Pre-trained per-domain user embedding tables and target-domain item table
    inp["user_table_0"] = jax.random.normal(ks[3], (V_USER, D), dtype=jnp.float32) * 0.1
    inp["user_table_1"] = jax.random.normal(ks[4], (V_USER, D), dtype=jnp.float32) * 0.1
    inp["user_table_2"] = jax.random.normal(ks[5], (V_USER, D), dtype=jnp.float32) * 0.1
    inp["item_table"] = jax.random.normal(ks[6], (V_ITEM, D), dtype=jnp.float32) * 0.1
    return inp


def _merge_layer(source_embeddings):
    # merge_layer is defined in subclasses; base-class-faithful stand-in:
    # mean over source domains [B, num_domains-1, D] -> [B, D]
    return jnp.mean(source_embeddings, axis=1)


def reference(users, pos, neg, user_table_0, user_table_1, user_table_2, item_table):
    tables = [user_table_0, user_table_1, user_table_2]
    # getUserEmbed: fix_user=False -> target embedding gets gradients
    target_embedding = jnp.take(tables[TARGET], users, axis=0)
    source_embeddings = [
        jax.lax.stop_gradient(jnp.take(tables[i], users, axis=0))
        for i in range(NUM_DOMAINS) if i != TARGET
    ]
    source_embeddings = jnp.stack(source_embeddings, axis=1)  # [B, num_domains-1, D]
    users_emb = target_embedding + _merge_layer(source_embeddings)
    # fix_item=False -> item embeddings get gradients
    pos_emb = jnp.take(item_table, pos, axis=0)
    neg_emb = jnp.take(item_table, neg, axis=0)
    pos_scores = jnp.sum(users_emb * pos_emb, axis=1)
    neg_scores = jnp.sum(users_emb * neg_emb, axis=1)
    loss = jnp.mean(jax.nn.softplus(neg_scores - pos_scores))
    reg_loss = 0.5 * (jnp.sum(users_emb ** 2) + jnp.sum(pos_emb ** 2) + jnp.sum(neg_emb ** 2)) / float(B)
    return (loss, reg_loss)

if __name__ == "__main__":
    import jax
    _d = setup_inputs()
    print(jax.jit(kernel)(*tuple(_d.values())))

</pallas_src>

<mosaic_0001>
#map = affine_map<(d0, d1) -> (0)>
#map1 = affine_map<(d0, d1) -> (0, 0)>
module attributes {stable_mosaic.version = 14 : i64} {
  func.func @sc_body(%arg0: i32, %arg1: i32, %arg2: memref<16384xi32, #tpu.memory_space<hbm>>, %arg3: memref<16384xi32, #tpu.memory_space<hbm>>, %arg4: memref<16384xi32, #tpu.memory_space<hbm>>, %arg5: memref<53248x128xf32, #tpu.memory_space<hbm>>, %arg6: memref<53248x128xf32, #tpu.memory_space<hbm>>, %arg7: memref<16x16384xf32, #tpu.memory_space<hbm>>, %arg8: memref<32x16xf32, #tpu.memory_space<hbm>>, %arg9: memref<512xi32, #tpu.memory_space<vmem>>, %arg10: memref<512xi32, #tpu.memory_space<vmem>>, %arg11: memref<512xi32, #tpu.memory_space<vmem>>, %arg12: memref<512xi32, #tpu.memory_space<vmem>>, %arg13: memref<512xi32, #tpu.memory_space<vmem>>, %arg14: memref<512xi32, #tpu.memory_space<vmem>>, %arg15: memref<128x128xf32, #tpu.memory_space<vmem>>, %arg16: memref<128x128xf32, #tpu.memory_space<vmem>>, %arg17: memref<128x128xf32, #tpu.memory_space<vmem>>, %arg18: memref<128x128xf32, #tpu.memory_space<vmem>>, %arg19: memref<128x128xf32, #tpu.memory_space<vmem>>, %arg20: memref<128x128xf32, #tpu.memory_space<vmem>>, %arg21: memref<16x512xf32, #tpu.memory_space<vmem>>, %arg22: memref<16xf32, #tpu.memory_space<vmem>>, %arg23: memref<!tpu.dma_semaphore, #tpu.memory_space<semaphore_mem>>, %arg24: memref<!tpu.dma_semaphore, #tpu.memory_space<semaphore_mem>>) attributes {dimension_semantics = [#tpu.dimension_semantics<core_parallel>, #tpu.dimension_semantics<subcore_parallel>], iteration_bounds = array<i64: 2, 16>, scalar_prefetch = 0 : i64, scratch_operands = 16 : i64, tpu.core_type = #tpu.core_type<sc_vector_subcore>, window_params = [{transform_indices = #map}, {transform_indices = #map}, {transform_indices = #map}, {transform_indices = #map1}, {transform_indices = #map1}, {transform_indices = #map1}, {transform_indices = #map1}]} {
    %mul3A = arith.constant 2 : i32
    %mul3A_0 = arith.muli %arg1, %mul3A : i32
    %add3A = arith.addi %mul3A_0, %arg0 : i32
    %mul3A_1 = arith.constant 512 : i32
    %mul3A_2 = arith.muli %add3A, %mul3A_1 : i32
    "tpu.region"() ({
      %run_scoped3A = tpu.sem_alloc : memref<!tpu.dma_semaphore, #tpu.memory_space<semaphore_mem>>
      %dma_start3A_155 = tpu.memref_slice %arg2[%mul3A_2] : memref<16384xi32, #tpu.memory_space<hbm>> -> memref<512xi32, #tpu.memory_space<hbm>>
      %dma_start3A_156 = tpu.memref_slice %arg2[%mul3A_2] : memref<16384xi32, #tpu.memory_space<hbm>> -> memref<512xi32, #tpu.memory_space<hbm>>
      tpu.enqueue_dma source(%dma_start3A_156 : memref<512xi32, #tpu.memory_space<hbm>>) target(%arg9 : memref<512xi32, #tpu.memory_space<vmem>>) target_semaphore(%run_scoped3A : memref<!tpu.dma_semaphore, #tpu.memory_space<semaphore_mem>>)
      %dma_wait3A_157 = tpu.memref_slice %arg2[%mul3A_2] : memref<16384xi32, #tpu.memory_space<hbm>> -> memref<512xi32, #tpu.memory_space<hbm>>
      %dma_wait3A_158 = tpu.memref_slice %arg2[%mul3A_2] : memref<16384xi32, #tpu.memory_space<hbm>> -> memref<512xi32, #tpu.memory_space<hbm>>
      tpu.wait_dma2 semaphore(%run_scoped3A : memref<!tpu.dma_semaphore, #tpu.memory_space<semaphore_mem>>) src(%dma_wait3A_158 : memref<512xi32, #tpu.memory_space<hbm>>) dst(%arg9 : memref<512xi32, #tpu.memory_space<vmem>>)
      tpu.yield
    }) : () -> ()
    "tpu.region"() ({
      %run_scoped3A = tpu.sem_alloc : memref<!tpu.dma_semaphore, #tpu.memory_space<semaphore_mem>>
      %dma_start3A_155 = tpu.memref_slice %arg3[%mul3A_2] : memref<16384xi32, #tpu.memory_space<hbm>> -> memref<512xi32, #tpu.memory_space<hbm>>
      %dma_start3A_156 = tpu.memref_slice %arg3[%mul3A_2] : memref<16384xi32, #tpu.memory_space<hbm>> -> memref<512xi32, #tpu.memory_space<hbm>>
      tpu.enqueue_dma source(%dma_start3A_156 : memref<512xi32, #tpu.memory_space<hbm>>) target(%arg10 : memref<512xi32, #tpu.memory_space<vmem>>) target_semaphore(%run_scoped3A : memref<!tpu.dma_semaphore, #tpu.memory_space<semaphore_mem>>)
      %dma_wait3A_157 = tpu.memref_slice %arg3[%mul3A_2] : memref<16384xi32, #tpu.memory_space<hbm>> -> memref<512xi32, #tpu.memory_space<hbm>>
      %dma_wait3A_158 = tpu.memref_slice %arg3[%mul3A_2] : memref<16384xi32, #tpu.memory_space<hbm>> -> memref<512xi32, #tpu.memory_space<hbm>>
      tpu.wait_dma2 semaphore(%run_scoped3A : memref<!tpu.dma_semaphore, #tpu.memory_space<semaphore_mem>>) src(%dma_wait3A_158 : memref<512xi32, #tpu.memory_space<hbm>>) dst(%arg10 : memref<512xi32, #tpu.memory_space<vmem>>)
      tpu.yield
    }) : () -> ()
    "tpu.region"() ({
      %run_scoped3A = tpu.sem_alloc : memref<!tpu.dma_semaphore, #tpu.memory_space<semaphore_mem>>
      %dma_start3A_155 = tpu.memref_slice %arg4[%mul3A_2] : memref<16384xi32, #tpu.memory_space<hbm>> -> memref<512xi32, #tpu.memory_space<hbm>>
      %dma_start3A_156 = tpu.memref_slice %arg4[%mul3A_2] : memref<16384xi32, #tpu.memory_space<hbm>> -> memref<512xi32, #tpu.memory_space<hbm>>
      tpu.enqueue_dma source(%dma_start3A_156 : memref<512xi32, #tpu.memory_space<hbm>>) target(%arg11 : memref<512xi32, #tpu.memory_space<vmem>>) target_semaphore(%run_scoped3A : memref<!tpu.dma_semaphore, #tpu.memory_space<semaphore_mem>>)
      %dma_wait3A_157 = tpu.memref_slice %arg4[%mul3A_2] : memref<16384xi32, #tpu.memory_space<hbm>> -> memref<512xi32, #tpu.memory_space<hbm>>
      %dma_wait3A_158 = tpu.memref_slice %arg4[%mul3A_2] : memref<16384xi32, #tpu.memory_space<hbm>> -> memref<512xi32, #tpu.memory_space<hbm>>
      tpu.wait_dma2 semaphore(%run_scoped3A : memref<!tpu.dma_semaphore, #tpu.memory_space<semaphore_mem>>) src(%dma_wait3A_158 : memref<512xi32, #tpu.memory_space<hbm>>) dst(%arg11 : memref<512xi32, #tpu.memory_space<vmem>>)
      tpu.yield
    }) : () -> ()
    %iota3A = tpu.iota {dimensions = array<i32: 0>} : vector<16xi32>
    %scan3A = arith.constant 0 : i32
    %scan3A_3 = arith.constant 0 : i32
    %scan3A_4 = arith.constant 32 : i32
    %scan3A_5 = arith.addi %scan3A_3, %scan3A_4 : i32
    %scan3A_6 = arith.constant 1 : i32
    scf.for %scan3A_155 = %scan3A_3 to %scan3A_5 step %scan3A_6  : i32 {
      %mul3A_156 = arith.constant 16 : i32
      %mul3A_157 = arith.muli %scan3A_155, %mul3A_156 : i32
      %get3A = arith.index_cast %mul3A_157 : i32 to index
      %get3A_158 = tpu.vector_load %arg9[%get3A] {strides = array<i32>} : memref<512xi32, #tpu.memory_space<vmem>>, vector<16xi32>,
      %ge3A = arith.constant 53248 : i32
      %ge3A_159 = vector.broadcast %ge3A : i32 to vector<16xi32>
      %ge3A_160 = arith.cmpi sge, %get3A_158, %ge3A_159 : vector<16xi32>
      %jit3A = arith.constant 53248 : i32
      %jit3A_161 = arith.constant 0 : i32
      %broadcast_in_dim3A_162 = vector.broadcast %jit3A : i32 to vector<16xi32>
      %broadcast_in_dim3A_163 = vector.broadcast %jit3A_161 : i32 to vector<16xi32>
      %select_n3A = arith.select %ge3A_160, %broadcast_in_dim3A_162, %broadcast_in_dim3A_163 : vector<16xi1>, vector<16xi32>
      %sub3A = arith.subi %get3A_158, %select_n3A : vector<16xi32>
      %swap3A_164 = arith.index_cast %mul3A_157 : i32 to index
      %swap3A_165 = tpu.vector_load %arg12[%swap3A_164] {strides = array<i32>} : memref<512xi32, #tpu.memory_space<vmem>>, vector<16xi32>,
      tpu.vector_store %arg12[%swap3A_164], %sub3A {strides = array<i32>} : memref<512xi32, #tpu.memory_space<vmem>>, vector<16xi32>,
      %get3A_166 = arith.index_cast %mul3A_157 : i32 to index
      %get3A_167 = tpu.vector_load %arg10[%get3A_166] {strides = array<i32>} : memref<512xi32, #tpu.memory_space<vmem>>, vector<16xi32>,
      %ge3A_168 = arith.constant 53248 : i32
      %ge3A_169 = vector.broadcast %ge3A_168 : i32 to vector<16xi32>
      %ge3A_170 = arith.cmpi sge, %get3A_167, %ge3A_169 : vector<16xi32>
      %jit3A_171 = arith.constant 53248 : i32
      %jit3A_172 = arith.constant 0 : i32
      %broadcast_in_dim3A_173 = vector.broadcast %jit3A_171 : i32 to vector<16xi32>
      %broadcast_in_dim3A_174 = vector.broadcast %jit3A_172 : i32 to vector<16xi32>
      %select_n3A_175 = arith.select %ge3A_170, %broadcast_in_dim3A_173, %broadcast_in_dim3A_174 : vector<16xi1>, vector<16xi32>
      %sub3A_176 = arith.subi %get3A_167, %select_n3A_175 : vector<16xi32>
      %swap3A_177 = arith.index_cast %mul3A_157 : i32 to index
      %swap3A_178 = tpu.vector_load %arg13[%swap3A_177] {strides = array<i32>} : memref<512xi32, #tpu.memory_space<vmem>>, vector<16xi32>,
      tpu.vector_store %arg13[%swap3A_177], %sub3A_176 {strides = array<i32>} : memref<512xi32, #tpu.memory_space<vmem>>, vector<16xi32>,
      %get3A_179 = arith.index_cast %mul3A_157 : i32 to index
      %get3A_180 = tpu.vector_load %arg11[%get3A_179] {strides = array<i32>} : memref<512xi32, #tpu.memory_space<vmem>>, vector<16xi32>,
      %ge3A_181 = arith.constant 53248 : i32
      %ge3A_182 = vector.broadcast %ge3A_181 : i32 to vector<16xi32>
      %ge3A_183 = arith.cmpi sge, %get3A_180, %ge3A_182 : vector<16xi32>
      %jit3A_184 = arith.constant 53248 : i32
      %jit3A_185 = arith.constant 0 : i32
      %broadcast_in_dim3A_186 = vector.broadcast %jit3A_184 : i32 to vector<16xi32>
      %broadcast_in_dim3A_187 = vector.broadcast %jit3A_185 : i32 to vector<16xi32>
      %select_n3A_188 = arith.select %ge3A_183, %broadcast_in_dim3A_186, %broadcast_in_dim3A_187 : vector<16xi1>, vector<16xi32>
      %sub3A_189 = arith.subi %get3A_180, %select_n3A_188 : vector<16xi32>
      %swap3A_190 = arith.index_cast %mul3A_157 : i32 to index
      %swap3A_191 = tpu.vector_load %arg14[%swap3A_190] {strides = array<i32>} : memref<512xi32, #tpu.memory_space<vmem>>, vector<16xi32>,
      tpu.vector_store %arg14[%swap3A_190], %sub3A_189 {strides = array<i32>} : memref<512xi32, #tpu.memory_space<vmem>>, vector<16xi32>,
    }
    %scan3A_7 = arith.constant 32 : i32
    %broadcast_in_dim3A = arith.constant 0.000000e+00 : f32
    %broadcast_in_dim3A_8 = vector.broadcast %broadcast_in_dim3A : f32 to vector<16xf32>
    %dma_start3A = arith.constant 0 : i32
    %dma_start3A_9 = tpu.memref_slice %arg12[%dma_start3A] : memref<512xi32, #tpu.memory_space<vmem>> -> memref<128xi32, #tpu.memory_space<vmem>>
    %dma_start3A_10 = arith.constant 0 : i32
    %dma_start3A_11 = arith.constant 0 : i32
    %dma_start3A_12 = tpu.memref_slice %arg5[%dma_start3A_10, %dma_start3A_11] : memref<53248x128xf32, #tpu.memory_space<hbm>> -> memref<53248x128xf32, #tpu.memory_space<hbm>>
    tpu.enqueue_indirect_dma source(%dma_start3A_12 : memref<53248x128xf32, #tpu.memory_space<hbm>>) target(%arg15 : memref<128x128xf32, #tpu.memory_space<vmem>>) offsets(%dma_start3A_9 : memref<128xi32, #tpu.memory_space<vmem>>) semaphore(%arg23 : memref<!tpu.dma_semaphore, #tpu.memory_space<semaphore_mem>>)
    %dma_start3A_13 = arith.constant 0 : i32
    %dma_start3A_14 = tpu.memref_slice %arg13[%dma_start3A_13] : memref<512xi32, #tpu.memory_space<vmem>> -> memref<128xi32, #tpu.memory_space<vmem>>
    %dma_start3A_15 = arith.constant 0 : i32
    %dma_start3A_16 = arith.constant 0 : i32
    %dma_start3A_17 = tpu.memref_slice %arg6[%dma_start3A_15, %dma_start3A_16] : memref<53248x128xf32, #tpu.memory_space<hbm>> -> memref<53248x128xf32, #tpu.memory_space<hbm>>
    tpu.enqueue_indirect_dma source(%dma_start3A_17 : memref<53248x128xf32, #tpu.memory_space<hbm>>) target(%arg16 : memref<128x128xf32, #tpu.memory_space<vmem>>) offsets(%dma_start3A_14 : memref<128xi32, #tpu.memory_space<vmem>>) semaphore(%arg23 : memref<!tpu.dma_semaphore, #tpu.memory_space<semaphore_mem>>)
    %dma_start3A_18 = arith.constant 0 : i32
    %dma_start3A_19 = tpu.memref_slice %arg14[%dma_start3A_18] : memref<512xi32, #tpu.memory_space<vmem>> -> memref<128xi32, #tpu.memory_space<vmem>>
    %dma_start3A_20 = arith.constant 0 : i32
    %dma_start3A_21 = arith.constant 0 : i32
    %dma_start3A_22 = tpu.memref_slice %arg6[%dma_start3A_20, %dma_start3A_21] : memref<53248x128xf32, #tpu.memory_space<hbm>> -> memref<53248x128xf32, #tpu.memory_space<hbm>>
    tpu.enqueue_indirect_dma source(%dma_start3A_22 : memref<53248x128xf32, #tpu.memory_space<hbm>>) target(%arg17 : memref<128x128xf32, #tpu.memory_space<vmem>>) offsets(%dma_start3A_19 : memref<128xi32, #tpu.memory_space<vmem>>) semaphore(%arg23 : memref<!tpu.dma_semaphore, #tpu.memory_space<semaphore_mem>>)
    %dma_start3A_23 = arith.constant 128 : i32
    %dma_start3A_24 = tpu.memref_slice %arg12[%dma_start3A_23] : memref<512xi32, #tpu.memory_space<vmem>> -> memref<128xi32, #tpu.memory_space<vmem>>
    %dma_start3A_25 = arith.constant 0 : i32
    %dma_start3A_26 = arith.constant 0 : i32
    %dma_start3A_27 = tpu.memref_slice %arg5[%dma_start3A_25, %dma_start3A_26] : memref<53248x128xf32, #tpu.memory_space<hbm>> -> memref<53248x128xf32, #tpu.memory_space<hbm>>
    tpu.enqueue_indirect_dma source(%dma_start3A_27 : memref<53248x128xf32, #tpu.memory_space<hbm>>) target(%arg18 : memref<128x128xf32, #tpu.memory_space<vmem>>) offsets(%dma_start3A_24 : memref<128xi32, #tpu.memory_space<vmem>>) semaphore(%arg24 : memref<!tpu.dma_semaphore, #tpu.memory_space<semaphore_mem>>)
    %dma_start3A_28 = arith.constant 128 : i32
    %dma_start3A_29 = tpu.memref_slice %arg13[%dma_start3A_28] : memref<512xi32, #tpu.memory_space<vmem>> -> memref<128xi32, #tpu.memory_space<vmem>>
    %dma_start3A_30 = arith.constant 0 : i32
    %dma_start3A_31 = arith.constant 0 : i32
    %dma_start3A_32 = tpu.memref_slice %arg6[%dma_start3A_30, %dma_start3A_31] : memref<53248x128xf32, #tpu.memory_space<hbm>> -> memref<53248x128xf32, #tpu.memory_space<hbm>>
    tpu.enqueue_indirect_dma source(%dma_start3A_32 : memref<53248x128xf32, #tpu.memory_space<hbm>>) target(%arg19 : memref<128x128xf32, #tpu.memory_space<vmem>>) offsets(%dma_start3A_29 : memref<128xi32, #tpu.memory_space<vmem>>) semaphore(%arg24 : memref<!tpu.dma_semaphore, #tpu.memory_space<semaphore_mem>>)
    %dma_start3A_33 = arith.constant 128 : i32
    %dma_start3A_34 = tpu.memref_slice %arg14[%dma_start3A_33] : memref<512xi32, #tpu.memory_space<vmem>> -> memref<128xi32, #tpu.memory_space<vmem>>
    %dma_start3A_35 = arith.constant 0 : i32
    %dma_start3A_36 = arith.constant 0 : i32
    %dma_start3A_37 = tpu.memref_slice %arg6[%dma_start3A_35, %dma_start3A_36] : memref<53248x128xf32, #tpu.memory_space<hbm>> -> memref<53248x128xf32, #tpu.memory_space<hbm>>
    tpu.enqueue_indirect_dma source(%dma_start3A_37 : memref<53248x128xf32, #tpu.memory_space<hbm>>) target(%arg20 : memref<128x128xf32, #tpu.memory_space<vmem>>) offsets(%dma_start3A_34 : memref<128xi32, #tpu.memory_space<vmem>>) semaphore(%arg24 : memref<!tpu.dma_semaphore, #tpu.memory_space<semaphore_mem>>)
    %dma_wait3A = arith.constant 0 : i32
    %dma_wait3A_38 = arith.constant 0 : i32
    %dma_wait3A_39 = tpu.memref_slice %arg5[%dma_wait3A, %dma_wait3A_38] : memref<53248x128xf32, #tpu.memory_space<hbm>> -> memref<128x128xf32, #tpu.memory_space<hbm>>
    %dma_wait3A_40 = arith.constant 0 : i32
    %dma_wait3A_41 = arith.constant 0 : i32
    %dma_wait3A_42 = tpu.memref_slice %arg5[%dma_wait3A_40, %dma_wait3A_41] : memref<53248x128xf32, #tpu.memory_space<hbm>> -> memref<128x128xf32, #tpu.memory_space<hbm>>
    tpu.wait_dma2 semaphore(%arg23 : memref<!tpu.dma_semaphore, #tpu.memory_space<semaphore_mem>>) src(%dma_wait3A_42 : memref<128x128xf32, #tpu.memory_space<hbm>>) dst(%arg15 : memref<128x128xf32, #tpu.memory_space<vmem>>)
    %dma_wait3A_43 = arith.constant 0 : i32
    %dma_wait3A_44 = arith.constant 0 : i32
    %dma_wait3A_45 = tpu.memref_slice %arg6[%dma_wait3A_43, %dma_wait3A_44] : memref<53248x128xf32, #tpu.memory_space<hbm>> -> memref<128x128xf32, #tpu.memory_space<hbm>>
    %dma_wait3A_46 = arith.constant 0 : i32
    %dma_wait3A_47 = arith.constant 0 : i32
    %dma_wait3A_48 = tpu.memref_slice %arg6[%dma_wait3A_46, %dma_wait3A_47] : memref<53248x128xf32, #tpu.memory_space<hbm>> -> memref<128x128xf32, #tpu.memory_space<hbm>>
    tpu.wait_dma2 semaphore(%arg23 : memref<!tpu.dma_semaphore, #tpu.memory_space<semaphore_mem>>) src(%dma_wait3A_48 : memref<128x128xf32, #tpu.memory_space<hbm>>) dst(%arg16 : memref<128x128xf32, #tpu.memory_space<vmem>>)
    %dma_wait3A_49 = arith.constant 0 : i32
    %dma_wait3A_50 = arith.constant 0 : i32
    %dma_wait3A_51 = tpu.memref_slice %arg6[%dma_wait3A_49, %dma_wait3A_50] : memref<53248x128xf32, #tpu.memory_space<hbm>> -> memref<128x128xf32, #tpu.memory_space<hbm>>
    %dma_wait3A_52 = arith.constant 0 : i32
    %dma_wait3A_53 = arith.constant 0 : i32
    %dma_wait3A_54 = tpu.memref_slice %arg6[%dma_wait3A_52, %dma_wait3A_53] : memref<53248x128xf32, #tpu.memory_space<hbm>> -> memref<128x128xf32, #tpu.memory_space<hbm>>
    tpu.wait_dma2 semaphore(%arg23 : memref<!tpu.dma_semaphore, #tpu.memory_space<semaphore_mem>>) src(%dma_wait3A_54 : memref<128x128xf32, #tpu.memory_space<hbm>>) dst(%arg17 : memref<128x128xf32, #tpu.memory_space<vmem>>)
    %parallel_loop3A = arith.constant 0 : i32
    %parallel_loop3A_55 = arith.constant 128 : i32
    %parallel_loop3A_56 = arith.constant 1 : i32
    %parallel_loop3A_57 = scf.for %parallel_loop3A_155 = %parallel_loop3A to %parallel_loop3A_55 step %parallel_loop3A_56 iter_args(%parallel_loop3A_156 = %broadcast_in_dim3A_8) -> (vector<16xf32>)  : i32 {
      %parallel_loop3A_157 = vector.broadcast %parallel_loop3A_155 : i32 to vector<16xi32>
      %parallel_loop3A_158 = arith.constant 0 : i32
      %parallel_loop3A_159 = vector.broadcast %parallel_loop3A_158 : i32 to vector<16xi32>
      %parallel_loop3A_160 = arith.addi %parallel_loop3A_157, %parallel_loop3A_159 : vector<16xi32>
      %parallel_loop3A_161 = tpu.vector_load_idx %arg9[%parallel_loop3A_160] : memref<512xi32, #tpu.memory_space<vmem>>[vector<16xi32>], vector<16xi32>,
      %parallel_loop3A_162 = arith.constant 53248 : i32
      %parallel_loop3A_163 = vector.broadcast %parallel_loop3A_162 : i32 to vector<16xi32>
      %parallel_loop3A_164 = arith.cmpi sge, %parallel_loop3A_161, %parallel_loop3A_163 : vector<16xi32>
      %parallel_loop3A_165 = arith.constant 64 : i32
      %parallel_loop3A_166 = arith.constant 0 : i32
      %parallel_loop3A_167 = vector.broadcast %parallel_loop3A_165 : i32 to vector<16xi32>
      %parallel_loop3A_168 = vector.broadcast %parallel_loop3A_166 : i32 to vector<16xi32>
      %parallel_loop3A_169 = arith.select %parallel_loop3A_164, %parallel_loop3A_167, %parallel_loop3A_168 : vector<16xi1>, vector<16xi32>
      %parallel_loop3A_170 = arith.addi %parallel_loop3A_169, %iota3A : vector<16xi32>
      %parallel_loop3A_171 = tpu.vector_load_idx %arg10[%parallel_loop3A_160] : memref<512xi32, #tpu.memory_space<vmem>>[vector<16xi32>], vector<16xi32>,
      %parallel_loop3A_172 = arith.constant 53248 : i32
      %parallel_loop3A_173 = vector.broadcast %parallel_loop3A_172 : i32 to vector<16xi32>
      %parallel_loop3A_174 = arith.cmpi sge, %parallel_loop3A_171, %parallel_loop3A_173 : vector<16xi32>
      %parallel_loop3A_175 = arith.constant 64 : i32
      %parallel_loop3A_176 = arith.constant 0 : i32
      %parallel_loop3A_177 = vector.broadcast %parallel_loop3A_175 : i32 to vector<16xi32>
      %parallel_loop3A_178 = vector.broadcast %parallel_loop3A_176 : i32 to vector<16xi32>
      %parallel_loop3A_179 = arith.select %parallel_loop3A_174, %parallel_loop3A_177, %parallel_loop3A_178 : vector<16xi1>, vector<16xi32>
      %parallel_loop3A_180 = arith.addi %parallel_loop3A_179, %iota3A : vector<16xi32>
      %parallel_loop3A_181 = tpu.vector_load_idx %arg11[%parallel_loop3A_160] : memref<512xi32, #tpu.memory_space<vmem>>[vector<16xi32>], vector<16xi32>,
      %parallel_loop3A_182 = arith.constant 53248 : i32
      %parallel_loop3A_183 = vector.broadcast %parallel_loop3A_182 : i32 to vector<16xi32>
      %parallel_loop3A_184 = arith.cmpi sge, %parallel_loop3A_181, %parallel_loop3A_183 : vector<16xi32>
      %parallel_loop3A_185 = arith.constant 64 : i32
      %parallel_loop3A_186 = arith.constant 0 : i32
      %parallel_loop3A_187 = vector.broadcast %parallel_loop3A_185 : i32 to vector<16xi32>
      %parallel_loop3A_188 = vector.broadcast %parallel_loop3A_186 : i32 to vector<16xi32>
      %parallel_loop3A_189 = arith.select %parallel_loop3A_184, %parallel_loop3A_187, %parallel_loop3A_188 : vector<16xi1>, vector<16xi32>
      %parallel_loop3A_190 = arith.addi %parallel_loop3A_189, %iota3A : vector<16xi32>
      %parallel_loop3A_191 = arith.constant 0 : i32
      %parallel_loop3A_192 = vector.broadcast %parallel_loop3A_191 : i32 to vector<16xi32>
      %parallel_loop3A_193 = arith.addi %parallel_loop3A_170, %parallel_loop3A_192 : vector<16xi32>
      %parallel_loop3A_194 = tpu.vector_load_idx %arg15[%parallel_loop3A_157, %parallel_loop3A_193] : memref<128x128xf32, #tpu.memory_space<vmem>>[vector<16xi32>, vector<16xi32>], vector<16xf32>,
      %parallel_loop3A_195 = arith.constant 0 : i32
      %parallel_loop3A_196 = vector.broadcast %parallel_loop3A_195 : i32 to vector<16xi32>
      %parallel_loop3A_197 = arith.addi %parallel_loop3A_180, %parallel_loop3A_196 : vector<16xi32>
      %parallel_loop3A_198 = tpu.vector_load_idx %arg16[%parallel_loop3A_157, %parallel_loop3A_197] : memref<128x128xf32, #tpu.memory_space<vmem>>[vector<16xi32>, vector<16xi32>], vector<16xf32>,
      %parallel_loop3A_199 = arith.constant 0 : i32
      %parallel_loop3A_200 = vector.broadcast %parallel_loop3A_199 : i32 to vector<16xi32>
      %parallel_loop3A_201 = arith.addi %parallel_loop3A_190, %parallel_loop3A_200 : vector<16xi32>
      %parallel_loop3A_202 = tpu.vector_load_idx %arg17[%parallel_loop3A_157, %parallel_loop3A_201] : memref<128x128xf32, #tpu.memory_space<vmem>>[vector<16xi32>, vector<16xi32>], vector<16xf32>,
      %parallel_loop3A_203 = arith.subf %parallel_loop3A_202, %parallel_loop3A_198 : vector<16xf32>
      %parallel_loop3A_204 = arith.mulf %parallel_loop3A_194, %parallel_loop3A_203 : vector<16xf32>
      %parallel_loop3A_205 = arith.mulf %parallel_loop3A_194, %parallel_loop3A_194 : vector<16xf32>
      %parallel_loop3A_206 = arith.mulf %parallel_loop3A_198, %parallel_loop3A_198 : vector<16xf32>
      %parallel_loop3A_207 = arith.addf %parallel_loop3A_205, %parallel_loop3A_206 : vector<16xf32>
      %parallel_loop3A_208 = arith.mulf %parallel_loop3A_202, %parallel_loop3A_202 : vector<16xf32>
      %parallel_loop3A_209 = arith.addf %parallel_loop3A_207, %parallel_loop3A_208 : vector<16xf32>
      %parallel_loop3A_210 = arith.addf %parallel_loop3A_156, %parallel_loop3A_209 : vector<16xf32>
      %parallel_loop3A_211 = arith.constant 16 : i32
      %parallel_loop3A_212 = vector.broadcast %parallel_loop3A_211 : i32 to vector<16xi32>
      %parallel_loop3A_213 = arith.addi %parallel_loop3A_170, %parallel_loop3A_212 : vector<16xi32>
      %parallel_loop3A_214 = tpu.vector_load_idx %arg15[%parallel_loop3A_157, %parallel_loop3A_213] : memref<128x128xf32, #tpu.memory_space<vmem>>[vector<16xi32>, vector<16xi32>], vector<16xf32>,
      %parallel_loop3A_215 = arith.constant 16 : i32
      %parallel_loop3A_216 = vector.broadcast %parallel_loop3A_215 : i32 to vector<16xi32>
      %parallel_loop3A_217 = arith.addi %parallel_loop3A_180, %parallel_loop3A_216 : vector<16xi32>
      %parallel_loop3A_218 = tpu.vector_load_idx %arg16[%parallel_loop3A_157, %parallel_loop3A_217] : memref<128x128xf32, #tpu.memory_space<vmem>>[vector<16xi32>, vector<16xi32>], vector<16xf32>,
      %parallel_loop3A_219 = arith.constant 16 : i32
      %parallel_loop3A_220 = vector.broadcast %parallel_loop3A_219 : i32 to vector<16xi32>
      %parallel_loop3A_221 = arith.addi %parallel_loop3A_190, %parallel_loop3A_220 : vector<16xi32>
      %parallel_loop3A_222 = tpu.vector_load_idx %arg17[%parallel_loop3A_157, %parallel_loop3A_221] : memref<128x128xf32, #tpu.memory_space<vmem>>[vector<16xi32>, vector<16xi32>], vector<16xf32>,
      %parallel_loop3A_223 = arith.subf %parallel_loop3A_222, %parallel_loop3A_218 : vector<16xf32>
      %parallel_loop3A_224 = arith.mulf %parallel_loop3A_214, %parallel_loop3A_223 : vector<16xf32>
      %parallel_loop3A_225 = arith.addf %parallel_loop3A_204, %parallel_loop3A_224 : vector<16xf32>
      %parallel_loop3A_226 = arith.mulf %parallel_loop3A_214, %parallel_loop3A_214 : vector<16xf32>
      %parallel_loop3A_227 = arith.mulf %parallel_loop3A_218, %parallel_loop3A_218 : vector<16xf32>
      %parallel_loop3A_228 = arith.addf %parallel_loop3A_226, %parallel_loop3A_227 : vector<16xf32>
      %parallel_loop3A_229 = arith.mulf %parallel_loop3A_222, %parallel_loop3A_222 : vector<16xf32>
      %parallel_loop3A_230 = arith.addf %parallel_loop3A_228, %parallel_loop3A_229 : vector<16xf32>
      %parallel_loop3A_231 = arith.addf %parallel_loop3A_210, %parallel_loop3A_230 : vector<16xf32>
      %parallel_loop3A_232 = arith.constant 32 : i32
      %parallel_loop3A_233 = vector.broadcast %parallel_loop3A_232 : i32 to vector<16xi32>
      %parallel_loop3A_234 = arith.addi %parallel_loop3A_170, %parallel_loop3A_233 : vector<16xi32>
      %parallel_loop3A_235 = tpu.vector_load_idx %arg15[%parallel_loop3A_157, %parallel_loop3A_234] : memref<128x128xf32, #tpu.memory_space<vmem>>[vector<16xi32>, vector<16xi32>], vector<16xf32>,
      %parallel_loop3A_236 = arith.constant 32 : i32
      %parallel_loop3A_237 = vector.broadcast %parallel_loop3A_236 : i32 to vector<16xi32>
      %parallel_loop3A_238 = arith.addi %parallel_loop3A_180, %parallel_loop3A_237 : vector<16xi32>
      %parallel_loop3A_239 = tpu.vector_load_idx %arg16[%parallel_loop3A_157, %parallel_loop3A_238] : memref<128x128xf32, #tpu.memory_space<vmem>>[vector<16xi32>, vector<16xi32>], vector<16xf32>,
      %parallel_loop3A_240 = arith.constant 32 : i32
      %parallel_loop3A_241 = vector.broadcast %parallel_loop3A_240 : i32 to vector<16xi32>
      %parallel_loop3A_242 = arith.addi %parallel_loop3A_190, %parallel_loop3A_241 : vector<16xi32>
      %parallel_loop3A_243 = tpu.vector_load_idx %arg17[%parallel_loop3A_157, %parallel_loop3A_242] : memref<128x128xf32, #tpu.memory_space<vmem>>[vector<16xi32>, vector<16xi32>], vector<16xf32>,
      %parallel_loop3A_244 = arith.subf %parallel_loop3A_243, %parallel_loop3A_239 : vector<16xf32>
      %parallel_loop3A_245 = arith.mulf %parallel_loop3A_235, %parallel_loop3A_244 : vector<16xf32>
      %parallel_loop3A_246 = arith.addf %parallel_loop3A_225, %parallel_loop3A_245 : vector<16xf32>
      %parallel_loop3A_247 = arith.mulf %parallel_loop3A_235, %parallel_loop3A_235 : vector<16xf32>
      %parallel_loop3A_248 = arith.mulf %parallel_loop3A_239, %parallel_loop3A_239 : vector<16xf32>
      %parallel_loop3A_249 = arith.addf %parallel_loop3A_247, %parallel_loop3A_248 : vector<16xf32>
      %parallel_loop3A_250 = arith.mulf %parallel_loop3A_243, %parallel_loop3A_243 : vector<16xf32>
      %parallel_loop3A_251 = arith.addf %parallel_loop3A_249, %parallel_loop3A_250 : vector<16xf32>
      %parallel_loop3A_252 = arith.addf %parallel_loop3A_231, %parallel_loop3A_251 : vector<16xf32>
      %parallel_loop3A_253 = arith.constant 48 : i32
      %parallel_loop3A_254 = vector.broadcast %parallel_loop3A_253 : i32 to vector<16xi32>
      %parallel_loop3A_255 = arith.addi %parallel_loop3A_170, %parallel_loop3A_254 : vector<16xi32>
      %parallel_loop3A_256 = tpu.vector_load_idx %arg15[%parallel_loop3A_157, %parallel_loop3A_255] : memref<128x128xf32, #tpu.memory_space<vmem>>[vector<16xi32>, vector<16xi32>], vector<16xf32>,
      %parallel_loop3A_257 = arith.constant 48 : i32
      %parallel_loop3A_258 = vector.broadcast %parallel_loop3A_257 : i32 to vector<16xi32>
      %parallel_loop3A_259 = arith.addi %parallel_loop3A_180, %parallel_loop3A_258 : vector<16xi32>
      %parallel_loop3A_260 = tpu.vector_load_idx %arg16[%parallel_loop3A_157, %parallel_loop3A_259] : memref<128x128xf32, #tpu.memory_space<vmem>>[vector<16xi32>, vector<16xi32>], vector<16xf32>,
      %parallel_loop3A_261 = arith.constant 48 : i32
      %parallel_loop3A_262 = vector.broadcast %parallel_loop3A_261 : i32 to vector<16xi32>
      %parallel_loop3A_263 = arith.addi %parallel_loop3A_190, %parallel_loop3A_262 : vector<16xi32>
      %parallel_loop3A_264 = tpu.vector_load_idx %arg17[%parallel_loop3A_157, %parallel_loop3A_263] : memref<128x128xf32, #tpu.memory_space<vmem>>[vector<16xi32>, vector<16xi32>], vector<16xf32>,
      %parallel_loop3A_265 = arith.subf %parallel_loop3A_264, %parallel_loop3A_260 : vector<16xf32>
      %parallel_loop3A_266 = arith.mulf %parallel_loop3A_256, %parallel_loop3A_265 : vector<16xf32>
      %parallel_loop3A_267 = arith.addf %parallel_loop3A_246, %parallel_loop3A_266 : vector<16xf32>
      %parallel_loop3A_268 = arith.mulf %parallel_loop3A_256, %parallel_loop3A_256 : vector<16xf32>
      %parallel_loop3A_269 = arith.mulf %parallel_loop3A_260, %parallel_loop3A_260 : vector<16xf32>
      %parallel_loop3A_270 = arith.addf %parallel_loop3A_268, %parallel_loop3A_269 : vector<16xf32>
      %parallel_loop3A_271 = arith.mulf %parallel_loop3A_264, %parallel_loop3A_264 : vector<16xf32>
      %parallel_loop3A_272 = arith.addf %parallel_loop3A_270, %parallel_loop3A_271 : vector<16xf32>
      %parallel_loop3A_273 = arith.addf %parallel_loop3A_252, %parallel_loop3A_272 : vector<16xf32>
      tpu.vector_store_idx %arg21[%iota3A, %parallel_loop3A_160], %parallel_loop3A_267 : memref<16x512xf32, #tpu.memory_space<vmem>>[vector<16xi32>, vector<16xi32>], vector<16xf32>,
      scf.yield %parallel_loop3A_273 : vector<16xf32>
    } {sc.loop_unroll_factor = 4 : i64, sc.parallel_access}
    %dma_start3A_58 = arith.constant 256 : i32
    %dma_start3A_59 = tpu.memref_slice %arg12[%dma_start3A_58] : memref<512xi32, #tpu.memory_space<vmem>> -> memref<128xi32, #tpu.memory_space<vmem>>
    %dma_start3A_60 = arith.constant 0 : i32
    %dma_start3A_61 = arith.constant 0 : i32
    %dma_start3A_62 = tpu.memref_slice %arg5[%dma_start3A_60, %dma_start3A_61] : memref<53248x128xf32, #tpu.memory_space<hbm>> -> memref<53248x128xf32, #tpu.memory_space<hbm>>
    tpu.enqueue_indirect_dma source(%dma_start3A_62 : memref<53248x128xf32, #tpu.memory_space<hbm>>) target(%arg15 : memref<128x128xf32, #tpu.memory_space<vmem>>) offsets(%dma_start3A_59 : memref<128xi32, #tpu.memory_space<vmem>>) semaphore(%arg23 : memref<!tpu.dma_semaphore, #tpu.memory_space<semaphore_mem>>)
    %dma_start3A_63 = arith.constant 256 : i32
    %dma_start3A_64 = tpu.memref_slice %arg13[%dma_start3A_63] : memref<512xi32, #tpu.memory_space<vmem>> -> memref<128xi32, #tpu.memory_space<vmem>>
    %dma_start3A_65 = arith.constant 0 : i32
    %dma_start3A_66 = arith.constant 0 : i32
    %dma_start3A_67 = tpu.memref_slice %arg6[%dma_start3A_65, %dma_start3A_66] : memref<53248x128xf32, #tpu.memory_space<hbm>> -> memref<53248x128xf32, #tpu.memory_space<hbm>>
    tpu.enqueue_indirect_dma source(%dma_start3A_67 : memref<53248x128xf32, #tpu.memory_space<hbm>>) target(%arg16 : memref<128x128xf32, #tpu.memory_space<vmem>>) offsets(%dma_start3A_64 : memref<128xi32, #tpu.memory_space<vmem>>) semaphore(%arg23 : memref<!tpu.dma_semaphore, #tpu.memory_space<semaphore_mem>>)
    %dma_start3A_68 = arith.constant 256 : i32
    %dma_start3A_69 = tpu.memref_slice %arg14[%dma_start3A_68] : memref<512xi32, #tpu.memory_space<vmem>> -> memref<128xi32, #tpu.memory_space<vmem>>
    %dma_start3A_70 = arith.constant 0 : i32
    %dma_start3A_71 = arith.constant 0 : i32
    %dma_start3A_72 = tpu.memref_slice %arg6[%dma_start3A_70, %dma_start3A_71] : memref<53248x128xf32, #tpu.memory_space<hbm>> -> memref<53248x128xf32, #tpu.memory_space<hbm>>
    tpu.enqueue_indirect_dma source(%dma_start3A_72 : memref<53248x128xf32, #tpu.memory_space<hbm>>) target(%arg17 : memref<128x128xf32, #tpu.memory_space<vmem>>) offsets(%dma_start3A_69 : memref<128xi32, #tpu.memory_space<vmem>>) semaphore(%arg23 : memref<!tpu.dma_semaphore, #tpu.memory_space<semaphore_mem>>)
    %dma_wait3A_73 = arith.constant 0 : i32
    %dma_wait3A_74 = arith.constant 0 : i32
    %dma_wait3A_75 = tpu.memref_slice %arg5[%dma_wait3A_73, %dma_wait3A_74] : memref<53248x128xf32, #tpu.memory_space<hbm>> -> memref<128x128xf32, #tpu.memory_space<hbm>>
    %dma_wait3A_76 = arith.constant 0 : i32
    %dma_wait3A_77 = arith.constant 0 : i32
    %dma_wait3A_78 = tpu.memref_slice %arg5[%dma_wait3A_76, %dma_wait3A_77] : memref<53248x128xf32, #tpu.memory_space<hbm>> -> memref<128x128xf32, #tpu.memory_space<hbm>>
    tpu.wait_dma2 semaphore(%arg24 : memref<!tpu.dma_semaphore, #tpu.memory_space<semaphore_mem>>) src(%dma_wait3A_78 : memref<128x128xf32, #tpu.memory_space<hbm>>) dst(%arg18 : memref<128x128xf32, #tpu.memory_space<vmem>>)
    %dma_wait3A_79 = arith.constant 0 : i32
    %dma_wait3A_80 = arith.constant 0 : i32
    %dma_wait3A_81 = tpu.memref_slice %arg6[%dma_wait3A_79, %dma_wait3A_80] : memref<53248x128xf32, #tpu.memory_space<hbm>> -> memref<128x128xf32, #tpu.memory_space<hbm>>
    %dma_wait3A_82 = arith.constant 0 : i32
    %dma_wait3A_83 = arith.constant 0 : i32
    %dma_wait3A_84 = tpu.memref_slice %arg6[%dma_wait3A_82, %dma_wait3A_83] : memref<53248x128xf32, #tpu.memory_space<hbm>> -> memref<128x128xf32, #tpu.memory_space<hbm>>
    tpu.wait_dma2 semaphore(%arg24 : memref<!tpu.dma_semaphore, #tpu.memory_space<semaphore_mem>>) src(%dma_wait3A_84 : memref<128x128xf32, #tpu.memory_space<hbm>>) dst(%arg19 : memref<128x128xf32, #tpu.memory_space<vmem>>)
    %dma_wait3A_85 = arith.constant 0 : i32
    %dma_wait3A_86 = arith.constant 0 : i32
    %dma_wait3A_87 = tpu.memref_slice %arg6[%dma_wait3A_85, %dma_wait3A_86] : memref<53248x128xf32, #tpu.memory_space<hbm>> -> memref<128x128xf32, #tpu.memory_space<hbm>>
    %dma_wait3A_88 = arith.constant 0 : i32
    %dma_wait3A_89 = arith.constant 0 : i32
    %dma_wait3A_90 = tpu.memref_slice %arg6[%dma_wait3A_88, %dma_wait3A_89] : memref<53248x128xf32, #tpu.memory_space<hbm>> -> memref<128x128xf32, #tpu.memory_space<hbm>>
    tpu.wait_dma2 semaphore(%arg24 : memref<!tpu.dma_semaphore, #tpu.memory_space<semaphore_mem>>) src(%dma_wait3A_90 : memref<128x128xf32, #tpu.memory_space<hbm>>) dst(%arg20 : memref<128x128xf32, #tpu.memory_space<vmem>>)
    %parallel_loop3A_91 = arith.constant 0 : i32
    %parallel_loop3A_92 = arith.constant 128 : i32
    %parallel_loop3A_93 = arith.constant 1 : i32
    %parallel_loop3A_94 = scf.for %parallel_loop3A_155 = %parallel_loop3A_91 to %parallel_loop3A_92 step %parallel_loop3A_93 iter_args(%parallel_loop3A_156 = %parallel_loop3A_57) -> (vector<16xf32>)  : i32 {
      %parallel_loop3A_157 = vector.broadcast %parallel_loop3A_155 : i32 to vector<16xi32>
      %parallel_loop3A_158 = arith.constant 128 : i32
      %parallel_loop3A_159 = vector.broadcast %parallel_loop3A_158 : i32 to vector<16xi32>
      %parallel_loop3A_160 = arith.addi %parallel_loop3A_157, %parallel_loop3A_159 : vector<16xi32>
      %parallel_loop3A_161 = tpu.vector_load_idx %arg9[%parallel_loop3A_160] : memref<512xi32, #tpu.memory_space<vmem>>[vector<16xi32>], vector<16xi32>,
      %parallel_loop3A_162 = arith.constant 53248 : i32
      %parallel_loop3A_163 = vector.broadcast %parallel_loop3A_162 : i32 to vector<16xi32>
      %parallel_loop3A_164 = arith.cmpi sge, %parallel_loop3A_161, %parallel_loop3A_163 : vector<16xi32>
      %parallel_loop3A_165 = arith.constant 64 : i32
      %parallel_loop3A_166 = arith.constant 0 : i32
      %parallel_loop3A_167 = vector.broadcast %parallel_loop3A_165 : i32 to vector<16xi32>
      %parallel_loop3A_168 = vector.broadcast %parallel_loop3A_166 : i32 to vector<16xi32>
      %parallel_loop3A_169 = arith.select %parallel_loop3A_164, %parallel_loop3A_167, %parallel_loop3A_168 : vector<16xi1>, vector<16xi32>
      %parallel_loop3A_170 = arith.addi %parallel_loop3A_169, %iota3A : vector<16xi32>
      %parallel_loop3A_171 = tpu.vector_load_idx %arg10[%parallel_loop3A_160] : memref<512xi32, #tpu.memory_space<vmem>>[vector<16xi32>], vector<16xi32>,
      %parallel_loop3A_172 = arith.constant 53248 : i32
      %parallel_loop3A_173 = vector.broadcast %parallel_loop3A_172 : i32 to vector<16xi32>
      %parallel_loop3A_174 = arith.cmpi sge, %parallel_loop3A_171, %parallel_loop3A_173 : vector<16xi32>
      %parallel_loop3A_175 = arith.constant 64 : i32
      %parallel_loop3A_176 = arith.constant 0 : i32
      %parallel_loop3A_177 = vector.broadcast %parallel_loop3A_175 : i32 to vector<16xi32>
      %parallel_loop3A_178 = vector.broadcast %parallel_loop3A_176 : i32 to vector<16xi32>
      %parallel_loop3A_179 = arith.select %parallel_loop3A_174, %parallel_loop3A_177, %parallel_loop3A_178 : vector<16xi1>, vector<16xi32>
      %parallel_loop3A_180 = arith.addi %parallel_loop3A_179, %iota3A : vector<16xi32>
      %parallel_loop3A_181 = tpu.vector_load_idx %arg11[%parallel_loop3A_160] : memref<512xi32, #tpu.memory_space<vmem>>[vector<16xi32>], vector<16xi32>,
      %parallel_loop3A_182 = arith.constant 53248 : i32
      %parallel_loop3A_183 = vector.broadcast %parallel_loop3A_182 : i32 to vector<16xi32>
      %parallel_loop3A_184 = arith.cmpi sge, %parallel_loop3A_181, %parallel_loop3A_183 : vector<16xi32>
      %parallel_loop3A_185 = arith.constant 64 : i32
      %parallel_loop3A_186 = arith.constant 0 : i32
      %parallel_loop3A_187 = vector.broadcast %parallel_loop3A_185 : i32 to vector<16xi32>
      %parallel_loop3A_188 = vector.broadcast %parallel_loop3A_186 : i32 to vector<16xi32>
      %parallel_loop3A_189 = arith.select %parallel_loop3A_184, %parallel_loop3A_187, %parallel_loop3A_188 : vector<16xi1>, vector<16xi32>
      %parallel_loop3A_190 = arith.addi %parallel_loop3A_189, %iota3A : vector<16xi32>
      %parallel_loop3A_191 = arith.constant 0 : i32
      %parallel_loop3A_192 = vector.broadcast %parallel_loop3A_191 : i32 to vector<16xi32>
      %parallel_loop3A_193 = arith.addi %parallel_loop3A_170, %parallel_loop3A_192 : vector<16xi32>
      %parallel_loop3A_194 = tpu.vector_load_idx %arg18[%parallel_loop3A_157, %parallel_loop3A_193] : memref<128x128xf32, #tpu.memory_space<vmem>>[vector<16xi32>, vector<16xi32>], vector<16xf32>,
      %parallel_loop3A_195 = arith.constant 0 : i32
      %parallel_loop3A_196 = vector.broadcast %parallel_loop3A_195 : i32 to vector<16xi32>
      %parallel_loop3A_197 = arith.addi %parallel_loop3A_180, %parallel_loop3A_196 : vector<16xi32>
      %parallel_loop3A_198 = tpu.vector_load_idx %arg19[%parallel_loop3A_157, %parallel_loop3A_197] : memref<128x128xf32, #tpu.memory_space<vmem>>[vector<16xi32>, vector<16xi32>], vector<16xf32>,
      %parallel_loop3A_199 = arith.constant 0 : i32
      %parallel_loop3A_200 = vector.broadcast %parallel_loop3A_199 : i32 to vector<16xi32>
      %parallel_loop3A_201 = arith.addi %parallel_loop3A_190, %parallel_loop3A_200 : vector<16xi32>
      %parallel_loop3A_202 = tpu.vector_load_idx %arg20[%parallel_loop3A_157, %parallel_loop3A_201] : memref<128x128xf32, #tpu.memory_space<vmem>>[vector<16xi32>, vector<16xi32>], vector<16xf32>,
      %parallel_loop3A_203 = arith.subf %parallel_loop3A_202, %parallel_loop3A_198 : vector<16xf32>
      %parallel_loop3A_204 = arith.mulf %parallel_loop3A_194, %parallel_loop3A_203 : vector<16xf32>
      %parallel_loop3A_205 = arith.mulf %parallel_loop3A_194, %parallel_loop3A_194 : vector<16xf32>
      %parallel_loop3A_206 = arith.mulf %parallel_loop3A_198, %parallel_loop3A_198 : vector<16xf32>
      %parallel_loop3A_207 = arith.addf %parallel_loop3A_205, %parallel_loop3A_206 : vector<16xf32>
      %parallel_loop3A_208 = arith.mulf %parallel_loop3A_202, %parallel_loop3A_202 : vector<16xf32>
      %parallel_loop3A_209 = arith.addf %parallel_loop3A_207, %parallel_loop3A_208 : vector<16xf32>
      %parallel_loop3A_210 = arith.addf %parallel_loop3A_156, %parallel_loop3A_209 : vector<16xf32>
      %parallel_loop3A_211 = arith.constant 16 : i32
      %parallel_loop3A_212 = vector.broadcast %parallel_loop3A_211 : i32 to vector<16xi32>
      %parallel_loop3A_213 = arith.addi %parallel_loop3A_170, %parallel_loop3A_212 : vector<16xi32>
      %parallel_loop3A_214 = tpu.vector_load_idx %arg18[%parallel_loop3A_157, %parallel_loop3A_213] : memref<128x128xf32, #tpu.memory_space<vmem>>[vector<16xi32>, vector<16xi32>], vector<16xf32>,
      %parallel_loop3A_215 = arith.constant 16 : i32
      %parallel_loop3A_216 = vector.broadcast %parallel_loop3A_215 : i32 to vector<16xi32>
      %parallel_loop3A_217 = arith.addi %parallel_loop3A_180, %parallel_loop3A_216 : vector<16xi32>
      %parallel_loop3A_218 = tpu.vector_load_idx %arg19[%parallel_loop3A_157, %parallel_loop3A_217] : memref<128x128xf32, #tpu.memory_space<vmem>>[vector<16xi32>, vector<16xi32>], vector<16xf32>,
      %parallel_loop3A_219 = arith.constant 16 : i32
      %parallel_loop3A_220 = vector.broadcast %parallel_loop3A_219 : i32 to vector<16xi32>
      %parallel_loop3A_221 = arith.addi %parallel_loop3A_190, %parallel_loop3A_220 : vector<16xi32>
      %parallel_loop3A_222 = tpu.vector_load_idx %arg20[%parallel_loop3A_157, %parallel_loop3A_221] : memref<128x128xf32, #tpu.memory_space<vmem>>[vector<16xi32>, vector<16xi32>], vector<16xf32>,
      %parallel_loop3A_223 = arith.subf %parallel_loop3A_222, %parallel_loop3A_218 : vector<16xf32>
      %parallel_loop3A_224 = arith.mulf %parallel_loop3A_214, %parallel_loop3A_223 : vector<16xf32>
      %parallel_loop3A_225 = arith.addf %parallel_loop3A_204, %parallel_loop3A_224 : vector<16xf32>
      %parallel_loop3A_226 = arith.mulf %parallel_loop3A_214, %parallel_loop3A_214 : vector<16xf32>
      %parallel_loop3A_227 = arith.mulf %parallel_loop3A_218, %parallel_loop3A_218 : vector<16xf32>
      %parallel_loop3A_228 = arith.addf %parallel_loop3A_226, %parallel_loop3A_227 : vector<16xf32>
      %parallel_loop3A_229 = arith.mulf %parallel_loop3A_222, %parallel_loop3A_222 : vector<16xf32>
      %parallel_loop3A_230 = arith.addf %parallel_loop3A_228, %parallel_loop3A_229 : vector<16xf32>
      %parallel_loop3A_231 = arith.addf %parallel_loop3A_210, %parallel_loop3A_230 : vector<16xf32>
      %parallel_loop3A_232 = arith.constant 32 : i32
      %parallel_loop3A_233 = vector.broadcast %parallel_loop3A_232 : i32 to vector<16xi32>
      %parallel_loop3A_234 = arith.addi %parallel_loop3A_170, %parallel_loop3A_233 : vector<16xi32>
      %parallel_loop3A_235 = tpu.vector_load_idx %arg18[%parallel_loop3A_157, %parallel_loop3A_234] : memref<128x128xf32, #tpu.memory_space<vmem>>[vector<16xi32>, vector<16xi32>], vector<16xf32>,
      %parallel_loop3A_236 = arith.constant 32 : i32
      %parallel_loop3A_237 = vector.broadcast %parallel_loop3A_236 : i32 to vector<16xi32>
      %parallel_loop3A_238 = arith.addi %parallel_loop3A_180, %parallel_loop3A_237 : vector<16xi32>
      %parallel_loop3A_239 = tpu.vector_load_idx %arg19[%parallel_loop3A_157, %parallel_loop3A_238] : memref<128x128xf32, #tpu.memory_space<vmem>>[vector<16xi32>, vector<16xi32>], vector<16xf32>,
      %parallel_loop3A_240 = arith.constant 32 : i32
      %parallel_loop3A_241 = vector.broadcast %parallel_loop3A_240 : i32 to vector<16xi32>
      %parallel_loop3A_242 = arith.addi %parallel_loop3A_190, %parallel_loop3A_241 : vector<16xi32>
      %parallel_loop3A_243 = tpu.vector_load_idx %arg20[%parallel_loop3A_157, %parallel_loop3A_242] : memref<128x128xf32, #tpu.memory_space<vmem>>[vector<16xi32>, vector<16xi32>], vector<16xf32>,
      %parallel_loop3A_244 = arith.subf %parallel_loop3A_243, %parallel_loop3A_239 : vector<16xf32>
      %parallel_loop3A_245 = arith.mulf %parallel_loop3A_235, %parallel_loop3A_244 : vector<16xf32>
      %parallel_loop3A_246 = arith.addf %parallel_loop3A_225, %parallel_loop3A_245 : vector<16xf32>
      %parallel_loop3A_247 = arith.mulf %parallel_loop3A_235, %parallel_loop3A_235 : vector<16xf32>
      %parallel_loop3A_248 = arith.mulf %parallel_loop3A_239, %parallel_loop3A_239 : vector<16xf32>
      %parallel_loop3A_249 = arith.addf %parallel_loop3A_247, %parallel_loop3A_248 : vector<16xf32>
      %parallel_loop3A_250 = arith.mulf %parallel_loop3A_243, %parallel_loop3A_243 : vector<16xf32>
      %parallel_loop3A_251 = arith.addf %parallel_loop3A_249, %parallel_loop3A_250 : vector<16xf32>
      %parallel_loop3A_252 = arith.addf %parallel_loop3A_231, %parallel_loop3A_251 : vector<16xf32>
      %parallel_loop3A_253 = arith.constant 48 : i32
      %parallel_loop3A_254 = vector.broadcast %parallel_loop3A_253 : i32 to vector<16xi32>
      %parallel_loop3A_255 = arith.addi %parallel_loop3A_170, %parallel_loop3A_254 : vector<16xi32>
      %parallel_loop3A_256 = tpu.vector_load_idx %arg18[%parallel_loop3A_157, %parallel_loop3A_255] : memref<128x128xf32, #tpu.memory_space<vmem>>[vector<16xi32>, vector<16xi32>], vector<16xf32>,
      %parallel_loop3A_257 = arith.constant 48 : i32
      %parallel_loop3A_258 = vector.broadcast %parallel_loop3A_257 : i32 to vector<16xi32>
      %parallel_loop3A_259 = arith.addi %parallel_loop3A_180, %parallel_loop3A_258 : vector<16xi32>
      %parallel_loop3A_260 = tpu.vector_load_idx %arg19[%parallel_loop3A_157, %parallel_loop3A_259] : memref<128x128xf32, #tpu.memory_space<vmem>>[vector<16xi32>, vector<16xi32>], vector<16xf32>,
      %parallel_loop3A_261 = arith.constant 48 : i32
      %parallel_loop3A_262 = vector.broadcast %parallel_loop3A_261 : i32 to vector<16xi32>
      %parallel_loop3A_263 = arith.addi %parallel_loop3A_190, %parallel_loop3A_262 : vector<16xi32>
      %parallel_loop3A_264 = tpu.vector_load_idx %arg20[%parallel_loop3A_157, %parallel_loop3A_263] : memref<128x128xf32, #tpu.memory_space<vmem>>[vector<16xi32>, vector<16xi32>], vector<16xf32>,
      %parallel_loop3A_265 = arith.subf %parallel_loop3A_264, %parallel_loop3A_260 : vector<16xf32>
      %parallel_loop3A_266 = arith.mulf %parallel_loop3A_256, %parallel_loop3A_265 : vector<16xf32>
      %parallel_loop3A_267 = arith.addf %parallel_loop3A_246, %parallel_loop3A_266 : vector<16xf32>
      %parallel_loop3A_268 = arith.mulf %parallel_loop3A_256, %parallel_loop3A_256 : vector<16xf32>
      %parallel_loop3A_269 = arith.mulf %parallel_loop3A_260, %parallel_loop3A_260 : vector<16xf32>
      %parallel_loop3A_270 = arith.addf %parallel_loop3A_268, %parallel_loop3A_269 : vector<16xf32>
      %parallel_loop3A_271 = arith.mulf %parallel_loop3A_264, %parallel_loop3A_264 : vector<16xf32>
      %parallel_loop3A_272 = arith.addf %parallel_loop3A_270, %parallel_loop3A_271 : vector<16xf32>
      %parallel_loop3A_273 = arith.addf %parallel_loop3A_252, %parallel_loop3A_272 : vector<16xf32>
      tpu.vector_store_idx %arg21[%iota3A, %parallel_loop3A_160], %parallel_loop3A_267 : memref<16x512xf32, #tpu.memory_space<vmem>>[vector<16xi32>, vector<16xi32>], vector<16xf32>,
      scf.yield %parallel_loop3A_273 : vector<16xf32>
    } {sc.loop_unroll_factor = 4 : i64, sc.parallel_access}
    %dma_start3A_95 = arith.constant 384 : i32
    %dma_start3A_96 = tpu.memref_slice %arg12[%dma_start3A_95] : memref<512xi32, #tpu.memory_space<vmem>> -> memref<128xi32, #tpu.memory_space<vmem>>
    %dma_start3A_97 = arith.constant 0 : i32
    %dma_start3A_98 = arith.constant 0 : i32
    %dma_start3A_99 = tpu.memref_slice %arg5[%dma_start3A_97, %dma_start3A_98] : memref<53248x128xf32, #tpu.memory_space<hbm>> -> memref<53248x128xf32, #tpu.memory_space<hbm>>
    tpu.enqueue_indirect_dma source(%dma_start3A_99 : memref<53248x128xf32, #tpu.memory_space<hbm>>) target(%arg18 : memref<128x128xf32, #tpu.memory_space<vmem>>) offsets(%dma_start3A_96 : memref<128xi32, #tpu.memory_space<vmem>>) semaphore(%arg24 : memref<!tpu.dma_semaphore, #tpu.memory_space<semaphore_mem>>)
    %dma_start3A_100 = arith.constant 384 : i32
    %dma_start3A_101 = tpu.memref_slice %arg13[%dma_start3A_100] : memref<512xi32, #tpu.memory_space<vmem>> -> memref<128xi32, #tpu.memory_space<vmem>>
    %dma_start3A_102 = arith.constant 0 : i32
    %dma_start3A_103 = arith.constant 0 : i32
    %dma_start3A_104 = tpu.memref_slice %arg6[%dma_start3A_102, %dma_start3A_103] : memref<53248x128xf32, #tpu.memory_space<hbm>> -> memref<53248x128xf32, #tpu.memory_space<hbm>>
    tpu.enqueue_indirect_dma source(%dma_start3A_104 : memref<53248x128xf32, #tpu.memory_space<hbm>>) target(%arg19 : memref<128x128xf32, #tpu.memory_space<vmem>>) offsets(%dma_start3A_101 : memref<128xi32, #tpu.memory_space<vmem>>) semaphore(%arg24 : memref<!tpu.dma_semaphore, #tpu.memory_space<semaphore_mem>>)
    %dma_start3A_105 = arith.constant 384 : i32
    %dma_start3A_106 = tpu.memref_slice %arg14[%dma_start3A_105] : memref<512xi32, #tpu.memory_space<vmem>> -> memref<128xi32, #tpu.memory_space<vmem>>
    %dma_start3A_107 = arith.constant 0 : i32
    %dma_start3A_108 = arith.constant 0 : i32
    %dma_start3A_109 = tpu.memref_slice %arg6[%dma_start3A_107, %dma_start3A_108] : memref<53248x128xf32, #tpu.memory_space<hbm>> -> memref<53248x128xf32, #tpu.memory_space<hbm>>
    tpu.enqueue_indirect_dma source(%dma_start3A_109 : memref<53248x128xf32, #tpu.memory_space<hbm>>) target(%arg20 : memref<128x128xf32, #tpu.memory_space<vmem>>) offsets(%dma_start3A_106 : memref<128xi32, #tpu.memory_space<vmem>>) semaphore(%arg24 : memref<!tpu.dma_semaphore, #tpu.memory_space<semaphore_mem>>)
    %dma_wait3A_110 = arith.constant 0 : i32
    %dma_wait3A_111 = arith.constant 0 : i32
    %dma_wait3A_112 = tpu.memref_slice %arg5[%dma_wait3A_110, %dma_wait3A_111] : memref<53248x128xf32, #tpu.memory_space<hbm>> -> memref<128x128xf32, #tpu.memory_space<hbm>>
    %dma_wait3A_113 = arith.constant 0 : i32
    %dma_wait3A_114 = arith.constant 0 : i32
    %dma_wait3A_115 = tpu.memref_slice %arg5[%dma_wait3A_113, %dma_wait3A_114] : memref<53248x128xf32, #tpu.memory_space<hbm>> -> memref<128x128xf32, #tpu.memory_space<hbm>>
    tpu.wait_dma2 semaphore(%arg23 : memref<!tpu.dma_semaphore, #tpu.memory_space<semaphore_mem>>) src(%dma_wait3A_115 : memref<128x128xf32, #tpu.memory_space<hbm>>) dst(%arg15 : memref<128x128xf32, #tpu.memory_space<vmem>>)
    %dma_wait3A_116 = arith.constant 0 : i32
    %dma_wait3A_117 = arith.constant 0 : i32
    %dma_wait3A_118 = tpu.memref_slice %arg6[%dma_wait3A_116, %dma_wait3A_117] : memref<53248x128xf32, #tpu.memory_space<hbm>> -> memref<128x128xf32, #tpu.memory_space<hbm>>
    %dma_wait3A_119 = arith.constant 0 : i32
    %dma_wait3A_120 = arith.constant 0 : i32
    %dma_wait3A_121 = tpu.memref_slice %arg6[%dma_wait3A_119, %dma_wait3A_120] : memref<53248x128xf32, #tpu.memory_space<hbm>> -> memref<128x128xf32, #tpu.memory_space<hbm>>
    tpu.wait_dma2 semaphore(%arg23 : memref<!tpu.dma_semaphore, #tpu.memory_space<semaphore_mem>>) src(%dma_wait3A_121 : memref<128x128xf32, #tpu.memory_space<hbm>>) dst(%arg16 : memref<128x128xf32, #tpu.memory_space<vmem>>)
    %dma_wait3A_122 = arith.constant 0 : i32
    %dma_wait3A_123 = arith.constant 0 : i32
    %dma_wait3A_124 = tpu.memref_slice %arg6[%dma_wait3A_122, %dma_wait3A_123] : memref<53248x128xf32, #tpu.memory_space<hbm>> -> memref<128x128xf32, #tpu.memory_space<hbm>>
    %dma_wait3A_125 = arith.constant 0 : i32
    %dma_wait3A_126 = arith.constant 0 : i32
    %dma_wait3A_127 = tpu.memref_slice %arg6[%dma_wait3A_125, %dma_wait3A_126] : memref<53248x128xf32, #tpu.memory_space<hbm>> -> memref<128x128xf32, #tpu.memory_space<hbm>>
    tpu.wait_dma2 semaphore(%arg23 : memref<!tpu.dma_semaphore, #tpu.memory_space<semaphore_mem>>) src(%dma_wait3A_127 : memref<128x128xf32, #tpu.memory_space<hbm>>) dst(%arg17 : memref<128x128xf32, #tpu.memory_space<vmem>>)
    %parallel_loop3A_128 = arith.constant 0 : i32
    %parallel_loop3A_129 = arith.constant 128 : i32
    %parallel_loop3A_130 = arith.constant 1 : i32
    %parallel_loop3A_131 = scf.for %parallel_loop3A_155 = %parallel_loop3A_128 to %parallel_loop3A_129 step %parallel_loop3A_130 iter_args(%parallel_loop3A_156 = %parallel_loop3A_94) -> (vector<16xf32>)  : i32 {
      %parallel_loop3A_157 = vector.broadcast %parallel_loop3A_155 : i32 to vector<16xi32>
      %parallel_loop3A_158 = arith.constant 256 : i32
      %parallel_loop3A_159 = vector.broadcast %parallel_loop3A_158 : i32 to vector<16xi32>
      %parallel_loop3A_160 = arith.addi %parallel_loop3A_157, %parallel_loop3A_159 : vector<16xi32>
      %parallel_loop3A_161 = tpu.vector_load_idx %arg9[%parallel_loop3A_160] : memref<512xi32, #tpu.memory_space<vmem>>[vector<16xi32>], vector<16xi32>,
      %parallel_loop3A_162 = arith.constant 53248 : i32
      %parallel_loop3A_163 = vector.broadcast %parallel_loop3A_162 : i32 to vector<16xi32>
      %parallel_loop3A_164 = arith.cmpi sge, %parallel_loop3A_161, %parallel_loop3A_163 : vector<16xi32>
      %parallel_loop3A_165 = arith.constant 64 : i32
      %parallel_loop3A_166 = arith.constant 0 : i32
      %parallel_loop3A_167 = vector.broadcast %parallel_loop3A_165 : i32 to vector<16xi32>
      %parallel_loop3A_168 = vector.broadcast %parallel_loop3A_166 : i32 to vector<16xi32>
      %parallel_loop3A_169 = arith.select %parallel_loop3A_164, %parallel_loop3A_167, %parallel_loop3A_168 : vector<16xi1>, vector<16xi32>
      %parallel_loop3A_170 = arith.addi %parallel_loop3A_169, %iota3A : vector<16xi32>
      %parallel_loop3A_171 = tpu.vector_load_idx %arg10[%parallel_loop3A_160] : memref<512xi32, #tpu.memory_space<vmem>>[vector<16xi32>], vector<16xi32>,
      %parallel_loop3A_172 = arith.constant 53248 : i32
      %parallel_loop3A_173 = vector.broadcast %parallel_loop3A_172 : i32 to vector<16xi32>
      %parallel_loop3A_174 = arith.cmpi sge, %parallel_loop3A_171, %parallel_loop3A_173 : vector<16xi32>
      %parallel_loop3A_175 = arith.constant 64 : i32
      %parallel_loop3A_176 = arith.constant 0 : i32
      %parallel_loop3A_177 = vector.broadcast %parallel_loop3A_175 : i32 to vector<16xi32>
      %parallel_loop3A_178 = vector.broadcast %parallel_loop3A_176 : i32 to vector<16xi32>
      %parallel_loop3A_179 = arith.select %parallel_loop3A_174, %parallel_loop3A_177, %parallel_loop3A_178 : vector<16xi1>, vector<16xi32>
      %parallel_loop3A_180 = arith.addi %parallel_loop3A_179, %iota3A : vector<16xi32>
      %parallel_loop3A_181 = tpu.vector_load_idx %arg11[%parallel_loop3A_160] : memref<512xi32, #tpu.memory_space<vmem>>[vector<16xi32>], vector<16xi32>,
      %parallel_loop3A_182 = arith.constant 53248 : i32
      %parallel_loop3A_183 = vector.broadcast %parallel_loop3A_182 : i32 to vector<16xi32>
      %parallel_loop3A_184 = arith.cmpi sge, %parallel_loop3A_181, %parallel_loop3A_183 : vector<16xi32>
      %parallel_loop3A_185 = arith.constant 64 : i32
      %parallel_loop3A_186 = arith.constant 0 : i32
      %parallel_loop3A_187 = vector.broadcast %parallel_loop3A_185 : i32 to vector<16xi32>
      %parallel_loop3A_188 = vector.broadcast %parallel_loop3A_186 : i32 to vector<16xi32>
      %parallel_loop3A_189 = arith.select %parallel_loop3A_184, %parallel_loop3A_187, %parallel_loop3A_188 : vector<16xi1>, vector<16xi32>
      %parallel_loop3A_190 = arith.addi %parallel_loop3A_189, %iota3A : vector<16xi32>
      %parallel_loop3A_191 = arith.constant 0 : i32
      %parallel_loop3A_192 = vector.broadcast %parallel_loop3A_191 : i32 to vector<16xi32>
      %parallel_loop3A_193 = arith.addi %parallel_loop3A_170, %parallel_loop3A_192 : vector<16xi32>
      %parallel_loop3A_194 = tpu.vector_load_idx %arg15[%parallel_loop3A_157, %parallel_loop3A_193] : memref<128x128xf32, #tpu.memory_space<vmem>>[vector<16xi32>, vector<16xi32>], vector<16xf32>,
      %parallel_loop3A_195 = arith.constant 0 : i32
      %parallel_loop3A_196 = vector.broadcast %parallel_loop3A_195 : i32 to vector<16xi32>
      %parallel_loop3A_197 = arith.addi %parallel_loop3A_180, %parallel_loop3A_196 : vector<16xi32>
      %parallel_loop3A_198 = tpu.vector_load_idx %arg16[%parallel_loop3A_157, %parallel_loop3A_197] : memref<128x128xf32, #tpu.memory_space<vmem>>[vector<16xi32>, vector<16xi32>], vector<16xf32>,
      %parallel_loop3A_199 = arith.constant 0 : i32
      %parallel_loop3A_200 = vector.broadcast %parallel_loop3A_199 : i32 to vector<16xi32>
      %parallel_loop3A_201 = arith.addi %parallel_loop3A_190, %parallel_loop3A_200 : vector<16xi32>
      %parallel_loop3A_202 = tpu.vector_load_idx %arg17[%parallel_loop3A_157, %parallel_loop3A_201] : memref<128x128xf32, #tpu.memory_space<vmem>>[vector<16xi32>, vector<16xi32>], vector<16xf32>,
      %parallel_loop3A_203 = arith.subf %parallel_loop3A_202, %parallel_loop3A_198 : vector<16xf32>
      %parallel_loop3A_204 = arith.mulf %parallel_loop3A_194, %parallel_loop3A_203 : vector<16xf32>
      %parallel_loop3A_205 = arith.mulf %parallel_loop3A_194, %parallel_loop3A_194 : vector<16xf32>
      %parallel_loop3A_206 = arith.mulf %parallel_loop3A_198, %parallel_loop3A_198 : vector<16xf32>
      %parallel_loop3A_207 = arith.addf %parallel_loop3A_205, %parallel_loop3A_206 : vector<16xf32>
      %parallel_loop3A_208 = arith.mulf %parallel_loop3A_202, %parallel_loop3A_202 : vector<16xf32>
      %parallel_loop3A_209 = arith.addf %parallel_loop3A_207, %parallel_loop3A_208 : vector<16xf32>
      %parallel_loop3A_210 = arith.addf %parallel_loop3A_156, %parallel_loop3A_209 : vector<16xf32>
      %parallel_loop3A_211 = arith.constant 16 : i32
      %parallel_loop3A_212 = vector.broadcast %parallel_loop3A_211 : i32 to vector<16xi32>
      %parallel_loop3A_213 = arith.addi %parallel_loop3A_170, %parallel_loop3A_212 : vector<16xi32>
      %parallel_loop3A_214 = tpu.vector_load_idx %arg15[%parallel_loop3A_157, %parallel_loop3A_213] : memref<128x128xf32, #tpu.memory_space<vmem>>[vector<16xi32>, vector<16xi32>], vector<16xf32>,
      %parallel_loop3A_215 = arith.constant 16 : i32
      %parallel_loop3A_216 = vector.broadcast %parallel_loop3A_215 : i32 to vector<16xi32>
      %parallel_loop3A_217 = arith.addi %parallel_loop3A_180, %parallel_loop3A_216 : vector<16xi32>
      %parallel_loop3A_218 = tpu.vector_load_idx %arg16[%parallel_loop3A_157, %parallel_loop3A_217] : memref<128x128xf32, #tpu.memory_space<vmem>>[vector<16xi32>, vector<16xi32>], vector<16xf32>,
      %parallel_loop3A_219 = arith.constant 16 : i32
      %parallel_loop3A_220 = vector.broadcast %parallel_loop3A_219 : i32 to vector<16xi32>
      %parallel_loop3A_221 = arith.addi %parallel_loop3A_190, %parallel_loop3A_220 : vector<16xi32>
      %parallel_loop3A_222 = tpu.vector_load_idx %arg17[%parallel_loop3A_157, %parallel_loop3A_221] : memref<128x128xf32, #tpu.memory_space<vmem>>[vector<16xi32>, vector<16xi32>], vector<16xf32>,
      %parallel_loop3A_223 = arith.subf %parallel_loop3A_222, %parallel_loop3A_218 : vector<16xf32>
      %parallel_loop3A_224 = arith.mulf %parallel_loop3A_214, %parallel_loop3A_223 : vector<16xf32>
      %parallel_loop3A_225 = arith.addf %parallel_loop3A_204, %parallel_loop3A_224 : vector<16xf32>
      %parallel_loop3A_226 = arith.mulf %parallel_loop3A_214, %parallel_loop3A_214 : vector<16xf32>
      %parallel_loop3A_227 = arith.mulf %parallel_loop3A_218, %parallel_loop3A_218 : vector<16xf32>
      %parallel_loop3A_228 = arith.addf %parallel_loop3A_226, %parallel_loop3A_227 : vector<16xf32>
      %parallel_loop3A_229 = arith.mulf %parallel_loop3A_222, %parallel_loop3A_222 : vector<16xf32>
      %parallel_loop3A_230 = arith.addf %parallel_loop3A_228, %parallel_loop3A_229 : vector<16xf32>
      %parallel_loop3A_231 = arith.addf %parallel_loop3A_210, %parallel_loop3A_230 : vector<16xf32>
      %parallel_loop3A_232 = arith.constant 32 : i32
      %parallel_loop3A_233 = vector.broadcast %parallel_loop3A_232 : i32 to vector<16xi32>
      %parallel_loop3A_234 = arith.addi %parallel_loop3A_170, %parallel_loop3A_233 : vector<16xi32>
      %parallel_loop3A_235 = tpu.vector_load_idx %arg15[%parallel_loop3A_157, %parallel_loop3A_234] : memref<128x128xf32, #tpu.memory_space<vmem>>[vector<16xi32>, vector<16xi32>], vector<16xf32>,
      %parallel_loop3A_236 = arith.constant 32 : i32
      %parallel_loop3A_237 = vector.broadcast %parallel_loop3A_236 : i32 to vector<16xi32>
      %parallel_loop3A_238 = arith.addi %parallel_loop3A_180, %parallel_loop3A_237 : vector<16xi32>
      %parallel_loop3A_239 = tpu.vector_load_idx %arg16[%parallel_loop3A_157, %parallel_loop3A_238] : memref<128x128xf32, #tpu.memory_space<vmem>>[vector<16xi32>, vector<16xi32>], vector<16xf32>,
      %parallel_loop3A_240 = arith.constant 32 : i32
      %parallel_loop3A_241 = vector.broadcast %parallel_loop3A_240 : i32 to vector<16xi32>
      %parallel_loop3A_242 = arith.addi %parallel_loop3A_190, %parallel_loop3A_241 : vector<16xi32>
      %parallel_loop3A_243 = tpu.vector_load_idx %arg17[%parallel_loop3A_157, %parallel_loop3A_242] : memref<128x128xf32, #tpu.memory_space<vmem>>[vector<16xi32>, vector<16xi32>], vector<16xf32>,
      %parallel_loop3A_244 = arith.subf %parallel_loop3A_243, %parallel_loop3A_239 : vector<16xf32>
      %parallel_loop3A_245 = arith.mulf %parallel_loop3A_235, %parallel_loop3A_244 : vector<16xf32>
      %parallel_loop3A_246 = arith.addf %parallel_loop3A_225, %parallel_loop3A_245 : vector<16xf32>
      %parallel_loop3A_247 = arith.mulf %parallel_loop3A_235, %parallel_loop3A_235 : vector<16xf32>
      %parallel_loop3A_248 = arith.mulf %parallel_loop3A_239, %parallel_loop3A_239 : vector<16xf32>
      %parallel_loop3A_249 = arith.addf %parallel_loop3A_247, %parallel_loop3A_248 : vector<16xf32>
      %parallel_loop3A_250 = arith.mulf %parallel_loop3A_243, %parallel_loop3A_243 : vector<16xf32>
      %parallel_loop3A_251 = arith.addf %parallel_loop3A_249, %parallel_loop3A_250 : vector<16xf32>
      %parallel_loop3A_252 = arith.addf %parallel_loop3A_231, %parallel_loop3A_251 : vector<16xf32>
      %parallel_loop3A_253 = arith.constant 48 : i32
      %parallel_loop3A_254 = vector.broadcast %parallel_loop3A_253 : i32 to vector<16xi32>
      %parallel_loop3A_255 = arith.addi %parallel_loop3A_170, %parallel_loop3A_254 : vector<16xi32>
      %parallel_loop3A_256 = tpu.vector_load_idx %arg15[%parallel_loop3A_157, %parallel_loop3A_255] : memref<128x128xf32, #tpu.memory_space<vmem>>[vector<16xi32>, vector<16xi32>], vector<16xf32>,
      %parallel_loop3A_257 = arith.constant 48 : i32
      %parallel_loop3A_258 = vector.broadcast %parallel_loop3A_257 : i32 to vector<16xi32>
      %parallel_loop3A_259 = arith.addi %parallel_loop3A_180, %parallel_loop3A_258 : vector<16xi32>
      %parallel_loop3A_260 = tpu.vector_load_idx %arg16[%parallel_loop3A_157, %parallel_loop3A_259] : memref<128x128xf32, #tpu.memory_space<vmem>>[vector<16xi32>, vector<16xi32>], vector<16xf32>,
      %parallel_loop3A_261 = arith.constant 48 : i32
      %parallel_loop3A_262 = vector.broadcast %parallel_loop3A_261 : i32 to vector<16xi32>
      %parallel_loop3A_263 = arith.addi %parallel_loop3A_190, %parallel_loop3A_262 : vector<16xi32>
      %parallel_loop3A_264 = tpu.vector_load_idx %arg17[%parallel_loop3A_157, %parallel_loop3A_263] : memref<128x128xf32, #tpu.memory_space<vmem>>[vector<16xi32>, vector<16xi32>], vector<16xf32>,
      %parallel_loop3A_265 = arith.subf %parallel_loop3A_264, %parallel_loop3A_260 : vector<16xf32>
      %parallel_loop3A_266 = arith.mulf %parallel_loop3A_256, %parallel_loop3A_265 : vector<16xf32>
      %parallel_loop3A_267 = arith.addf %parallel_loop3A_246, %parallel_loop3A_266 : vector<16xf32>
      %parallel_loop3A_268 = arith.mulf %parallel_loop3A_256, %parallel_loop3A_256 : vector<16xf32>
      %parallel_loop3A_269 = arith.mulf %parallel_loop3A_260, %parallel_loop3A_260 : vector<16xf32>
      %parallel_loop3A_270 = arith.addf %parallel_loop3A_268, %parallel_loop3A_269 : vector<16xf32>
      %parallel_loop3A_271 = arith.mulf %parallel_loop3A_264, %parallel_loop3A_264 : vector<16xf32>
      %parallel_loop3A_272 = arith.addf %parallel_loop3A_270, %parallel_loop3A_271 : vector<16xf32>
      %parallel_loop3A_273 = arith.addf %parallel_loop3A_252, %parallel_loop3A_272 : vector<16xf32>
      tpu.vector_store_idx %arg21[%iota3A, %parallel_loop3A_160], %parallel_loop3A_267 : memref<16x512xf32, #tpu.memory_space<vmem>>[vector<16xi32>, vector<16xi32>], vector<16xf32>,
      scf.yield %parallel_loop3A_273 : vector<16xf32>
    } {sc.loop_unroll_factor = 4 : i64, sc.parallel_access}
    %dma_wait3A_132 = arith.constant 0 : i32
    %dma_wait3A_133 = arith.constant 0 : i32
    %dma_wait3A_134 = tpu.memref_slice %arg5[%dma_wait3A_132, %dma_wait3A_133] : memref<53248x128xf32, #tpu.memory_space<hbm>> -> memref<128x128xf32, #tpu.memory_space<hbm>>
    %dma_wait3A_135 = arith.constant 0 : i32
    %dma_wait3A_136 = arith.constant 0 : i32
    %dma_wait3A_137 = tpu.memref_slice %arg5[%dma_wait3A_135, %dma_wait3A_136] : memref<53248x128xf32, #tpu.memory_space<hbm>> -> memref<128x128xf32, #tpu.memory_space<hbm>>
    tpu.wait_dma2 semaphore(%arg24 : memref<!tpu.dma_semaphore, #tpu.memory_space<semaphore_mem>>) src(%dma_wait3A_137 : memref<128x128xf32, #tpu.memory_space<hbm>>) dst(%arg18 : memref<128x128xf32, #tpu.memory_space<vmem>>)
    %dma_wait3A_138 = arith.constant 0 : i32
    %dma_wait3A_139 = arith.constant 0 : i32
    %dma_wait3A_140 = tpu.memref_slice %arg6[%dma_wait3A_138, %dma_wait3A_139] : memref<53248x128xf32, #tpu.memory_space<hbm>> -> memref<128x128xf32, #tpu.memory_space<hbm>>
    %dma_wait3A_141 = arith.constant 0 : i32
    %dma_wait3A_142 = arith.constant 0 : i32
    %dma_wait3A_143 = tpu.memref_slice %arg6[%dma_wait3A_141, %dma_wait3A_142] : memref<53248x128xf32, #tpu.memory_space<hbm>> -> memref<128x128xf32, #tpu.memory_space<hbm>>
    tpu.wait_dma2 semaphore(%arg24 : memref<!tpu.dma_semaphore, #tpu.memory_space<semaphore_mem>>) src(%dma_wait3A_143 : memref<128x128xf32, #tpu.memory_space<hbm>>) dst(%arg19 : memref<128x128xf32, #tpu.memory_space<vmem>>)
    %dma_wait3A_144 = arith.constant 0 : i32
    %dma_wait3A_145 = arith.constant 0 : i32
    %dma_wait3A_146 = tpu.memref_slice %arg6[%dma_wait3A_144, %dma_wait3A_145] : memref<53248x128xf32, #tpu.memory_space<hbm>> -> memref<128x128xf32, #tpu.memory_space<hbm>>
    %dma_wait3A_147 = arith.constant 0 : i32
    %dma_wait3A_148 = arith.constant 0 : i32
    %dma_wait3A_149 = tpu.memref_slice %arg6[%dma_wait3A_147, %dma_wait3A_148] : memref<53248x128xf32, #tpu.memory_space<hbm>> -> memref<128x128xf32, #tpu.memory_space<hbm>>
    tpu.wait_dma2 semaphore(%arg24 : memref<!tpu.dma_semaphore, #tpu.memory_space<semaphore_mem>>) src(%dma_wait3A_149 : memref<128x128xf32, #tpu.memory_space<hbm>>) dst(%arg20 : memref<128x128xf32, #tpu.memory_space<vmem>>)
    %parallel_loop3A_150 = arith.constant 0 : i32
    %parallel_loop3A_151 = arith.constant 128 : i32
    %parallel_loop3A_152 = arith.constant 1 : i32
    %parallel_loop3A_153 = scf.for %parallel_loop3A_155 = %parallel_loop3A_150 to %parallel_loop3A_151 step %parallel_loop3A_152 iter_args(%parallel_loop3A_156 = %parallel_loop3A_131) -> (vector<16xf32>)  : i32 {
      %parallel_loop3A_157 = vector.broadcast %parallel_loop3A_155 : i32 to vector<16xi32>
      %parallel_loop3A_158 = arith.constant 384 : i32
      %parallel_loop3A_159 = vector.broadcast %parallel_loop3A_158 : i32 to vector<16xi32>
      %parallel_loop3A_160 = arith.addi %parallel_loop3A_157, %parallel_loop3A_159 : vector<16xi32>
      %parallel_loop3A_161 = tpu.vector_load_idx %arg9[%parallel_loop3A_160] : memref<512xi32, #tpu.memory_space<vmem>>[vector<16xi32>], vector<16xi32>,
      %parallel_loop3A_162 = arith.constant 53248 : i32
      %parallel_loop3A_163 = vector.broadcast %parallel_loop3A_162 : i32 to vector<16xi32>
      %parallel_loop3A_164 = arith.cmpi sge, %parallel_loop3A_161, %parallel_loop3A_163 : vector<16xi32>
      %parallel_loop3A_165 = arith.constant 64 : i32
      %parallel_loop3A_166 = arith.constant 0 : i32
      %parallel_loop3A_167 = vector.broadcast %parallel_loop3A_165 : i32 to vector<16xi32>
      %parallel_loop3A_168 = vector.broadcast %parallel_loop3A_166 : i32 to vector<16xi32>
      %parallel_loop3A_169 = arith.select %parallel_loop3A_164, %parallel_loop3A_167, %parallel_loop3A_168 : vector<16xi1>, vector<16xi32>
      %parallel_loop3A_170 = arith.addi %parallel_loop3A_169, %iota3A : vector<16xi32>
      %parallel_loop3A_171 = tpu.vector_load_idx %arg10[%parallel_loop3A_160] : memref<512xi32, #tpu.memory_space<vmem>>[vector<16xi32>], vector<16xi32>,
      %parallel_loop3A_172 = arith.constant 53248 : i32
      %parallel_loop3A_173 = vector.broadcast %parallel_loop3A_172 : i32 to vector<16xi32>
      %parallel_loop3A_174 = arith.cmpi sge, %parallel_loop3A_171, %parallel_loop3A_173 : vector<16xi32>
      %parallel_loop3A_175 = arith.constant 64 : i32
      %parallel_loop3A_176 = arith.constant 0 : i32
      %parallel_loop3A_177 = vector.broadcast %parallel_loop3A_175 : i32 to vector<16xi32>
      %parallel_loop3A_178 = vector.broadcast %parallel_loop3A_176 : i32 to vector<16xi32>
      %parallel_loop3A_179 = arith.select %parallel_loop3A_174, %parallel_loop3A_177, %parallel_loop3A_178 : vector<16xi1>, vector<16xi32>
      %parallel_loop3A_180 = arith.addi %parallel_loop3A_179, %iota3A : vector<16xi32>
      %parallel_loop3A_181 = tpu.vector_load_idx %arg11[%parallel_loop3A_160] : memref<512xi32, #tpu.memory_space<vmem>>[vector<16xi32>], vector<16xi32>,
      %parallel_loop3A_182 = arith.constant 53248 : i32
      %parallel_loop3A_183 = vector.broadcast %parallel_loop3A_182 : i32 to vector<16xi32>
      %parallel_loop3A_184 = arith.cmpi sge, %parallel_loop3A_181, %parallel_loop3A_183 : vector<16xi32>
      %parallel_loop3A_185 = arith.constant 64 : i32
      %parallel_loop3A_186 = arith.constant 0 : i32
      %parallel_loop3A_187 = vector.broadcast %parallel_loop3A_185 : i32 to vector<16xi32>
      %parallel_loop3A_188 = vector.broadcast %parallel_loop3A_186 : i32 to vector<16xi32>
      %parallel_loop3A_189 = arith.select %parallel_loop3A_184, %parallel_loop3A_187, %parallel_loop3A_188 : vector<16xi1>, vector<16xi32>
      %parallel_loop3A_190 = arith.addi %parallel_loop3A_189, %iota3A : vector<16xi32>
      %parallel_loop3A_191 = arith.constant 0 : i32
      %parallel_loop3A_192 = vector.broadcast %parallel_loop3A_191 : i32 to vector<16xi32>
      %parallel_loop3A_193 = arith.addi %parallel_loop3A_170, %parallel_loop3A_192 : vector<16xi32>
      %parallel_loop3A_194 = tpu.vector_load_idx %arg18[%parallel_loop3A_157, %parallel_loop3A_193] : memref<128x128xf32, #tpu.memory_space<vmem>>[vector<16xi32>, vector<16xi32>], vector<16xf32>,
      %parallel_loop3A_195 = arith.constant 0 : i32
      %parallel_loop3A_196 = vector.broadcast %parallel_loop3A_195 : i32 to vector<16xi32>
      %parallel_loop3A_197 = arith.addi %parallel_loop3A_180, %parallel_loop3A_196 : vector<16xi32>
      %parallel_loop3A_198 = tpu.vector_load_idx %arg19[%parallel_loop3A_157, %parallel_loop3A_197] : memref<128x128xf32, #tpu.memory_space<vmem>>[vector<16xi32>, vector<16xi32>], vector<16xf32>,
      %parallel_loop3A_199 = arith.constant 0 : i32
      %parallel_loop3A_200 = vector.broadcast %parallel_loop3A_199 : i32 to vector<16xi32>
      %parallel_loop3A_201 = arith.addi %parallel_loop3A_190, %parallel_loop3A_200 : vector<16xi32>
      %parallel_loop3A_202 = tpu.vector_load_idx %arg20[%parallel_loop3A_157, %parallel_loop3A_201] : memref<128x128xf32, #tpu.memory_space<vmem>>[vector<16xi32>, vector<16xi32>], vector<16xf32>,
      %parallel_loop3A_203 = arith.subf %parallel_loop3A_202, %parallel_loop3A_198 : vector<16xf32>
      %parallel_loop3A_204 = arith.mulf %parallel_loop3A_194, %parallel_loop3A_203 : vector<16xf32>
      %parallel_loop3A_205 = arith.mulf %parallel_loop3A_194, %parallel_loop3A_194 : vector<16xf32>
      %parallel_loop3A_206 = arith.mulf %parallel_loop3A_198, %parallel_loop3A_198 : vector<16xf32>
      %parallel_loop3A_207 = arith.addf %parallel_loop3A_205, %parallel_loop3A_206 : vector<16xf32>
      %parallel_loop3A_208 = arith.mulf %parallel_loop3A_202, %parallel_loop3A_202 : vector<16xf32>
      %parallel_loop3A_209 = arith.addf %parallel_loop3A_207, %parallel_loop3A_208 : vector<16xf32>
      %parallel_loop3A_210 = arith.addf %parallel_loop3A_156, %parallel_loop3A_209 : vector<16xf32>
      %parallel_loop3A_211 = arith.constant 16 : i32
      %parallel_loop3A_212 = vector.broadcast %parallel_loop3A_211 : i32 to vector<16xi32>
      %parallel_loop3A_213 = arith.addi %parallel_loop3A_170, %parallel_loop3A_212 : vector<16xi32>
      %parallel_loop3A_214 = tpu.vector_load_idx %arg18[%parallel_loop3A_157, %parallel_loop3A_213] : memref<128x128xf32, #tpu.memory_space<vmem>>[vector<16xi32>, vector<16xi32>], vector<16xf32>,
      %parallel_loop3A_215 = arith.constant 16 : i32
      %parallel_loop3A_216 = vector.broadcast %parallel_loop3A_215 : i32 to vector<16xi32>
      %parallel_loop3A_217 = arith.addi %parallel_loop3A_180, %parallel_loop3A_216 : vector<16xi32>
      %parallel_loop3A_218 = tpu.vector_load_idx %arg19[%parallel_loop3A_157, %parallel_loop3A_217] : memref<128x128xf32, #tpu.memory_space<vmem>>[vector<16xi32>, vector<16xi32>], vector<16xf32>,
      %parallel_loop3A_219 = arith.constant 16 : i32
      %parallel_loop3A_220 = vector.broadcast %parallel_loop3A_219 : i32 to vector<16xi32>
      %parallel_loop3A_221 = arith.addi %parallel_loop3A_190, %parallel_loop3A_220 : vector<16xi32>
      %parallel_loop3A_222 = tpu.vector_load_idx %arg20[%parallel_loop3A_157, %parallel_loop3A_221] : memref<128x128xf32, #tpu.memory_space<vmem>>[vector<16xi32>, vector<16xi32>], vector<16xf32>,
      %parallel_loop3A_223 = arith.subf %parallel_loop3A_222, %parallel_loop3A_218 : vector<16xf32>
      %parallel_loop3A_224 = arith.mulf %parallel_loop3A_214, %parallel_loop3A_223 : vector<16xf32>
      %parallel_loop3A_225 = arith.addf %parallel_loop3A_204, %parallel_loop3A_224 : vector<16xf32>
      %parallel_loop3A_226 = arith.mulf %parallel_loop3A_214, %parallel_loop3A_214 : vector<16xf32>
      %parallel_loop3A_227 = arith.mulf %parallel_loop3A_218, %parallel_loop3A_218 : vector<16xf32>
      %parallel_loop3A_228 = arith.addf %parallel_loop3A_226, %parallel_loop3A_227 : vector<16xf32>
      %parallel_loop3A_229 = arith.mulf %parallel_loop3A_222, %parallel_loop3A_222 : vector<16xf32>
      %parallel_loop3A_230 = arith.addf %parallel_loop3A_228, %parallel_loop3A_229 : vector<16xf32>
      %parallel_loop3A_231 = arith.addf %parallel_loop3A_210, %parallel_loop3A_230 : vector<16xf32>
      %parallel_loop3A_232 = arith.constant 32 : i32
      %parallel_loop3A_233 = vector.broadcast %parallel_loop3A_232 : i32 to vector<16xi32>
      %parallel_loop3A_234 = arith.addi %parallel_loop3A_170, %parallel_loop3A_233 : vector<16xi32>
      %parallel_loop3A_235 = tpu.vector_load_idx %arg18[%parallel_loop3A_157, %parallel_loop3A_234] : memref<128x128xf32, #tpu.memory_space<vmem>>[vector<16xi32>, vector<16xi32>], vector<16xf32>,
      %parallel_loop3A_236 = arith.constant 32 : i32
      %parallel_loop3A_237 = vector.broadcast %parallel_loop3A_236 : i32 to vector<16xi32>
      %parallel_loop3A_238 = arith.addi %parallel_loop3A_180, %parallel_loop3A_237 : vector<16xi32>
      %parallel_loop3A_239 = tpu.vector_load_idx %arg19[%parallel_loop3A_157, %parallel_loop3A_238] : memref<128x128xf32, #tpu.memory_space<vmem>>[vector<16xi32>, vector<16xi32>], vector<16xf32>,
      %parallel_loop3A_240 = arith.constant 32 : i32
      %parallel_loop3A_241 = vector.broadcast %parallel_loop3A_240 : i32 to vector<16xi32>
      %parallel_loop3A_242 = arith.addi %parallel_loop3A_190, %parallel_loop3A_241 : vector<16xi32>
      %parallel_loop3A_243 = tpu.vector_load_idx %arg20[%parallel_loop3A_157, %parallel_loop3A_242] : memref<128x128xf32, #tpu.memory_space<vmem>>[vector<16xi32>, vector<16xi32>], vector<16xf32>,
      %parallel_loop3A_244 = arith.subf %parallel_loop3A_243, %parallel_loop3A_239 : vector<16xf32>
      %parallel_loop3A_245 = arith.mulf %parallel_loop3A_235, %parallel_loop3A_244 : vector<16xf32>
      %parallel_loop3A_246 = arith.addf %parallel_loop3A_225, %parallel_loop3A_245 : vector<16xf32>
      %parallel_loop3A_247 = arith.mulf %parallel_loop3A_235, %parallel_loop3A_235 : vector<16xf32>
      %parallel_loop3A_248 = arith.mulf %parallel_loop3A_239, %parallel_loop3A_239 : vector<16xf32>
      %parallel_loop3A_249 = arith.addf %parallel_loop3A_247, %parallel_loop3A_248 : vector<16xf32>
      %parallel_loop3A_250 = arith.mulf %parallel_loop3A_243, %parallel_loop3A_243 : vector<16xf32>
      %parallel_loop3A_251 = arith.addf %parallel_loop3A_249, %parallel_loop3A_250 : vector<16xf32>
      %parallel_loop3A_252 = arith.addf %parallel_loop3A_231, %parallel_loop3A_251 : vector<16xf32>
      %parallel_loop3A_253 = arith.constant 48 : i32
      %parallel_loop3A_254 = vector.broadcast %parallel_loop3A_253 : i32 to vector<16xi32>
      %parallel_loop3A_255 = arith.addi %parallel_loop3A_170, %parallel_loop3A_254 : vector<16xi32>
      %parallel_loop3A_256 = tpu.vector_load_idx %arg18[%parallel_loop3A_157, %parallel_loop3A_255] : memref<128x128xf32, #tpu.memory_space<vmem>>[vector<16xi32>, vector<16xi32>], vector<16xf32>,
      %parallel_loop3A_257 = arith.constant 48 : i32
      %parallel_loop3A_258 = vector.broadcast %parallel_loop3A_257 : i32 to vector<16xi32>
      %parallel_loop3A_259 = arith.addi %parallel_loop3A_180, %parallel_loop3A_258 : vector<16xi32>
      %parallel_loop3A_260 = tpu.vector_load_idx %arg19[%parallel_loop3A_157, %parallel_loop3A_259] : memref<128x128xf32, #tpu.memory_space<vmem>>[vector<16xi32>, vector<16xi32>], vector<16xf32>,
      %parallel_loop3A_261 = arith.constant 48 : i32
      %parallel_loop3A_262 = vector.broadcast %parallel_loop3A_261 : i32 to vector<16xi32>
      %parallel_loop3A_263 = arith.addi %parallel_loop3A_190, %parallel_loop3A_262 : vector<16xi32>
      %parallel_loop3A_264 = tpu.vector_load_idx %arg20[%parallel_loop3A_157, %parallel_loop3A_263] : memref<128x128xf32, #tpu.memory_space<vmem>>[vector<16xi32>, vector<16xi32>], vector<16xf32>,
      %parallel_loop3A_265 = arith.subf %parallel_loop3A_264, %parallel_loop3A_260 : vector<16xf32>
      %parallel_loop3A_266 = arith.mulf %parallel_loop3A_256, %parallel_loop3A_265 : vector<16xf32>
      %parallel_loop3A_267 = arith.addf %parallel_loop3A_246, %parallel_loop3A_266 : vector<16xf32>
      %parallel_loop3A_268 = arith.mulf %parallel_loop3A_256, %parallel_loop3A_256 : vector<16xf32>
      %parallel_loop3A_269 = arith.mulf %parallel_loop3A_260, %parallel_loop3A_260 : vector<16xf32>
      %parallel_loop3A_270 = arith.addf %parallel_loop3A_268, %parallel_loop3A_269 : vector<16xf32>
      %parallel_loop3A_271 = arith.mulf %parallel_loop3A_264, %parallel_loop3A_264 : vector<16xf32>
      %parallel_loop3A_272 = arith.addf %parallel_loop3A_270, %parallel_loop3A_271 : vector<16xf32>
      %parallel_loop3A_273 = arith.addf %parallel_loop3A_252, %parallel_loop3A_272 : vector<16xf32>
      tpu.vector_store_idx %arg21[%iota3A, %parallel_loop3A_160], %parallel_loop3A_267 : memref<16x512xf32, #tpu.memory_space<vmem>>[vector<16xi32>, vector<16xi32>], vector<16xf32>,
      scf.yield %parallel_loop3A_273 : vector<16xf32>
    } {sc.loop_unroll_factor = 4 : i64, sc.parallel_access}
    "tpu.region"() ({
      %run_scoped3A = tpu.sem_alloc : memref<!tpu.dma_semaphore, #tpu.memory_space<semaphore_mem>>
      %dma_start3A_155 = arith.constant 0 : i32
      %dma_start3A_156 = tpu.memref_slice %arg7[%dma_start3A_155, %mul3A_2] : memref<16x16384xf32, #tpu.memory_space<hbm>> -> memref<16x512xf32, #tpu.memory_space<hbm>>
      %dma_start3A_157 = arith.constant 0 : i32
      %dma_start3A_158 = tpu.memref_slice %arg7[%dma_start3A_157, %mul3A_2] : memref<16x16384xf32, #tpu.memory_space<hbm>> -> memref<16x512xf32, #tpu.memory_space<hbm>>
      tpu.enqueue_dma source(%arg21 : memref<16x512xf32, #tpu.memory_space<vmem>>) target(%dma_start3A_158 : memref<16x512xf32, #tpu.memory_space<hbm>>) target_semaphore(%run_scoped3A : memref<!tpu.dma_semaphore, #tpu.memory_space<semaphore_mem>>)
      %dma_wait3A_159 = arith.constant 0 : i32
      %dma_wait3A_160 = tpu.memref_slice %arg7[%dma_wait3A_159, %mul3A_2] : memref<16x16384xf32, #tpu.memory_space<hbm>> -> memref<16x512xf32, #tpu.memory_space<hbm>>
      %dma_wait3A_161 = arith.constant 0 : i32
      %dma_wait3A_162 = tpu.memref_slice %arg7[%dma_wait3A_161, %mul3A_2] : memref<16x16384xf32, #tpu.memory_space<hbm>> -> memref<16x512xf32, #tpu.memory_space<hbm>>
      tpu.wait_dma2 semaphore(%run_scoped3A : memref<!tpu.dma_semaphore, #tpu.memory_space<semaphore_mem>>) src(%arg21 : memref<16x512xf32, #tpu.memory_space<vmem>>) dst(%dma_wait3A_162 : memref<16x512xf32, #tpu.memory_space<hbm>>)
      tpu.yield
    }) : () -> ()
    %swap3A = arith.constant 0 : index
    %swap3A_154 = tpu.vector_load %arg22[%swap3A] {strides = array<i32>} : memref<16xf32, #tpu.memory_space<vmem>>, vector<16xf32>,
    tpu.vector_store %arg22[%swap3A], %parallel_loop3A_153 {strides = array<i32>} : memref<16xf32, #tpu.memory_space<vmem>>, vector<16xf32>,
    "tpu.region"() ({
      %run_scoped3A = tpu.sem_alloc : memref<!tpu.dma_semaphore, #tpu.memory_space<semaphore_mem>>
      %dma_start3A_155 = arith.constant 0 : i32
      %dma_start3A_156 = tpu.memref_slice %arg8[%add3A, %dma_start3A_155] : memref<32x16xf32, #tpu.memory_space<hbm>> -> memref<1x16xf32, #tpu.memory_space<hbm>>
      %dma_start3A_157 = tpu.memref_squeeze %dma_start3A_156 : memref<1x16xf32, #tpu.memory_space<hbm>> -> memref<16xf32, #tpu.memory_space<hbm>>
      %dma_start3A_158 = arith.constant 0 : i32
      %dma_start3A_159 = tpu.memref_slice %arg8[%add3A, %dma_start3A_158] : memref<32x16xf32, #tpu.memory_space<hbm>> -> memref<1x16xf32, #tpu.memory_space<hbm>>
      %dma_start3A_160 = tpu.memref_squeeze %dma_start3A_159 : memref<1x16xf32, #tpu.memory_space<hbm>> -> memref<16xf32, #tpu.memory_space<hbm>>
      tpu.enqueue_dma source(%arg22 : memref<16xf32, #tpu.memory_space<vmem>>) target(%dma_start3A_160 : memref<16xf32, #tpu.memory_space<hbm>>) target_semaphore(%run_scoped3A : memref<!tpu.dma_semaphore, #tpu.memory_space<semaphore_mem>>)
      %dma_wait3A_161 = arith.constant 0 : i32
      %dma_wait3A_162 = tpu.memref_slice %arg8[%add3A, %dma_wait3A_161] : memref<32x16xf32, #tpu.memory_space<hbm>> -> memref<1x16xf32, #tpu.memory_space<hbm>>
      %dma_wait3A_163 = tpu.memref_squeeze %dma_wait3A_162 : memref<1x16xf32, #tpu.memory_space<hbm>> -> memref<16xf32, #tpu.memory_space<hbm>>
      %dma_wait3A_164 = arith.constant 0 : i32
      %dma_wait3A_165 = tpu.memref_slice %arg8[%add3A, %dma_wait3A_164] : memref<32x16xf32, #tpu.memory_space<hbm>> -> memref<1x16xf32, #tpu.memory_space<hbm>>
      %dma_wait3A_166 = tpu.memref_squeeze %dma_wait3A_165 : memref<1x16xf32, #tpu.memory_space<hbm>> -> memref<16xf32, #tpu.memory_space<hbm>>
      tpu.wait_dma2 semaphore(%run_scoped3A : memref<!tpu.dma_semaphore, #tpu.memory_space<semaphore_mem>>) src(%arg22 : memref<16xf32, #tpu.memory_space<vmem>>) dst(%dma_wait3A_166 : memref<16xf32, #tpu.memory_space<hbm>>)
      tpu.yield
    }) : () -> ()
    return
  }
}

module attributes {stable_mosaic.version = 14 : i64} {
  func.func @tc_body(%arg0: memref<16x16384xf32, #tpu.memory_space<vmem>>, %arg1: memref<32x16xf32, #tpu.memory_space<vmem>>, %arg2: memref<1x1xf32, #tpu.memory_space<smem>>, %arg3: memref<1x1xf32, #tpu.memory_space<smem>>) attributes {dimension_semantics = [], scalar_prefetch = 0 : i64, scratch_operands = 0 : i64, tpu.core_type = #tpu.core_type<tc>} {
    %get3A = arith.constant 0 : index
    %get3A_0 = arith.constant 0 : index
    %get3A_1 = vector.load %arg0[%get3A, %get3A_0] : memref<16x16384xf32, #tpu.memory_space<vmem>>, vector<16x16384xf32>
    %reduce_sum3A = arith.constant dense<0.000000e+00> : vector<16384xf32>
    %reduce_sum3A_2 = vector.multi_reduction <add>, %get3A_1, %reduce_sum3A [0] : vector<16x16384xf32> to vector<16384xf32>
    %custom_jvp_call3A = arith.constant 0.000000e+00 : f32
    %max3A = vector.broadcast %custom_jvp_call3A : f32 to vector<16384xf32>
    %max3A_3 = arith.maximumf %reduce_sum3A_2, %max3A : vector<16384xf32>
    %sub3A = vector.broadcast %custom_jvp_call3A : f32 to vector<16384xf32>
    %sub3A_4 = arith.subf %reduce_sum3A_2, %sub3A : vector<16384xf32>
    %ne3A = arith.cmpf one, %sub3A_4, %sub3A_4 : vector<16384xf32>
    %add3A = vector.broadcast %custom_jvp_call3A : f32 to vector<16384xf32>
    %add3A_5 = arith.addf %reduce_sum3A_2, %add3A : vector<16384xf32>
    %abs3A = math.absf %sub3A_4 : vector<16384xf32>
    %neg3A = arith.constant 0.000000e+00 : f32
    %neg3A_6 = vector.broadcast %neg3A : f32 to vector<16384xf32>
    %neg3A_7 = arith.subf %neg3A_6, %abs3A : vector<16384xf32>
    %exp3A = math.exp %neg3A_7 : vector<16384xf32>
    %log1p3A = math.log1p %exp3A : vector<16384xf32>
    %add3A_8 = arith.addf %max3A_3, %log1p3A : vector<16384xf32>
    %select_n3A = arith.select %ne3A, %add3A_5, %add3A_8 : vector<16384xi1>, vector<16384xf32>
    %reduce_sum3A_9 = vector.shape_cast %select_n3A : vector<16384xf32> to vector<1x16384xf32>
    %reduce_sum3A_10 = arith.constant dense<0.000000e+00> : vector<1xf32>
    %reduce_sum3A_11 = vector.multi_reduction <add>, %reduce_sum3A_9, %reduce_sum3A_10 [1] : vector<1x16384xf32> to vector<1xf32>
    %reduce_sum3A_12 = vector.shape_cast %reduce_sum3A_11 : vector<1xf32> to vector<1x1xf32>
    %reduce_sum3A_13 = vector.extract %reduce_sum3A_12[0, 0] : f32 from vector<1x1xf32>
    %div3A = arith.constant 1.638400e+04 : f32
    %div3A_14 = arith.divf %reduce_sum3A_13, %div3A : f32
    %swap3A = arith.constant 0 : index
    %swap3A_15 = arith.constant 0 : index
    %swap3A_16 = memref.load %arg2[%swap3A, %swap3A_15] : memref<1x1xf32, #tpu.memory_space<smem>>
    memref.store %div3A_14, %arg2[%swap3A, %swap3A_15] : memref<1x1xf32, #tpu.memory_space<smem>>
    %get3A_17 = arith.constant 0 : index
    %get3A_18 = arith.constant 0 : index
    %get3A_19 = vector.load %arg1[%get3A_17, %get3A_18] : memref<32x16xf32, #tpu.memory_space<vmem>>, vector<32x16xf32>
    %reduce_sum3A_20 = vector.shape_cast %get3A_19 : vector<32x16xf32> to vector<1x32x16xf32>
    %reduce_sum3A_21 = arith.constant dense<0.000000e+00> : vector<1xf32>
    %reduce_sum3A_22 = vector.multi_reduction <add>, %reduce_sum3A_20, %reduce_sum3A_21 [1, 2] : vector<1x32x16xf32> to vector<1xf32>
    %reduce_sum3A_23 = vector.shape_cast %reduce_sum3A_22 : vector<1xf32> to vector<1x1x1xf32>
    %reduce_sum3A_24 = vector.extract %reduce_sum3A_23[0, 0, 0] : f32 from vector<1x1x1xf32>
    %mul3A = arith.constant 5.000000e-01 : f32
    %mul3A_25 = arith.mulf %mul3A, %reduce_sum3A_24 : f32
    %div3A_26 = arith.constant 1.638400e+04 : f32
    %div3A_27 = arith.divf %mul3A_25, %div3A_26 : f32
    %swap3A_28 = arith.constant 0 : index
    %swap3A_29 = arith.constant 0 : index
    %swap3A_30 = memref.load %arg3[%swap3A_28, %swap3A_29] : memref<1x1xf32, #tpu.memory_space<smem>>
    memref.store %div3A_27, %arg3[%swap3A_28, %swap3A_29] : memref<1x1xf32, #tpu.memory_space<smem>>
    return
  }
}

module attributes {stable_mosaic.version = 14 : i64} {
  func.func @pack_body(%arg0: i32, %arg1: memref<64x4096xf32, #tpu.memory_space<vmem>>, %arg2: memref<64x4096xf32, #tpu.memory_space<vmem>>, %arg3: memref<64x4096xf32, #tpu.memory_space<vmem>>, %arg4: memref<64x4096xf32, #tpu.memory_space<vmem>>, %arg5: memref<64x4096xf32, #tpu.memory_space<vmem>>, %arg6: memref<64x4096xf32, #tpu.memory_space<vmem>>, %arg7: memref<64x4096xf32, #tpu.memory_space<vmem>>, %arg8: memref<64x4096xf32, #tpu.memory_space<vmem>>, %arg9: memref<4096x128xf32, #tpu.memory_space<vmem>>, %arg10: memref<4096x128xf32, #tpu.memory_space<vmem>>) attributes {dimension_semantics = [#tpu.dimension_semantics<arbitrary>], iteration_bounds = array<i64: 13>, scalar_prefetch = 0 : i64, scratch_operands = 0 : i64, tpu.core_type = #tpu.core_type<tc>, window_params = [{transform_indices = @transform_0, window_bounds = array<i64: 64, 4096>}, {transform_indices = @transform_1, window_bounds = array<i64: 64, 4096>}, {transform_indices = @transform_2, window_bounds = array<i64: 64, 4096>}, {transform_indices = @transform_3, window_bounds = array<i64: 64, 4096>}, {transform_indices = @transform_4, window_bounds = array<i64: 64, 4096>}, {transform_indices = @transform_5, window_bounds = array<i64: 64, 4096>}, {transform_indices = @transform_6, window_bounds = array<i64: 64, 4096>}, {transform_indices = @transform_7, window_bounds = array<i64: 64, 4096>}, {transform_indices = @transform_8, window_bounds = array<i64: 4096, 128>}, {transform_indices = @transform_9, window_bounds = array<i64: 4096, 128>}]} {
    %get3A = arith.constant 0 : index
    %get3A_0 = arith.constant 0 : index
    %get3A_1 = vector.load %arg1[%get3A, %get3A_0] : memref<64x4096xf32, #tpu.memory_space<vmem>>, vector<64x4096xf32>
    %get3A_2 = arith.constant 0 : index
    %get3A_3 = arith.constant 0 : index
    %get3A_4 = vector.load %arg3[%get3A_2, %get3A_3] : memref<64x4096xf32, #tpu.memory_space<vmem>>, vector<64x4096xf32>
    %get3A_5 = arith.constant 0 : index
    %get3A_6 = arith.constant 0 : index
    %get3A_7 = vector.load %arg5[%get3A_5, %get3A_6] : memref<64x4096xf32, #tpu.memory_space<vmem>>, vector<64x4096xf32>
    %add3A = arith.addf %get3A_4, %get3A_7 : vector<64x4096xf32>
    %mul3A = arith.constant 5.000000e-01 : f32
    %mul3A_8 = vector.broadcast %mul3A : f32 to vector<64x4096xf32>
    %mul3A_9 = arith.mulf %mul3A_8, %add3A : vector<64x4096xf32>
    %add3A_10 = arith.addf %get3A_1, %mul3A_9 : vector<64x4096xf32>
    %get3A_11 = arith.constant 0 : index
    %get3A_12 = arith.constant 0 : index
    %get3A_13 = vector.load %arg2[%get3A_11, %get3A_12] : memref<64x4096xf32, #tpu.memory_space<vmem>>, vector<64x4096xf32>
    %get3A_14 = arith.constant 0 : index
    %get3A_15 = arith.constant 0 : index
    %get3A_16 = vector.load %arg4[%get3A_14, %get3A_15] : memref<64x4096xf32, #tpu.memory_space<vmem>>, vector<64x4096xf32>
    %get3A_17 = arith.constant 0 : index
    %get3A_18 = arith.constant 0 : index
    %get3A_19 = vector.load %arg6[%get3A_17, %get3A_18] : memref<64x4096xf32, #tpu.memory_space<vmem>>, vector<64x4096xf32>
    %add3A_20 = arith.addf %get3A_16, %get3A_19 : vector<64x4096xf32>
    %mul3A_21 = arith.constant 5.000000e-01 : f32
    %mul3A_22 = vector.broadcast %mul3A_21 : f32 to vector<64x4096xf32>
    %mul3A_23 = arith.mulf %mul3A_22, %add3A_20 : vector<64x4096xf32>
    %add3A_24 = arith.addf %get3A_13, %mul3A_23 : vector<64x4096xf32>
    %transpose3A = tpu.transpose %add3A_10, [1, 0] : vector<64x4096xf32> -> vector<4096x64xf32>
    %transpose3A_25 = tpu.transpose %add3A_24, [1, 0] : vector<64x4096xf32> -> vector<4096x64xf32>
    %concatenate3A = tpu.concatenate %transpose3A, %transpose3A_25 in 1 : vector<4096x64xf32>, vector<4096x64xf32> -> vector<4096x128xf32>
    %swap3A = arith.constant 0 : index
    %swap3A_26 = arith.constant 0 : index
    %swap3A_27 = vector.load %arg9[%swap3A, %swap3A_26] : memref<4096x128xf32, #tpu.memory_space<vmem>>, vector<4096x128xf32>
    tpu.vector_store %arg9[%swap3A, %swap3A_26], %concatenate3A {strides = array<i32>} : memref<4096x128xf32, #tpu.memory_space<vmem>>, vector<4096x128xf32>,
    %get3A_28 = arith.constant 0 : index
    %get3A_29 = arith.constant 0 : index
    %get3A_30 = vector.load %arg7[%get3A_28, %get3A_29] : memref<64x4096xf32, #tpu.memory_space<vmem>>, vector<64x4096xf32>
    %transpose3A_31 = tpu.transpose %get3A_30, [1, 0] : vector<64x4096xf32> -> vector<4096x64xf32>
    %get3A_32 = arith.constant 0 : index
    %get3A_33 = arith.constant 0 : index
    %get3A_34 = vector.load %arg8[%get3A_32, %get3A_33] : memref<64x4096xf32, #tpu.memory_space<vmem>>, vector<64x4096xf32>
    %transpose3A_35 = tpu.transpose %get3A_34, [1, 0] : vector<64x4096xf32> -> vector<4096x64xf32>
    %concatenate3A_36 = tpu.concatenate %transpose3A_31, %transpose3A_35 in 1 : vector<4096x64xf32>, vector<4096x64xf32> -> vector<4096x128xf32>
    %swap3A_37 = arith.constant 0 : index
    %swap3A_38 = arith.constant 0 : index
    %swap3A_39 = vector.load %arg10[%swap3A_37, %swap3A_38] : memref<4096x128xf32, #tpu.memory_space<vmem>>, vector<4096x128xf32>
    tpu.vector_store %arg10[%swap3A_37, %swap3A_38], %concatenate3A_36 {strides = array<i32>} : memref<4096x128xf32, #tpu.memory_space<vmem>>, vector<4096x128xf32>,
    return
  }
  func.func @transform_0(%arg0: i32) -> (i32, i32) {
    %c0_i32 = arith.constant 0 : i32
    %c0_i32_0 = arith.constant 0 : i32
    return %c0_i32, %arg0 : i32, i32
  }
  func.func @transform_1(%arg0: i32) -> (i32, i32) {
    %add3A = arith.constant 13 : i32
    %add3A_0 = arith.addi %arg0, %add3A : i32
    %min3A = arith.constant 24 : i32
    %min3A_1 = arith.minsi %add3A_0, %min3A : i32
    %c0_i32 = arith.constant 0 : i32
    %c0_i32_2 = arith.constant 0 : i32
    return %c0_i32, %min3A_1 : i32, i32
  }
  func.func @transform_2(%arg0: i32) -> (i32, i32) {
    %c0_i32 = arith.constant 0 : i32
    %c0_i32_0 = arith.constant 0 : i32
    return %c0_i32, %arg0 : i32, i32
  }
  func.func @transform_3(%arg0: i32) -> (i32, i32) {
    %add3A = arith.constant 13 : i32
    %add3A_0 = arith.addi %arg0, %add3A : i32
    %min3A = arith.constant 24 : i32
    %min3A_1 = arith.minsi %add3A_0, %min3A : i32
    %c0_i32 = arith.constant 0 : i32
    %c0_i32_2 = arith.constant 0 : i32
    return %c0_i32, %min3A_1 : i32, i32
  }
  func.func @transform_4(%arg0: i32) -> (i32, i32) {
    %c0_i32 = arith.constant 0 : i32
    %c0_i32_0 = arith.constant 0 : i32
    return %c0_i32, %arg0 : i32, i32
  }
  func.func @transform_5(%arg0: i32) -> (i32, i32) {
    %add3A = arith.constant 13 : i32
    %add3A_0 = arith.addi %arg0, %add3A : i32
    %min3A = arith.constant 24 : i32
    %min3A_1 = arith.minsi %add3A_0, %min3A : i32
    %c0_i32 = arith.constant 0 : i32
    %c0_i32_2 = arith.constant 0 : i32
    return %c0_i32, %min3A_1 : i32, i32
  }
  func.func @transform_6(%arg0: i32) -> (i32, i32) {
    %c0_i32 = arith.constant 0 : i32
    %c0_i32_0 = arith.constant 0 : i32
    return %c0_i32, %arg0 : i32, i32
  }
  func.func @transform_7(%arg0: i32) -> (i32, i32) {
    %add3A = arith.constant 13 : i32
    %add3A_0 = arith.addi %arg0, %add3A : i32
    %min3A = arith.constant 24 : i32
    %min3A_1 = arith.minsi %add3A_0, %min3A : i32
    %c0_i32 = arith.constant 0 : i32
    %c0_i32_2 = arith.constant 0 : i32
    return %c0_i32, %min3A_1 : i32, i32
  }
  func.func @transform_8(%arg0: i32) -> (i32, i32) {
    %c0_i32 = arith.constant 0 : i32
    %c0_i32_0 = arith.constant 0 : i32
    return %arg0, %c0_i32 : i32, i32
  }
  func.func @transform_9(%arg0: i32) -> (i32, i32) {
    %c0_i32 = arith.constant 0 : i32
    %c0_i32_0 = arith.constant 0 : i32
    return %arg0, %c0_i32 : i32, i32
  }
}

</mosaic_0001>

<sc_bundles>
// kernel: kernel.5.cloned.1.call-start
scs
__scs_entry_jumppad:
0x0: {  	(pc) =	sbr.rel $0x88, $3  }
0x1: {  	(tag) =	ssettag $0x0;
	lr =	simm.s32 $0x1  }
0x2: {  	[smem:$0x3F9A] =	sst lr;
	_ =	strace $0xD0000000  }
0x3: {  	_ = 	snop  }
0x4: {  	_ = 	snop  }
0x5: {  	_ = 	snop  }
0x6: {  	_ = 	snop  }
0x7: {  	_ = 	snop  }
__scs_overlays_trampoline_lowered:
0x8: {  	[smem:$0x3FA9] =	sst s0  }
0x9: {  	[smem:$0x3FAA] =	sst s1  }
0xa: {  	[smem:$0x3FAB] =	sst s2  }
0xb: {  	[smem:$0x3FAC] =	sst s3  }
0xc: {  	[smem:$0x3FAD] =	sst s4  }
0xd: {  	[smem:$0x3FAE] =	sst s5  }
0xe: {  	[smem:$0x3FAF] =	sst s6  }
0xf: {  	[smem:$0x3FB0] =	sst s7  }
0x10: {  	[smem:$0x3FB1] =	sst s8  }
0x11: {  	[smem:$0x3FB2] =	sst s9;
	s0 =	simm.s32 @!p0 $0x0  }
0x12: {  	s1 =	sld [smem:$0x3F98];
	s0 =	simm.s32 @p0 $0x1  }
0x13: {  	[smem:$0x3FB3] =	sst s0;
	s0 =	simm.s32 @!p1 $0x0  }
0x14: {  	s2 =	sld [smem:$0x3F97];
	s0 =	simm.s32 @p1 $0x1  }
0x15: {  	[smem:$0x3FB4] =	sst s0;
	s0 =	simm.s32 @!p2 $0x0  }
0x16: {  	s3 =	sld [smem:$0x3FDB];
	s0 =	simm.s32 @p2 $0x1  }
0x17: {  	s4 =	simm.s32 $0x1BF5;
	[smem:$0x3FB6] =	sst s0  }
0x18: {  	s0 =	sld [smem:$0x3F99];
	_ =	swait.ge [sflag:s4], $0x0  }
0x19: {  	s7 =	sld [smem:$0x3F9A]  }
0x1a: {  	s8 =	sadd.s32 $0xFFFFE003, lr  }
0x1b: {  	s9 =	sadd.s32 $0xFFFFFEF7, lr;
	s5 =	simm.s32 $0xFFFFFFFF;
	p2 =	slt.u32 s8, $0xFFFFF086  }
0x1c: {  	p1 =	slt.u32 s9, $0xF7A;
	s5 =	simm.s32 @!p2 $0x0  }
0x1d: {  	s5 =	simm.s32 @p1 $0x1;
	p0 =	seq.s32 s7, s2  }
0x1e: {  	s7 =	smul.u32 @!p0 $0xF7A, s2;
	p2 =	seq.s32 @!p0 s5, $0x0  }
0x1f: {  	s9 =	smul.u32 $0xF7A, s1;
	s8 =	simm.s32 @!p0 $0x1BF5;
	p2 =	por !p2, p0  }
0x20: {  	[sflag:s8] =	ssyncset.s32 @!p0 $0xFFFFF086;
	s6 =	sadd.s32 @!p0 s3, s7;
	s7 =	simm.s32 @!p0 $0x108  }
0x21: {  	s3 =	sadd.s32 s3, s9;
	s6 =	sadd.s32 @!p0 $0x88, s6;
	s7 =	simm.s32 @p2 $0x1082  }
0x22: {  	[simem:s7], [sflag:s8] =	dma.local @!p0 [hbm:s6], $0xF7A  }
0x23: {  	s9 =	sor.u32 $0xD0000000, s2;
	s6 =	simm.s32 $0x108;
	_ =	swait.ge @!p0 [sflag:s8], $0x0  }
0x24: {  	s3 =	sadd.s32 $0x88, s3;
	s6 =	simm.s32 @!p1 $0x1082;
	[sflag:s4] =	ssyncset.s32 $0xFFFFF086  }
0x25: {  	[simem:s6], [sflag:s4] =	dma.local [hbm:s3], $0xF7A  }
0x26: {  	[smem:$0x3F9A] =	sst s1;
	(tag) =	ssettag s2;
	_ =	strace s9  }
0x27: {  	s1 =	sld [smem:$0x3FAA]  }
0x28: {  	s2 =	sld [smem:$0x3FAB]  }
0x29: {  	s4 =	sld [smem:$0x3FAD]  }
0x2a: {  	p0 =	seq.s32 s5, $0x0;
	s5 =	sld [smem:$0x3FAE]  }
0x2b: {  	s6 =	sld [smem:$0x3FAF]  }
0x2c: {  	s7 =	sld [smem:$0x3FB0]  }
0x2d: {  	s3 =	simm.s32 $0x108;
	s8 =	sld [smem:$0x3FB1]  }
0x2e: {  	s3 =	simm.s32 @!p0 $0x1082;
	s9 =	sld [smem:$0x3FB2]  }
0x2f: {  	lr =	sadd.s32 s0, s3;
	s0 =	sld [smem:$0x3FA9]  }
0x30: {  	s3 =	sld [smem:$0x3FAC]  }
0x31: {  	[smem:$0x3FB5] =	sst s10  }
0x32: {  	s10 =	sld [smem:$0x3FB3];
	_ =	sdelay $0x3  }
0x33: {  	p0 =	seq.s32 s10, $0x1;
	s10 =	sld [smem:$0x3FB5];
	_ =	sdelay $0x3  }
0x34: {  	[smem:$0x3FB5] =	sst s10  }
0x35: {  	s10 =	sld [smem:$0x3FB4];
	_ =	sdelay $0x3  }
0x36: {  	p1 =	seq.s32 s10, $0x1;
	s10 =	sld [smem:$0x3FB5];
	_ =	sdelay $0x3  }
0x37: {  	[smem:$0x3FB5] =	sst s10  }
0x38: {  	s10 =	sld [smem:$0x3FB6]  }
0x39: {  	_ = 	snop;
	(pc) =	sbr.ind lr, $3  }
0x3a: {  	_ = 	snop  }
0x3b: {  	_ = 	snop  }
0x3c: {  	p2 =	seq.s32 s10, $0x1;
	s10 =	sld [smem:$0x3FB5]  }
0x3d: {  	_ =	shalt  }
0x3e: {  	_ =	shalt  }
0x3f: {  	_ =	shalt  }
0x40: {  	_ =	shalt  }
0x41: {  	_ =	shalt  }
0x42: {  	_ =	shalt  }
0x43: {  	_ =	shalt  }
0x44: {  	_ =	shalt  }
0x45: {  	_ =	shalt  }
0x46: {  	_ =	shalt  }
0x47: {  	_ =	shalt  }
0x48: {  	_ =	shalt  }
0x49: {  	_ =	shalt  }
0x4a: {  	_ =	shalt  }
0x4b: {  	_ =	shalt  }
0x4c: {  	_ =	shalt  }
0x4d: {  	_ =	shalt  }
0x4e: {  	_ =	shalt  }
0x4f: {  	_ =	shalt  }
0x50: {  	_ =	shalt  }
0x51: {  	_ =	shalt  }
0x52: {  	_ =	shalt  }
0x53: {  	_ =	shalt  }
0x54: {  	_ =	shalt  }
0x55: {  	_ =	shalt  }
0x56: {  	_ =	shalt  }
0x57: {  	_ =	shalt  }
0x58: {  	_ =	shalt  }
0x59: {  	_ =	shalt  }
0x5a: {  	_ =	shalt  }
0x5b: {  	_ =	shalt  }
0x5c: {  	_ =	shalt  }
0x5d: {  	_ =	shalt  }
0x5e: {  	_ =	shalt  }
0x5f: {  	_ =	shalt  }
0x60: {  	_ =	shalt  }
0x61: {  	_ =	shalt  }
0x62: {  	_ =	shalt  }
0x63: {  	_ =	shalt  }
0x64: {  	_ =	shalt  }
0x65: {  	_ =	shalt  }
0x66: {  	_ =	shalt  }
0x67: {  	_ =	shalt  }
0x68: {  	_ =	shalt  }
0x69: {  	_ =	shalt  }
0x6a: {  	_ =	shalt  }
0x6b: {  	_ =	shalt  }
0x6c: {  	_ =	shalt  }
0x6d: {  	_ =	shalt  }
0x6e: {  	_ =	shalt  }
0x6f: {  	_ =	shalt  }
0x70: {  	_ =	shalt  }
0x71: {  	_ =	shalt  }
0x72: {  	_ =	shalt  }
0x73: {  	_ =	shalt  }
0x74: {  	_ =	shalt  }
0x75: {  	_ =	shalt  }
0x76: {  	_ =	shalt  }
0x77: {  	_ =	shalt  }
0x78: {  	_ =	shalt  }
0x79: {  	_ =	shalt  }
0x7a: {  	_ =	shalt  }
0x7b: {  	_ =	shalt  }
0x7c: {  	_ =	shalt  }
0x7d: {  	_ =	shalt  }
0x7e: {  	_ =	shalt  }
0x7f: {  	_ =	shalt  }
0x80: {  	_ =	shalt  }
0x81: {  	_ =	shalt  }
0x82: {  	_ =	shalt  }
0x83: {  	_ =	shalt  }
0x84: {  	_ =	shalt  }
0x85: {  	_ =	shalt  }
0x86: {  	_ =	shalt  }
0x87: {  	_ =	shalt  }
.Lfunc_end0:
.L_simem_size_0:
called_computation_lowered:
.L_overlay_start_0:
0x88: {  	s2 =	sld [smem:$0x3FD9]  }
0x89: {  	s3 =	sld [smem:$0x3FFE];
	_ =	sdelay $0x1  }
0x8a: {  	s1 =	srdreg.scid  }
0x8b: {  	s0 =	sand.u32 $0x1, s1  }
0x8c: {  	s17 =	sshll.u32 s0, $0xA;
	s2 =	sadd.s32 s3, s2  }
0x8d: {  	s2 =	sadd.s32 s2, s17  }
0x8e: {  	[smem:$0x3FC1] =	sst s2  }
0x8f: {  	_ = 	snop  }
0x90: {  	s2 =	sld [smem:$0x3FC9]  }
0x91: {  	s18 =	sld [smem:$0x3FC8]  }
0x92: {  	s4 =	sld [smem:$0x3FC7];
	(tm) =	ssettm $0x1  }
0x93: {  	s5 =	sld [smem:$0x3FFB];
	_ =	sdelay $0x3  }
0x94: {  	_ =	strace s5  }
0x95: {  	s5 =	sld [smem:$0x3FFC];
	_ =	sdelay $0x3  }
0x96: {  	_ =	strace s5  }
0x97: {  	s5 =	sld [smem:$0x3FFD];
	_ =	sdelay $0x3  }
0x98: {  	_ =	strace s5  }
0x99: {  	_ =	strace $0x8FFFFFFF  }
0x9a: {  	s19 =	sld [smem:$0x3FDB];
	_ =	sdelay $0x1  }
0x9b: {  	s6 =	simm.s32 $_scs_section_size  }
0x9c: {  	s7 =	simm.s32 $_size__tile_overlayer_lowered;
	s8 =	simm.s32 $_tile_overlayer_lowered  }
0x9d: {  	s22 =	simm.s32 $0x1BFF;
	s21 =	sshll.u32 s8, $0x1;
	s5 =	sadd.s32 s6, s19  }
0x9e: {  	s9 =	simm.s32 $0x0;
	s20 =	sshll.u32 s7, $0x1;
	s7 =	sadd.s32 s21, s5  }
0x9f: {  	[timem:s9], [sflag:s22] =	dma.local [hbm:s7], s20  }
0xa0: {  	_ =	swait.ge [sflag:s22], s20  }
0xa1: {  	s6 =	ssub.s32 $0x0, s20;
	[sflag:s22] =	ssyncset.done $0x0  }
0xa2: {  	[sflag:s22] =	ssyncadd.s32 s6;
	_ =	sdelay $0x1  }
0xa3: {  	s23 =	simm.s32 $0x1B8B  }
0xa4: {  	_ =	swait.ge [sflag:s23], $0x1  }
0xa5: {  	[sflag:s23] =	ssyncset.done $0x0  }
0xa6: {  	s25 =	simm.s32 $0x1B8E;
	s24 =	sld [smem:$0x3FFE];
	[sflag:s23] =	ssyncadd.s32 $0xFFFFFFFF  }
0xa7: {  	s26 =	simm.s32 $execute0_lowered;
	[smem:$0x3FD2] =	sst s25  }
0xa8: {  	s7 =	sshll.u32 s26, $0x1;
	_ =	strace $0x80000046;
	[dreg:$0x1] =	wrdreg $0xFFFFFFFF  }
0xa9: {  	s28 =	simm.s32 $_size_execute0_lowered;
	s5 =	sadd.s32 s5, s7;
	[dreg:$0x0] =	wrdreg $0x0  }
0xaa: {  	s7 =	sshll.u32 s28, $0x1;
	[dreg:$0x2] =	wrdreg s5  }
0xab: {  	[dreg:$0x3] =	wrdreg s7  }
0xac: {  	[dreg:$0x4] =	wrdreg $0xC0  }
0xad: {  	_ =	task [dreg:s9], $0x5FFFF  }
0xae: {  	[dreg:$0x1] =	wrdreg $0xFFFFFFFF  }
0xaf: {  	[dreg:$0x0] =	wrdreg $0x60  }
0xb0: {  	[dreg:$0x2] =	wrdreg s2  }
0xb1: {  	[dreg:$0x3] =	wrdreg s18  }
0xb2: {  	[dreg:$0x4] =	wrdreg s4  }
0xb3: {  	[dreg:$0x5] =	wrdreg s24  }
0xb4: {  	[dreg:$0x6] =	wrdreg $0x9  }
0xb5: {  	_ =	task.clear_ibuf [dreg:s9], $0x7FFFF;
	_ =	strace $0x90000046  }
0xb6: {  	s29 =	simm.s32 $0x9;
	_ =	strace $0x80000048  }
0xb7: {  	_ =	swait.ge [sflag:s29], $0x1  }
0xb8: {  	[sflag:s29] =	ssyncadd.s32 $0xFFFFFFFF  }
0xb9: {  	_ =	strace $0x90000048  }
0xba: {  	_ =	sfence  }
0xbb: {  	s30 =	sld [smem:$0x0];
	_ =	sdelay $0x2  }
0xbc: {  	s31 =	sshll.u32 s1, $0xD;
	s1 =	sshrl.u32 s1, $0x2  }
0xbd: {  	s3 =	sand.u32 $0x4000, s31;
	s1 =	sadd.s32 s1, s30  }
0xbe: {  	s0 =	sor.u32 s3, s0;
	s1 =	sshll.u32 s1, $0x11  }
0xbf: {  	s0 =	sor.u32 s1, s0  }
0xc0: {  	s0 =	sadd.s32 $0x8F2B, s0  }
0xc1: {  	[sflag:s0] =	ssyncadd.remote.s32 $0x1  }
0xc2: {  	_ =	sfence.sel $0xFFFF  }
0xc3: {  	[dreg:$0x0] =	wrdreg $0xFFFFFFFF;
	(pc) =	sbr.abs _section_cstart, $3  }
0xc4: {  	[dreg:$0x1] =	wrdreg $0xFFFFFFFF  }
0xc5: {  	_ =	task.clear_ibuf [dreg:s9], $0x2FFFF;
	_ =	strace $0x9FFFFFFF  }
0xc6: {  	(tm) =	ssettm $0x7FFFFFFF  }
0xc7: {  	_ =	shalt  }
tec
execute0_lowered:
.L_overlay_start_1:
0x0: {  	(tag) =	ssettag $0x1  }
0x1: {  	v0 =	vimm.s32 $0x1380  }
0x2: {  	vm14 =	vcmask $0x300;
	vm13 =	vcmask $0x704;
	vm12 =	vcmask $0xB08  }
0x3: {  	vm11 =	vcmask $0xF0C;
	vm10 =	vcmask $0x1310;
	vm9 =	vcmask $0x1714  }
0x4: {  	vm8 =	vcmask $0x1B18;
	vm7 =	vcmask $0x1F1C;
	vm6 =	vcmask $0x2320  }
0x5: {  	vm5 =	vcmask $0x2724;
	vm4 =	vcmask $0x2B28;
	vm3 =	vcmask $0x2F2C  }
0x6: {  	vm2 =	vcmask $0x3330;
	vm0 =	vcmask $0x3734;
	vm1 =	vcmask $0x3B38  }
0x7: {  	v4 =	vimm.s32 $0x1780;
	v5 =	vimm.s32 $0x1B80;
	v6 =	vimm.s32 $0x1F80  }
0x8: {  	v0 =	vsel vm14, $0x0, v0;
	v4 =	vsel vm14, $0x400, v4;
	v5 =	vsel vm14, $0x800, v5  }
0x9: {  	v6 =	vsel vm14, $0xC00, v6;
	v0 =	vsel vm13, $0x80, v0;
	v4 =	vsel vm13, $0x480, v4  }
0xa: {  	v5 =	vsel vm13, $0x880, v5;
	v6 =	vsel vm13, $0xC80, v6;
	v0 =	vsel vm12, $0x100, v0  }
0xb: {  	v4 =	vsel vm12, $0x500, v4;
	v5 =	vsel vm12, $0x900, v5;
	v6 =	vsel vm12, $0xD00, v6  }
0xc: {  	s0 =	rddreg [dreg:$0x0];
	v0 =	vsel vm11, $0x180, v0;
	v4 =	vsel vm11, $0x580, v4;
	v5 =	vsel vm11, $0x980, v5  }
0xd: {  	s1 =	rddreg [dreg:$0x1];
	v6 =	vsel vm11, $0xD80, v6;
	v0 =	vsel vm10, $0x200, v0;
	v4 =	vsel vm10, $0x600, v4  }
0xe: {  	s7 =	rddreg [dreg:$0x2];
	v5 =	vsel vm10, $0xA00, v5;
	v6 =	vsel vm10, $0xE00, v6;
	v0 =	vsel vm9, $0x280, v0  }
0xf: {  	s5 =	rddreg [dreg:$0x3];
	s2 =	simm.s32 $0x0;
	s3 =	srdreg.scid;
	v4 =	vsel vm9, $0x680, v4;
	v5 =	vsel vm9, $0xA80, v5;
	v6 =	vsel vm9, $0xE80, v6  }
0x10: {  	s4 =	stileid.u32;
	s12 =	simm.s32 $0x200;
	s13 =	simm.s32 $0x400;
	v0 =	vsel vm8, $0x300, v0;
	v4 =	vsel vm8, $0x700, v4;
	v5 =	vsel vm8, $0xB00, v5  }
0x11: {  	s14 =	simm.s32 $0x80;
	s16 =	simm.s32 $0xC00;
	s18 =	simm.s32 $0x4C00;
	v6 =	vsel vm8, $0xF00, v6;
	v0 =	vsel vm7, $0x380, v0;
	v4 =	vsel vm7, $0x780, v4  }
0x12: {  	s20 =	simm.s32 $0x8C00;
	s22 =	simm.s32 $0xCC00;
	s24 =	simm.s32 $0x10C00;
	v5 =	vsel vm7, $0xB80, v5;
	v6 =	vsel vm7, $0xF80, v6;
	v0 =	vsel vm6, $0x1000, v0  }
0x13: {  	s28 =	simm.s32 $0x1;
	s29 =	simm.s32 $0x18C00;
	s21 =	simm.s32 $0x1000;
	v4 =	vsel vm6, $0x1400, v4;
	v5 =	vsel vm6, $0x1800, v5;
	v6 =	vsel vm6, $0x1C00, v6  }
0x14: {  	s23 =	simm.s32 $0x20000;
	s25 =	simm.s32 $0x1AC00;
	s30 =	simm.s32 $0x0;
	v0 =	vsel vm5, $0x1080, v0;
	v4 =	vsel vm5, $0x1480, v4;
	v5 =	vsel vm5, $0x1880, v5  }
0x15: {  	[smem:$0x7FF] =	sst s2;
	s6 =	sand.u32 $0x1, s3;
	s3 =	sadd.s32 $0x1000, s5;
	v6 =	vsel vm5, $0x1C80, v6;
	v0 =	vsel vm4, $0x1100, v0;
	v4 =	vsel vm4, $0x1500, v4  }
0x16: {  	s26 =	sshll.u32 s4, $0x1;
	s4 =	sadd.s32 $0xD1000, s5;
	_ =	strace $0x80000047;
	v5 =	vsel vm4, $0x1900, v5;
	v6 =	vsel vm4, $0x1D00, v6;
	v0 =	vsel vm3, $0x1180, v0  }
0x17: {  	s8 =	sor.u32 s6, s26;
	s6 =	ssub.s32 $0x2, s6;
	s26 =	simm.s32 $0x14C00;
	v4 =	vsel vm3, $0x1580, v4;
	v5 =	vsel vm3, $0x1980, v5;
	v6 =	vsel vm3, $0x1D80, v6  }
0x18: {  	s9 =	sshll.u32 s8, $0x9;
	s10 =	sshll.u32 s8, $0x4;
	s31 =	sshrl.u32 s6, $0x1;
	v1 =	vsel vm2, $0x1200, v0;
	v0 =	vlaneseq.u32;
	v4 =	vsel vm2, $0x1600, v4  }
0x19: {  	s8 =	sshll.u32 s8, $0x6;
	s9 =	sadd.s32 s9, s5;
	s10 =	sadd.s32 s10, s5;
	v5 =	vsel vm2, $0x1A00, v5;
	v6 =	vsel vm2, $0x1E00, v6;
	v3 =	vsel vm0, $0x1280, v1  }
0x1a: {  	s11 =	ssub.s32 s6, s31;
	s5 =	sadd.s32 s0, s8;
	s6 =	sadd.s32 s1, s8;
	v1 =	vimm.s32 $0xFFFF3000;
	v2 =	vor.u32 $0x40, v0;
	v4 =	vsel vm0, $0x1680, v4  }
0x1b: {  	s7 =	sadd.s32 s7, s8;
	s1 =	simm.s32 $0x2;
	s8 =	sadd.s32 $0x1A1000, s9;
	v5 =	vsel vm0, $0x1A80, v5;
	v6 =	vsel vm0, $0x1E80, v6;
	v3 =	vsel vm1, $0x1300, v3  }
0x1c: {  	s9 =	sadd.s32 $0x1A9000, s10;
	s10 =	smax.u32 s11, $0x1;
	s11 =	simm.s32 $0x3;
	v4 =	vsel vm1, $0x1700, v4;
	v5 =	vsel vm1, $0x1B00, v5;
	v6 =	vsel vm1, $0x1F00, v6  }
.LBB2_1:
0x1d: {  	[tilespmem:s2], [sflag:$0x3] =	stream.linear.gather [hbm4b:s5+s2], $0x200, $0x38;
	[tilespmem:$0x1AC80] =	vst v63  }
0x1e: {  	_ =	swait.ge [sflag:s11], $0x200  }
0x1f: {  	[sflag:s11] =	ssyncset.done $0x0  }
0x20: {  	[sflag:s11] =	ssyncadd.s32 $0xFFFFFE00  }
0x21: {  	[tilespmem:s12], [sflag:$0x3] =	stream.linear.gather [hbm4b:s6+s2], $0x200, $0x38;
	[tilespmem:$0x1AC80] =	vst v63  }
0x22: {  	_ =	swait.ge [sflag:s11], $0x200  }
0x23: {  	[sflag:s11] =	ssyncset.done $0x0  }
0x24: {  	[sflag:s11] =	ssyncadd.s32 $0xFFFFFE00  }
0x25: {  	[tilespmem:s13], [sflag:$0x3] =	stream.linear.gather [hbm4b:s7+s2], $0x200, $0x38;
	[tilespmem:$0x1AC80] =	vst v63  }
0x26: {  	_ =	swait.ge [sflag:s11], $0x200  }
0x27: {  	[sflag:s11] =	ssyncset.done $0x0  }
0x28: {  	s0 =	simm.s32 $0x0;
	[sflag:s11] =	ssyncadd.s32 $0xFFFFFE00  }
0x29: {  	v8 =	vld [tilespmem:s0+$0x400]  }
0x2a: {  	v9 =	vld [tilespmem:s0+$0x0]  }
0x2b: {  	v7 =	vld [tilespmem:s0+$0x200];
	_ =	sdelay $0x1  }
0x2c: {  	s15 =	simm.s32 $0x40  }
.LBB2_2:
0x2d: {  	s17 =	sshra.s32 s15, $0x2;
	p0 =	sne.s32 s15, $0x7C0;
	s15 =	sadd.s32 $0x40, s15;
	vm0 =	vlt.s32 v8, $0xD000;
	v10 =	vmov v8  }
.Ltmp0:
0x2e: {  	v8 =	vld [tilespmem:s17+$0x400];
	vm1 =	vlt.s32 v9, $0xD000;
	v14 =	vsel vm0, $0x0, v1;
	v12 =	vmov v9;
	(pc) =	sbr.rel @p0 .LBB2_2-.Ltmp0, $4  }
0x2f: {  	v9 =	vld [tilespmem:s17+$0x0];
	v13 =	vsel vm1, $0x0, v1;
	vm0 =	vlt.s32 v7, $0xD000;
	v10 =	vadd.s32 v10, v14;
	v11 =	vmovc v7  }
0x30: {  	v7 =	vld [tilespmem:s17+$0x200];
	v12 =	vadd.s32 v12, v13;
	v13 =	vsel vm0, $0x0, v1;
	[tilespmem:s0+$0xA00] =	vst v10  }
0x31: {  	[tilespmem:s0+$0x600] =	vst v12;
	v10 =	vadd.s32 v11, v13  }
0x32: {  	[tilespmem:s0+$0x800] =	vst v10;
	s0 =	smov.u32 s17  }
0x33: {  	vm0 =	vlt.s32 v8, $0xD000  }
0x34: {  	vm1 =	vlt.s32 v9, $0xD000;
	v10 =	vsel vm0, $0x0, v1  }
0x35: {  	v11 =	vsel vm1, $0x0, v1;
	vm0 =	vlt.s32 v7, $0xD000;
	v8 =	vadd.s32 v8, v10  }
0x36: {  	v9 =	vadd.s32 v9, v11;
	v10 =	vsel vm0, $0x0, v1;
	[tilespmem:s0+$0xA00] =	vst v8  }
0x37: {  	[tilespmem:s0+$0x600] =	vst v9;
	v7 =	vadd.s32 v7, v10  }
0x38: {  	s17 =	simm.s32 $0x600;
	[tilespmem:s0+$0x800] =	vst v7  }
0x39: {  	[tilespmem:s16], [sflag:$0x1] =	stream.indirect.gather [hbm4b:s3+s14], $0x80, s17, s14, $0xb8;
	[tilespmem:$0x1AC80] =	vst v63  }
0x3a: {  	s19 =	simm.s32 $0x800  }
0x3b: {  	[tilespmem:s18], [sflag:$0x1] =	stream.indirect.gather [hbm4b:s4+s14], $0x80, s19, s14, $0xb8;
	[tilespmem:$0x1AC80] =	vst v63  }
0x3c: {  	s31 =	simm.s32 $0xA00  }
0x3d: {  	[tilespmem:s20], [sflag:$0x1] =	stream.indirect.gather [hbm4b:s4+s14], $0x80, s31, s14, $0xb8;
	[tilespmem:$0x1AC80] =	vst v63  }
0x3e: {  	s15 =	simm.s32 $0x680  }
0x3f: {  	[tilespmem:s22], [sflag:$0x2] =	stream.indirect.gather [hbm4b:s3+s14], $0x80, s15, s14, $0xb8;
	[tilespmem:$0x1AC80] =	vst v63  }
0x40: {  	s17 =	simm.s32 $0x880  }
0x41: {  	[tilespmem:s24], [sflag:$0x2] =	stream.indirect.gather [hbm4b:s4+s14], $0x80, s17, s14, $0xb8;
	[tilespmem:$0x1AC80] =	vst v63  }
0x42: {  	s19 =	simm.s32 $0xA80  }
0x43: {  	[tilespmem:s26], [sflag:$0x2] =	stream.indirect.gather [hbm4b:s4+s14], $0x80, s19, s14, $0xb8;
	[tilespmem:$0x1AC80] =	vst v63  }
0x44: {  	_ =	swait.ge [sflag:s28], $0x4000  }
0x45: {  	[sflag:s28] =	ssyncset.done $0x0  }
0x46: {  	[sflag:s28] =	ssyncadd.s32 $0xFFFFC000  }
0x47: {  	s15 =	simm.s32 $0x0;
	_ =	swait.ge [sflag:s28], $0x4000  }
0x48: {  	v7 =	vmov s15;
	[sflag:s28] =	ssyncset.done $0x0  }
0x49: {  	[sflag:s28] =	ssyncadd.s32 $0xFFFFC000  }
0x4a: {  	s19 =	simm.s32 $0x3;
	_ =	swait.ge [sflag:s28], $0x4000  }
0x4b: {  	v8 =	vmov s19;
	[sflag:s28] =	ssyncset.done $0x0  }
0x4c: {  	[sflag:s28] =	ssyncadd.s32 $0xFFFFC000  }
0x4d: {  	v9 =	vld.idx.msk [tilespmem:v7+s13+$0x0], $0xffff  }
0x4e: {  	s31 =	simm.s32 $0x2;
	v10 =	vld.idx.msk [tilespmem:v7+s2+$0x0], $0xffff  }
0x4f: {  	v11 =	vmov s31;
	v12 =	vld.idx.msk [tilespmem:v7+s12+$0x0], $0xffff  }
0x50: {  	v15 =	vld.idx.msk [tilespmem:v8+s2+$0x0], $0xffff  }
0x51: {  	s17 =	simm.s32 $0x1;
	v13 =	vld.idx.msk [tilespmem:v8+s13+$0x0], $0xffff  }
0x52: {  	v17 =	vshll.u32 v11, $0x7;
	v14 =	vmov s17;
	v16 =	vld.idx.msk [tilespmem:v8+s12+$0x0], $0xffff;
	v7 =	vshll.u32 v7, $0x7  }
0x53: {  	v8 =	vshll.u32 v8, $0x7;
	vm0 =	vgt.s32 v9, $0xCFFF;
	vm1 =	vgt.s32 v10, $0xCFFF  }
0x54: {  	v18 =	vld.idx.msk [tilespmem:v11+s2+$0x0], $0xffff;
	v10 =	vsel vm0, v2, v0;
	v19 =	vsel vm1, v2, v0;
	vm0 =	vgt.s32 v12, $0xCFFF  }
0x55: {  	v9 =	vld.idx.msk [tilespmem:v11+s13+$0x0], $0xffff;
	vm1 =	vgt.s32 v15, $0xCFFF;
	v10 =	vor.u32 v7, v10;
	v12 =	vsel vm0, v2, v0  }
0x56: {  	v11 =	vld.idx.msk [tilespmem:v11+s12+$0x0], $0xffff;
	v21 =	vor.u32 v7, v19;
	vm0 =	vgt.s32 v13, $0xCFFF;
	v19 =	vsel vm1, v2, v0  }
0x57: {  	v15 =	vld.idx.msk [tilespmem:v14+s2+$0x0], $0xffff;
	v12 =	vor.u32 v7, v12;
	v7 =	vsel vm0, v2, v0;
	vm0 =	vgt.s32 v16, $0xCFFF  }
0x58: {  	v13 =	vld.idx.msk [tilespmem:v14+s13+$0x0], $0xffff;
	v22 =	vor.u32 v8, v19;
	v29 =	vor.u32 $0x30, v21;
	v42 =	vor.u32 $0x20, v21  }
0x59: {  	v43 =	vor.u32 $0x10, v21;
	v26 =	vor.u32 v8, v7;
	v7 =	vld.idx.msk [tilespmem:v14+s12+$0x0], $0xffff;
	v14 =	vshll.u32 v14, $0x7  }
0x5a: {  	v31 =	vor.u32 $0x30, v12;
	v46 =	vor.u32 $0x30, v22;
	v48 =	vor.u32 $0x20, v22;
	v34 =	vld.idx.msk [tilespmem:v10+s20+$0x0], $0xffff  }
0x5b: {  	vm1 =	vgt.s32 v9, $0xCFFF;
	v9 =	vsel vm0, v2, v0;
	vm0 =	vgt.s32 v18, $0xCFFF;
	v35 =	vld.idx.msk [tilespmem:v21+s16+$0x0], $0xffff  }
0x5c: {  	v28 =	vor.u32 v8, v9;
	v8 =	vsel vm0, v2, v0;
	vm0 =	vgt.s32 v11, $0xCFFF;
	v36 =	vld.idx.msk [tilespmem:v12+s18+$0x0], $0xffff  }
0x5d: {  	v18 =	vor.u32 $0x20, v10;
	v9 =	vsel vm0, v2, v0;
	vm0 =	vgt.s32 v15, $0xCFFF;
	v15 =	vld.idx.msk [tilespmem:v22+s16+$0x0], $0xffff  }
0x5e: {  	v50 =	vor.u32 $0x10, v22;
	v16 =	vsel vm1, v2, v0;
	vm1 =	vgt.s32 v13, $0xCFFF;
	v22 =	vld.idx.msk [tilespmem:v42+s16+$0x0], $0xffff  }
0x5f: {  	v44 =	vor.u32 $0x10, v12;
	v32 =	vor.u32 v17, v8;
	v8 =	vsel vm1, v2, v0;
	v25 =	vld.idx.msk [tilespmem:v26+s20+$0x0], $0xffff  }
0x60: {  	v45 =	vor.u32 $0x10, v10;
	v38 =	vor.u32 v14, v8;
	v8 =	vor.u32 $0x30, v10;
	v10 =	vld.idx.msk [tilespmem:v29+s16+$0x0], $0xffff  }
0x61: {  	v11 =	vor.u32 v17, v16;
	v29 =	vld.idx.msk [tilespmem:v43+s16+$0x0], $0xffff  }
0x62: {  	v21 =	vld.idx.msk [tilespmem:v18+s20+$0x0], $0xffff  }
0x63: {  	v41 =	vimm.f32 $0.0e+00;
	v18 =	vld.idx.msk [tilespmem:v31+s18+$0x0], $0xffff  }
0x64: {  	v33 =	vor.u32 $0x30, v26;
	v52 =	vor.u32 $0x20, v26;
	v54 =	vor.u32 $0x10, v26;
	v31 =	vld.idx.msk [tilespmem:v44+s18+$0x0], $0xffff  }
0x65: {  	v37 =	vor.u32 v17, v9;
	v9 =	vsel vm0, v2, v0;
	vm0 =	vgt.s32 v7, $0xCFFF;
	v30 =	vld.idx.msk [tilespmem:v28+s18+$0x0], $0xffff  }
0x66: {  	v47 =	vor.u32 $0x30, v28;
	v12 =	vor.u32 $0x20, v12;
	v7 =	vsel vm0, v2, v0;
	v16 =	vld.idx.msk [tilespmem:v11+s20+$0x0], $0xffff  }
0x67: {  	v42 =	vor.u32 $0x30, v32;
	v39 =	vor.u32 v14, v9;
	v40 =	vor.u32 v14, v7;
	v14 =	vld.idx.msk [tilespmem:v32+s16+$0x0], $0xffff  }
0x68: {  	v49 =	vor.u32 $0x20, v28;
	v57 =	vor.u32 $0x20, v32;
	v59 =	vor.u32 $0x10, v32;
	v32 =	vld.idx.msk [tilespmem:v45+s20+$0x0], $0xffff  }
0x69: {  	v53 =	vor.u32 $0x30, v11;
	v56 =	vor.u32 $0x10, v11;
	v43 =	vor.u32 $0x20, v11;
	v11 =	vld.idx.msk [tilespmem:v46+s16+$0x0], $0xffff  }
0x6a: {  	v51 =	vor.u32 $0x10, v28;
	v55 =	vor.u32 $0x30, v37;
	v60 =	vor.u32 $0x20, v37;
	v19 =	vld.idx.msk [tilespmem:v37+s18+$0x0], $0xffff  }
0x6b: {  	v26 =	vor.u32 $0x30, v39;
	v44 =	vor.u32 $0x10, v39;
	v7 =	vor.u32 s19, v3;
	v28 =	vld.idx.msk [tilespmem:v12+s18+$0x0], $0xffff  }
0x6c: {  	v58 =	vor.u32 $0x10, v40;
	v45 =	vor.u32 $0x30, v38;
	v46 =	vor.u32 $0x20, v40;
	v12 =	vld.idx.msk [tilespmem:v42+s16+$0x0], $0xffff  }
0x6d: {  	v9 =	vsub.f32 v34, v36;
	v37 =	vor.u32 $0x10, v37;
	v36 =	vmul.f32 v36, v36;
	v23 =	vld.idx.msk [tilespmem:v38+s20+$0x0], $0xffff  }
0x6e: {  	v34 =	vmul.f32 v34, v34;
	v42 =	vor.u32 $0x10, v38;
	v62 =	vmul.f32 v22, v22;
	v27 =	vld.idx.msk [tilespmem:v8+s20+$0x0], $0xffff  }
0x6f: {  	v20 =	vld.idx.msk [tilespmem:v39+s16+$0x0], $0xffff;
	v8 =	vor.u32 s17, v3;
	v39 =	vor.u32 $0x20, v39;
	v38 =	vor.u32 $0x20, v38  }
0x70: {  	v1 =	vmul.f32 v9, v35;
	v9 =	vor.u32 s31, v3;
	v35 =	vmul.f32 v35, v35  }
0x71: {  	v61 =	vmul.f32 v31, v31;
	v17 =	vsub.f32 v25, v30;
	v24 =	vld.idx.msk [tilespmem:v40+s18+$0x0], $0xffff;
	v40 =	vor.u32 $0x30, v40  }
0x72: {  	v49 =	vld.idx.msk [tilespmem:v49+s18+$0x0], $0xffff;
	v30 =	vmul.f32 v30, v30;
	v35 =	vadd.f32 v36, v35;
	v36 =	vmul.f32 v29, v29  }
0x73: {  	v44 =	vld.idx.msk [tilespmem:v44+s16+$0x0], $0xffff;
	v25 =	vmul.f32 v25, v25;
	v31 =	vsub.f32 v32, v31;
	v63 =	vmul.f32 v28, v28  }
0x74: {  	v58 =	vld.idx.msk [tilespmem:v58+s18+$0x0], $0xffff;
	v34 =	vadd.f32 v34, v35;
	v35 =	vadd.f32 v61, v36;
	v36 =	vmul.f32 v32, v32  }
0x75: {  	v46 =	vld.idx.msk [tilespmem:v46+s18+$0x0], $0xffff;
	v17 =	vmul.f32 v17, v15;
	v61 =	vadd.f32 v63, v62;
	v62 =	vmul.f32 v10, v10  }
0x76: {  	v39 =	vld.idx.msk [tilespmem:v39+s16+$0x0], $0xffff;
	v63 =	vmul.f32 v18, v18;
	v35 =	vadd.f32 v36, v35;
	v36 =	vmul.f32 v21, v21  }
0x77: {  	v41 =	vadd.f32 v34, v41;
	v13 =	vmul.f32 v24, v24;
	v34 =	vld.idx.msk [tilespmem:v40+s18+$0x0], $0xffff;
	v40 =	vmul.f32 v27, v27  }
0x78: {  	v42 =	vld.idx.msk [tilespmem:v42+s20+$0x0], $0xffff;
	v21 =	vsub.f32 v21, v28;
	v62 =	vadd.f32 v63, v62;
	v63 =	vmul.f32 v20, v20  }
0x79: {  	v26 =	vld.idx.msk [tilespmem:v26+s16+$0x0], $0xffff;
	v35 =	vadd.f32 v35, v41;
	v36 =	vadd.f32 v36, v61;
	v41 =	vmul.f32 v44, v44  }
0x7a: {  	v38 =	vld.idx.msk [tilespmem:v38+s20+$0x0], $0xffff;
	v61 =	vmul.f32 v58, v58;
	v13 =	vadd.f32 v13, v63;
	v63 =	vmul.f32 v49, v49  }
0x7b: {  	v59 =	vld.idx.msk [tilespmem:v59+s16+$0x0], $0xffff;
	v35 =	vadd.f32 v36, v35;
	v36 =	vadd.f32 v40, v62;
	v40 =	vmul.f32 v23, v23  }
0x7c: {  	v45 =	vld.idx.msk [tilespmem:v45+s20+$0x0], $0xffff;
	v41 =	vadd.f32 v61, v41;
	v61 =	vmul.f32 v39, v39;
	v62 =	vmul.f32 v46, v46  }
0x7d: {  	v37 =	vld.idx.msk [tilespmem:v37+s18+$0x0], $0xffff;
	v35 =	vadd.f32 v36, v35;
	v13 =	vadd.f32 v40, v13;
	v36 =	vmul.f32 v42, v42  }
0x7e: {  	v40 =	vld.idx.msk [tilespmem:v57+s16+$0x0], $0xffff;
	v57 =	vadd.f32 v62, v61;
	v61 =	vmul.f32 v26, v26;
	v62 =	vmul.f32 v34, v34  }
0x7f: {  	v60 =	vld.idx.msk [tilespmem:v60+s18+$0x0], $0xffff;
	v13 =	vadd.f32 v13, v35;
	v35 =	vadd.f32 v36, v41;
	v36 =	vmul.f32 v38, v38  }
0x80: {  	v41 =	vld.idx.msk [tilespmem:v56+s20+$0x0], $0xffff;
	v56 =	vadd.f32 v62, v61;
	v61 =	vmul.f32 v14, v14;
	v62 =	vmul.f32 v19, v19  }
0x81: {  	v55 =	vld.idx.msk [tilespmem:v55+s18+$0x0], $0xffff;
	v13 =	vadd.f32 v35, v13;
	v35 =	vadd.f32 v36, v57;
	v36 =	vmul.f32 v45, v45  }
0x82: {  	v43 =	vld.idx.msk [tilespmem:v43+s20+$0x0], $0xffff;
	v57 =	vadd.f32 v62, v61;
	v61 =	vmul.f32 v59, v59;
	v62 =	vmul.f32 v37, v37  }
0x83: {  	v50 =	vld.idx.msk [tilespmem:v50+s16+$0x0], $0xffff;
	v13 =	vadd.f32 v35, v13;
	v35 =	vadd.f32 v36, v56;
	v36 =	vmul.f32 v16, v16  }
0x84: {  	v53 =	vld.idx.msk [tilespmem:v53+s20+$0x0], $0xffff;
	v56 =	vadd.f32 v62, v61;
	v61 =	vmul.f32 v40, v40;
	v62 =	vmul.f32 v60, v60  }
0x85: {  	v51 =	vld.idx.msk [tilespmem:v51+s18+$0x0], $0xffff;
	v13 =	vadd.f32 v35, v13;
	v35 =	vadd.f32 v36, v57;
	v36 =	vmul.f32 v41, v41  }
0x86: {  	v57 =	vadd.f32 v62, v61;
	v61 =	vmul.f32 v12, v12;
	v62 =	vmul.f32 v55, v55  }
0x87: {  	v48 =	vld.idx.msk [tilespmem:v48+s16+$0x0], $0xffff;
	v13 =	vadd.f32 v35, v13;
	v35 =	vadd.f32 v36, v56;
	v36 =	vmul.f32 v43, v43  }
0x88: {  	v54 =	vld.idx.msk [tilespmem:v54+s20+$0x0], $0xffff;
	v23 =	vsub.f32 v23, v24;
	v56 =	vadd.f32 v62, v61;
	v61 =	vmul.f32 v15, v15  }
0x89: {  	v47 =	vld.idx.msk [tilespmem:v47+s18+$0x0], $0xffff;
	v13 =	vadd.f32 v35, v13;
	v35 =	vadd.f32 v36, v57;
	v36 =	vmul.f32 v53, v53  }
0x8a: {  	v52 =	vld.idx.msk [tilespmem:v52+s20+$0x0], $0xffff;
	v30 =	vadd.f32 v30, v61;
	v57 =	vmul.f32 v50, v50;
	v61 =	vmul.f32 v51, v51  }
0x8b: {  	v24 =	vmul.f32 v31, v29;
	v13 =	vadd.f32 v35, v13;
	v35 =	vadd.f32 v36, v56  }
0x8c: {  	v31 =	vsub.f32 v43, v60;
	v62 =	vmul.f32 v48, v48;
	v36 =	vld.idx.msk [tilespmem:v33+s20+$0x0], $0xffff;
	v33 =	vadd.f32 v61, v57  }
0x8d: {  	v25 =	vadd.f32 v25, v30;
	v30 =	vmul.f32 v54, v54;
	v13 =	vadd.f32 v35, v13  }
0x8e: {  	v61 =	vmul.f32 v11, v11;
	v35 =	vadd.f32 v63, v62;
	v62 =	vmul.f32 v47, v47  }
0x8f: {  	v13 =	vadd.f32 v25, v13;
	v25 =	vadd.f32 v30, v33;
	v30 =	vmul.f32 v52, v52  }
0x90: {  	v20 =	vmul.f32 v23, v20;
	v23 =	vadd.f32 v24, v1;
	v63 =	vadd.f32 v62, v61  }
0x91: {  	v13 =	vadd.f32 v25, v13;
	v25 =	vadd.f32 v30, v35;
	v30 =	vmul.f32 v36, v36  }
0x92: {  	s0 =	simm.s32 $0x4;
	v28 =	vmul.f32 v31, v40;
	v16 =	vsub.f32 v16, v19;
	v37 =	vsub.f32 v41, v37  }
0x93: {  	v13 =	vadd.f32 v25, v13;
	v25 =	vadd.f32 v30, v63;
	v30 =	vmov s0  }
0x94: {  	s17 =	simm.s32 $0x6;
	s31 =	simm.s32 $0x7;
	v31 =	vsub.f32 v53, v55;
	v16 =	vmul.f32 v16, v14;
	v19 =	vmul.f32 v37, v59  }
0x95: {  	v14 =	vor.u32 s31, v3;
	v59 =	vmov s17;
	v15 =	vsub.f32 v42, v58  }
0x96: {  	v16 =	vadd.f32 v19, v16;
	v54 =	vsub.f32 v54, v51;
	v56 =	vmov s31  }
0x97: {  	v44 =	vmul.f32 v15, v44;
	v15 =	vor.u32 s15, v3;
	v57 =	vsub.f32 v52, v49  }
0x98: {  	v29 =	vmul.f32 v54, v50;
	v13 =	vadd.f32 v25, v13;
	v25 =	vsub.f32 v38, v46;
	v58 =	vld.idx.msk [tilespmem:v30+s13+$0x0], $0xffff  }
0x99: {  	v28 =	vadd.f32 v28, v16;
	v16 =	vshll.u32 v59, $0x7;
	v20 =	vadd.f32 v44, v20;
	v19 =	vld.idx.msk [tilespmem:v30+s2+$0x0], $0xffff  }
0x9a: {  	v32 =	vmul.f32 v57, v48;
	v38 =	vmul.f32 v25, v39;
	v25 =	vadd.f32 v29, v17;
	v29 =	vld.idx.msk [tilespmem:v30+s12+$0x0], $0xffff  }
0x9b: {  	s19 =	simm.s32 $0x5;
	v33 =	vmul.f32 v21, v22;
	v21 =	vsub.f32 v45, v34;
	v22 =	vsub.f32 v27, v18;
	v60 =	vld.idx.msk [tilespmem:v56+s13+$0x0], $0xffff  }
0x9c: {  	v18 =	vshll.u32 v56, $0x7;
	v61 =	vld.idx.msk [tilespmem:v56+s2+$0x0], $0xffff;
	v35 =	vsub.f32 v36, v47;
	v17 =	vmov s19  }
0x9d: {  	v62 =	vld.idx.msk [tilespmem:v56+s12+$0x0], $0xffff;
	v26 =	vmul.f32 v21, v26;
	v30 =	vshll.u32 v30, $0x7;
	vm0 =	vgt.s32 v58, $0xCFFF  }
0x9e: {  	v21 =	vld.idx.msk [tilespmem:v59+s13+$0x0], $0xffff;
	v24 =	vadd.f32 v38, v20;
	vm1 =	vgt.s32 v19, $0xCFFF;
	v19 =	vsel vm0, v2, v0  }
0x9f: {  	v27 =	vld.idx.msk [tilespmem:v59+s2+$0x0], $0xffff;
	v63 =	vsel vm1, v2, v0;
	vm0 =	vgt.s32 v29, $0xCFFF;
	v34 =	vor.u32 v30, v19  }
0xa0: {  	v20 =	vld.idx.msk [tilespmem:v59+s12+$0x0], $0xffff;
	v19 =	vsel vm0, v2, v0;
	v37 =	vor.u32 v30, v63;
	vm0 =	vgt.s32 v60, $0xCFFF  }
0xa1: {  	v29 =	vld.idx.msk [tilespmem:v17+s13+$0x0], $0xffff;
	vm1 =	vgt.s32 v61, $0xCFFF;
	v36 =	vor.u32 v30, v19;
	v30 =	vsel vm0, v2, v0  }
0xa2: {  	s15 =	simm.s32 $0x8;
	v38 =	vsel vm1, v2, v0;
	v19 =	vld.idx.msk [tilespmem:v17+s2+$0x0], $0xffff;
	vm0 =	vgt.s32 v62, $0xCFFF;
	v30 =	vor.u32 v18, v30  }
.LBB2_4:
0xa3: {  	p0 =	slt.u32 s15, $0x7C;
	v39 =	vld.idx.msk [tilespmem:v17+s12+$0x0], $0xffff;
	vm1 =	vgt.s32 v21, $0xCFFF;
	v21 =	vsel vm0, v2, v0;
	v40 =	vor.u32 v18, v38  }
0xa4: {  	vm0 =	vgt.s32 v27, $0xCFFF;
	v41 =	vld.idx.msk [tilespmem:v34+s20+$0x0], $0xffff;
	v27 =	vsel vm1, v2, v0;
	v44 =	vor.u32 v18, v21  }
0xa5: {  	v18 =	vsel vm0, v2, v0;
	vm0 =	vgt.s32 v20, $0xCFFF;
	v46 =	vld.idx.msk [tilespmem:v37+s16+$0x0], $0xffff;
	v47 =	vor.u32 v16, v27  }
0xa6: {  	vm1 =	vgt.s32 v29, $0xCFFF;
	v20 =	vsel vm0, v2, v0;
	v49 =	vor.u32 v16, v18;
	v48 =	vld.idx.msk [tilespmem:v36+s18+$0x0], $0xffff  }
0xa7: {  	v17 =	vshll.u32 v17, $0x7;
	v18 =	vsel vm1, v2, v0;
	v50 =	vor.u32 v16, v20;
	v27 =	vld.idx.msk [tilespmem:v30+s20+$0x0], $0xffff  }
0xa8: {  	v20 =	vadd.f32 v32, v25;
	vm0 =	vgt.s32 v19, $0xCFFF;
	v51 =	vor.u32 v17, v18;
	v29 =	vld.idx.msk [tilespmem:v40+s16+$0x0], $0xffff  }
0xa9: {  	v16 =	vor.u32 $0x30, v34;
	v18 =	vsel vm0, v2, v0;
	vm0 =	vgt.s32 v39, $0xCFFF;
	v32 =	vld.idx.msk [tilespmem:v44+s18+$0x0], $0xffff  }
0xaa: {  	v33 =	vadd.f32 v33, v23;
	v21 =	vsel vm0, v2, v0;
	v39 =	vor.u32 v17, v18;
	v19 =	vld.idx.msk [tilespmem:v47+s20+$0x0], $0xffff  }
0xab: {  	v12 =	vmul.f32 v31, v12;
	v11 =	vmul.f32 v35, v11;
	v52 =	vor.u32 v17, v21;
	v18 =	vld.idx.msk [tilespmem:v49+s16+$0x0], $0xffff  }
0xac: {  	v31 =	vor.u32 $0x20, v34;
	v10 =	vmul.f32 v22, v10;
	v17 =	vsub.f32 v41, v48;
	v21 =	vld.idx.msk [tilespmem:v50+s18+$0x0], $0xffff  }
0xad: {  	v35 =	vor.u32 $0x30, v37;
	v22 =	vadd.f32 v26, v24;
	v12 =	vadd.f32 v12, v28;
	v25 =	vld.idx.msk [tilespmem:v51+s20+$0x0], $0xffff  }
0xae: {  	v26 =	vor.u32 $0x30, v36;
	v11 =	vadd.f32 v11, v20;
	v17 =	vmul.f32 v17, v46;
	v16 =	vld.idx.msk [tilespmem:v16+s20+$0x0], $0xffff  }
0xaf: {  	v45 =	vor.u32 $0x20, v37;
	v33 =	vadd.f32 v10, v33;
	v20 =	vsub.f32 v27, v32;
	v23 =	vld.idx.msk [tilespmem:v39+s16+$0x0], $0xffff  }
0xb0: {  	v42 =	vor.u32 s17, v3;
	v37 =	vor.u32 $0x10, v37;
	v28 =	vld.idx.msk [tilespmem:v52+s18+$0x0], $0xffff;
	[tilespmem:v8+s29+$0x0] =	vst.idx.msk $0xffff, v22;
	v8 =	vor.u32 s19, v3  }
0xb1: {  	v53 =	vor.u32 $0x10, v36;
	v34 =	vor.u32 $0x10, v34;
	v22 =	vmul.f32 v20, v29;
	v24 =	vld.idx.msk [tilespmem:v31+s20+$0x0], $0xffff;
	[tilespmem:v9+s29+$0x0] =	vst.idx.msk $0xffff, v12  }
0xb2: {  	v38 =	vor.u32 $0x30, v44;
	v12 =	vor.u32 $0x20, v36;
	v9 =	vmovc v42;
	v10 =	vld.idx.msk [tilespmem:v35+s16+$0x0], $0xffff;
	v35 =	vor.u32 $0x30, v40;
	[tilespmem:v7+s29+$0x0] =	vst.idx.msk $0xffff, v11  }
0xb3: {  	v43 =	vor.u32 $0x20, v40;
	v42 =	vor.u32 $0x20, v44;
	v36 =	vor.u32 $0x30, v30;
	v7 =	vmovc v14;
	v20 =	vld.idx.msk [tilespmem:v26+s18+$0x0], $0xffff;
	[tilespmem:v15+s29+$0x0] =	vst.idx.msk $0xffff, v33  }
0xb4: {  	v54 =	vor.u32 $0x10, v40;
	v55 =	vor.u32 $0x10, v44;
	v15 =	vor.u32 $0x20, v30;
	v26 =	vld.idx.msk [tilespmem:v45+s16+$0x0], $0xffff  }
0xb5: {  	v56 =	vor.u32 $0x30, v47;
	v45 =	vor.u32 $0x10, v30;
	v14 =	vld.idx.msk [tilespmem:v37+s16+$0x0], $0xffff;
	v37 =	vor.u32 $0x30, v49  }
0xb6: {  	v57 =	vor.u32 $0x30, v50;
	v30 =	vor.u32 $0x30, v39;
	v33 =	vld.idx.msk [tilespmem:v53+s18+$0x0], $0xffff;
	v53 =	vor.u32 $0x20, v47  }
0xb7: {  	v58 =	vor.u32 $0x10, v47;
	v44 =	vor.u32 $0x20, v49;
	v40 =	vor.u32 $0x10, v39;
	v31 =	vld.idx.msk [tilespmem:v12+s18+$0x0], $0xffff  }
0xb8: {  	v59 =	vor.u32 $0x20, v50;
	v49 =	vor.u32 $0x10, v49;
	v47 =	vor.u32 $0x10, v52;
	v34 =	vld.idx.msk [tilespmem:v34+s20+$0x0], $0xffff  }
0xb9: {  	v60 =	vor.u32 $0x30, v51;
	v50 =	vor.u32 $0x10, v50;
	v39 =	vor.u32 $0x20, v39;
	v11 =	vld.idx.msk [tilespmem:v35+s16+$0x0], $0xffff  }
0xba: {  	v35 =	vmul.f32 v46, v46;
	v46 =	vmul.f32 v48, v48;
	v48 =	vor.u32 $0x20, v52;
	v12 =	vld.idx.msk [tilespmem:v37+s16+$0x0], $0xffff  }
0xbb: {  	v61 =	vor.u32 $0x10, v51;
	v52 =	vor.u32 $0x30, v52;
	v37 =	vmul.f32 v41, v41;
	v30 =	vld.idx.msk [tilespmem:v30+s16+$0x0], $0xffff  }
0xbc: {  	v62 =	vmul.f32 v14, v14;
	v35 =	vadd.f32 v46, v35;
	v63 =	vmul.f32 v33, v33;
	v41 =	vld.idx.msk [tilespmem:v40+s16+$0x0], $0xffff  }
0xbd: {  	v40 =	vmul.f32 v26, v26;
	v1 =	vmul.f32 v31, v31;
	v46 =	vld.idx.msk [tilespmem:v47+s18+$0x0], $0xffff;
	v47 =	vor.u32 $0x20, v51  }
0xbe: {  	v35 =	vadd.f32 v37, v35;
	v51 =	vadd.f32 v63, v62;
	v62 =	vmul.f32 v34, v34;
	v37 =	vld.idx.msk [tilespmem:v39+s16+$0x0], $0xffff  }
0xbf: {  	v63 =	vmul.f32 v20, v20;
	v1 =	vadd.f32 v1, v40;
	v39 =	vmul.f32 v10, v10;
	v40 =	vld.idx.msk [tilespmem:v48+s18+$0x0], $0xffff  }
0xc0: {  	v13 =	vadd.f32 v35, v13;
	v48 =	vadd.f32 v62, v51;
	v51 =	vmul.f32 v24, v24;
	v61 =	vld.idx.msk [tilespmem:v61+s20+$0x0], $0xffff  }
0xc1: {  	v62 =	vmul.f32 v23, v23;
	v39 =	vadd.f32 v63, v39;
	v63 =	vmul.f32 v28, v28;
	v35 =	vld.idx.msk [tilespmem:v52+s18+$0x0], $0xffff  }
0xc2: {  	v13 =	vadd.f32 v48, v13;
	v1 =	vadd.f32 v51, v1;
	v48 =	vmul.f32 v16, v16;
	v47 =	vld.idx.msk [tilespmem:v47+s20+$0x0], $0xffff  }
0xc3: {  	v52 =	vmul.f32 v41, v41;
	v51 =	vadd.f32 v63, v62;
	v62 =	vmul.f32 v46, v46;
	v49 =	vld.idx.msk [tilespmem:v49+s16+$0x0], $0xffff  }
0xc4: {  	v1 =	vadd.f32 v1, v13;
	v13 =	vadd.f32 v48, v39;
	v48 =	vmul.f32 v25, v25;
	v39 =	vld.idx.msk [tilespmem:v60+s20+$0x0], $0xffff  }
0xc5: {  	v52 =	vadd.f32 v62, v52;
	v60 =	vmul.f32 v37, v37;
	v62 =	vmul.f32 v40, v40;
	v50 =	vld.idx.msk [tilespmem:v50+s18+$0x0], $0xffff  }
0xc6: {  	v1 =	vadd.f32 v13, v1;
	v13 =	vadd.f32 v48, v51;
	v48 =	vmul.f32 v61, v61;
	v44 =	vld.idx.msk [tilespmem:v44+s16+$0x0], $0xffff  }
0xc7: {  	v51 =	vadd.f32 v62, v60;
	v60 =	vmul.f32 v30, v30;
	v62 =	vmul.f32 v35, v35;
	v59 =	vld.idx.msk [tilespmem:v59+s18+$0x0], $0xffff  }
0xc8: {  	v1 =	vadd.f32 v13, v1;
	v13 =	vadd.f32 v48, v52;
	v52 =	vmul.f32 v47, v47;
	v58 =	vld.idx.msk [tilespmem:v58+s20+$0x0], $0xffff  }
0xc9: {  	v63 =	vmul.f32 v21, v21;
	v60 =	vadd.f32 v62, v60;
	v62 =	vmul.f32 v18, v18;
	v48 =	vld.idx.msk [tilespmem:v57+s18+$0x0], $0xffff  }
0xca: {  	v1 =	vadd.f32 v13, v1;
	v13 =	vadd.f32 v52, v51;
	v51 =	vmul.f32 v39, v39;
	v52 =	vld.idx.msk [tilespmem:v53+s20+$0x0], $0xffff  }
0xcb: {  	v57 =	vmul.f32 v49, v49;
	v53 =	vadd.f32 v63, v62;
	v62 =	vmul.f32 v50, v50;
	v54 =	vld.idx.msk [tilespmem:v54+s16+$0x0], $0xffff  }
0xcc: {  	v1 =	vadd.f32 v13, v1;
	v13 =	vadd.f32 v51, v60;
	v51 =	vmul.f32 v19, v19;
	v56 =	vld.idx.msk [tilespmem:v56+s20+$0x0], $0xffff  }
0xcd: {  	v60 =	vmul.f32 v44, v44;
	v57 =	vadd.f32 v62, v57;
	v62 =	vmul.f32 v59, v59;
	v55 =	vld.idx.msk [tilespmem:v55+s18+$0x0], $0xffff  }
0xce: {  	v1 =	vadd.f32 v13, v1;
	v13 =	vadd.f32 v51, v53;
	v51 =	vmul.f32 v58, v58;
	v43 =	vld.idx.msk [tilespmem:v43+s16+$0x0], $0xffff  }
0xcf: {  	v53 =	vadd.f32 v62, v60;
	v60 =	vmul.f32 v12, v12;
	v62 =	vmul.f32 v48, v48;
	v42 =	vld.idx.msk [tilespmem:v42+s18+$0x0], $0xffff  }
0xd0: {  	v1 =	vadd.f32 v13, v1;
	v13 =	vadd.f32 v51, v57;
	v51 =	vmul.f32 v52, v52;
	v45 =	vld.idx.msk [tilespmem:v45+s20+$0x0], $0xffff  }
0xd1: {  	v32 =	vmul.f32 v32, v32;
	v29 =	vmul.f32 v29, v29;
	v57 =	vadd.f32 v62, v60;
	v38 =	vld.idx.msk [tilespmem:v38+s18+$0x0], $0xffff  }
0xd2: {  	v1 =	vadd.f32 v13, v1;
	v13 =	vadd.f32 v51, v53;
	v51 =	vmul.f32 v56, v56;
	v53 =	vld.idx.msk [tilespmem:v15+s20+$0x0], $0xffff  }
0xd3: {  	v15 =	vadd.f32 v32, v29;
	v29 =	vmul.f32 v54, v54;
	v32 =	vmul.f32 v55, v55  }
0xd4: {  	v27 =	vmul.f32 v27, v27;
	v1 =	vadd.f32 v13, v1;
	v13 =	vadd.f32 v51, v57;
	v36 =	vld.idx.msk [tilespmem:v36+s20+$0x0], $0xffff  }
0xd5: {  	v29 =	vadd.f32 v32, v29;
	v32 =	vmul.f32 v43, v43;
	v51 =	vmul.f32 v42, v42  }
0xd6: {  	v1 =	vadd.f32 v13, v1;
	v13 =	vadd.f32 v27, v15;
	v15 =	vmul.f32 v45, v45  }
0xd7: {  	v27 =	vadd.f32 v51, v32;
	v32 =	vmul.f32 v11, v11;
	v51 =	vmul.f32 v38, v38  }
0xd8: {  	v1 =	vadd.f32 v13, v1;
	v13 =	vadd.f32 v15, v29;
	v15 =	vmul.f32 v53, v53  }
0xd9: {  	v29 =	vsub.f32 v61, v46;
	v32 =	vadd.f32 v51, v32  }
0xda: {  	v1 =	vadd.f32 v13, v1;
	v13 =	vadd.f32 v15, v27;
	v27 =	vmul.f32 v36, v36  }
0xdb: {  	v45 =	vsub.f32 v45, v55;
	v29 =	vmul.f32 v29, v41;
	v41 =	vsub.f32 v58, v50  }
0xdc: {  	v15 =	vor.u32 s0, v3;
	s0 =	smov.u32 s15;
	v1 =	vadd.f32 v13, v1;
	v13 =	vadd.f32 v27, v32  }
0xdd: {  	v25 =	vsub.f32 v25, v28;
	v27 =	vmov s15;
	v32 =	vsub.f32 v34, v33  }
0xde: {  	v19 =	vsub.f32 v19, v21;
	v21 =	vmul.f32 v41, v49;
	v13 =	vadd.f32 v13, v1  }
0xdf: {  	s19 =	sadd.s32 $0x3, s15;
	v28 =	vmul.f32 v45, v54;
	v1 =	vmul.f32 v32, v14;
	v14 =	vsub.f32 v47, v40  }
0xe0: {  	v23 =	vmul.f32 v25, v23;
	v18 =	vmul.f32 v19, v18;
	v34 =	vmov s19  }
0xe1: {  	v33 =	vsub.f32 v53, v42;
	v32 =	vsub.f32 v52, v59;
	v19 =	vmul.f32 v14, v37  }
0xe2: {  	s17 =	sadd.s32 $0x2, s15;
	v24 =	vsub.f32 v24, v31;
	v29 =	vadd.f32 v29, v23;
	v14 =	vor.u32 s19, v3;
	v37 =	vld.idx.msk [tilespmem:v27+s13+$0x0], $0xffff  }
0xe3: {  	v25 =	vadd.f32 v28, v22;
	v41 =	vmov s17;
	v18 =	vadd.f32 v21, v18;
	v40 =	vld.idx.msk [tilespmem:v27+s2+$0x0], $0xffff  }
0xe4: {  	v23 =	vadd.f32 v1, v17;
	v1 =	vmul.f32 v32, v44;
	v32 =	vmul.f32 v33, v43;
	v42 =	vld.idx.msk [tilespmem:v27+s12+$0x0], $0xffff  }
0xe5: {  	v31 =	vsub.f32 v56, v48;
	v21 =	vsub.f32 v39, v35;
	s19 =	sadd.s32 $0x1, s15;
	v33 =	vmul.f32 v24, v26;
	v43 =	vld.idx.msk [tilespmem:v34+s13+$0x0], $0xffff  }
0xe6: {  	v22 =	vsub.f32 v16, v20;
	v35 =	vsub.f32 v36, v38;
	v17 =	vmov s19;
	v39 =	vld.idx.msk [tilespmem:v34+s2+$0x0], $0xffff  }
0xe7: {  	v26 =	vmul.f32 v21, v30;
	v24 =	vadd.f32 v19, v29;
	v28 =	vadd.f32 v1, v18;
	v44 =	vld.idx.msk [tilespmem:v34+s12+$0x0], $0xffff  }
0xe8: {  	v1 =	vshll.u32 v27, $0x7;
	v18 =	vshll.u32 v34, $0x7;
	vm0 =	vgt.s32 v37, $0xCFFF;
	v21 =	vld.idx.msk [tilespmem:v41+s13+$0x0], $0xffff  }
.Ltmp1:
0xe9: {  	v16 =	vshll.u32 v41, $0x7;
	vm1 =	vgt.s32 v40, $0xCFFF;
	v19 =	vsel vm0, v2, v0;
	v27 =	vld.idx.msk [tilespmem:v41+s2+$0x0], $0xffff;
	(pc) =	sbr.rel @p0 .LBB2_4-.Ltmp1, $4  }
0xea: {  	v29 =	vsel vm1, v2, v0;
	vm0 =	vgt.s32 v42, $0xCFFF;
	v34 =	vor.u32 v1, v19;
	v20 =	vld.idx.msk [tilespmem:v41+s12+$0x0], $0xffff  }
0xeb: {  	v19 =	vsel vm0, v2, v0;
	v37 =	vor.u32 v1, v29;
	vm0 =	vgt.s32 v43, $0xCFFF;
	v29 =	vld.idx.msk [tilespmem:v17+s13+$0x0], $0xffff  }
0xec: {  	v36 =	vor.u32 v1, v19;
	vm1 =	vgt.s32 v39, $0xCFFF;
	v1 =	vsel vm0, v2, v0  }
0xed: {  	s15 =	sadd.s32 $0x4, s15;
	v38 =	vsel vm1, v2, v0;
	vm0 =	vgt.s32 v44, $0xCFFF;
	v30 =	vor.u32 v18, v1;
	v19 =	vld.idx.msk [tilespmem:v17+s2+$0x0], $0xffff  }
0xee: {  	_ =	sdelay $0x2  }
0xef: {  	vm1 =	vgt.s32 v21, $0xCFFF  }
0xf0: {  	v1 =	vld.idx.msk [tilespmem:v17+s12+$0x0], $0xffff;
	v21 =	vsel vm0, v2, v0;
	v39 =	vor.u32 v18, v38;
	vm0 =	vgt.s32 v27, $0xCFFF  }
0xf1: {  	v40 =	vld.idx.msk [tilespmem:v34+s20+$0x0], $0xffff;
	v49 =	vor.u32 $0x20, v34;
	v50 =	vor.u32 $0x30, v37;
	v51 =	vor.u32 $0x30, v36  }
0xf2: {  	v42 =	vld.idx.msk [tilespmem:v37+s16+$0x0], $0xffff;
	v41 =	vor.u32 v18, v21;
	v18 =	vsel vm0, v2, v0;
	vm0 =	vgt.s32 v20, $0xCFFF  }
0xf3: {  	v44 =	vld.idx.msk [tilespmem:v36+s18+$0x0], $0xffff;
	v52 =	vor.u32 $0x20, v37;
	v27 =	vsel vm1, v2, v0;
	v20 =	vsel vm0, v2, v0  }
0xf4: {  	v43 =	vor.u32 v16, v27;
	v45 =	vor.u32 v16, v18;
	v46 =	vor.u32 v16, v20;
	v16 =	vld.idx.msk [tilespmem:v30+s20+$0x0], $0xffff  }
0xf5: {  	v56 =	vor.u32 $0x10, v37;
	v21 =	vshll.u32 v17, $0x7;
	v17 =	vld.idx.msk [tilespmem:v39+s16+$0x0], $0xffff  }
0xf6: {  	v33 =	vadd.f32 v33, v23;
	v12 =	vmul.f32 v31, v12;
	v31 =	vor.u32 $0x10, v36;
	v23 =	vld.idx.msk [tilespmem:v49+s20+$0x0], $0xffff  }
0xf7: {  	v57 =	vmul.f32 v22, v10;
	v58 =	vor.u32 $0x20, v36;
	v10 =	vld.idx.msk [tilespmem:v50+s16+$0x0], $0xffff  }
0xf8: {  	v62 =	vor.u32 $0x10, v34;
	v22 =	vld.idx.msk [tilespmem:v51+s18+$0x0], $0xffff  }
0xf9: {  	v26 =	vadd.f32 v26, v24;
	v24 =	vld.idx.msk [tilespmem:v52+s16+$0x0], $0xffff  }
0xfa: {  	v11 =	vmul.f32 v35, v11;
	v35 =	vld.idx.msk [tilespmem:v56+s16+$0x0], $0xffff  }
0xfb: {  	vm1 =	vgt.s32 v29, $0xCFFF;
	v31 =	vld.idx.msk [tilespmem:v31+s18+$0x0], $0xffff  }
0xfc: {  	v27 =	vor.u32 $0x30, v34;
	v33 =	vadd.f32 v57, v33;
	v57 =	vor.u32 $0x20, v41;
	v36 =	vld.idx.msk [tilespmem:v58+s18+$0x0], $0xffff  }
0xfd: {  	[tilespmem:v8+s29+$0x0] =	vst.idx.msk $0xffff, v26;
	v8 =	vor.u32 $0x20, v30;
	v18 =	vsel vm1, v2, v0;
	vm0 =	vgt.s32 v19, $0xCFFF;
	v34 =	vld.idx.msk [tilespmem:v62+s20+$0x0], $0xffff  }
0xfe: {  	v47 =	vor.u32 v21, v18;
	v19 =	vsel vm0, v2, v0;
	vm0 =	vgt.s32 v1, $0xCFFF;
	v18 =	vld.idx.msk [tilespmem:v41+s18+$0x0], $0xffff  }
0xff: {  	v1 =	vsel vm0, v2, v0;
	v48 =	vor.u32 v21, v19;
	v19 =	vld.idx.msk [tilespmem:v43+s20+$0x0], $0xffff  }
0x100: {  	v32 =	vadd.f32 v32, v25;
	v26 =	vor.u32 $0x30, v45;
	v1 =	vor.u32 v21, v1;
	v21 =	vld.idx.msk [tilespmem:v45+s16+$0x0], $0xffff  }
0x101: {  	v28 =	vadd.f32 v12, v28;
	v27 =	vld.idx.msk [tilespmem:v27+s20+$0x0], $0xffff  }
0x102: {  	v55 =	vor.u32 $0x20, v39;
	v32 =	vadd.f32 v11, v32;
	[tilespmem:v15+s29+$0x0] =	vst.idx.msk $0xffff, v33;
	v33 =	vor.u32 $0x20, v46;
	v57 =	vld.idx.msk [tilespmem:v57+s18+$0x0], $0xffff  }
0x103: {  	v12 =	vor.u32 s19, v3;
	v11 =	vor.u32 s17, v3;
	[tilespmem:v9+s29+$0x0] =	vst.idx.msk $0xffff, v28;
	v28 =	vor.u32 $0x10, v30;
	v8 =	vld.idx.msk [tilespmem:v8+s20+$0x0], $0xffff  }
0x104: {  	v54 =	vor.u32 $0x30, v41;
	v9 =	vor.u32 $0x30, v43;
	[tilespmem:v7+s29+$0x0] =	vst.idx.msk $0xffff, v32;
	v32 =	vor.u32 $0x30, v46;
	v20 =	vld.idx.msk [tilespmem:v46+s18+$0x0], $0xffff  }
0x105: {  	v7 =	vor.u32 $0x20, v43;
	v15 =	vor.u32 $0x20, v45;
	v25 =	vsub.f32 v40, v44;
	v26 =	vld.idx.msk [tilespmem:v26+s16+$0x0], $0xffff  }
0x106: {  	v52 =	vor.u32 $0x30, v39;
	v58 =	vor.u32 $0x30, v30;
	v39 =	vor.u32 $0x10, v39;
	v38 =	vld.idx.msk [tilespmem:v47+s20+$0x0], $0xffff  }
0x107: {  	v30 =	vor.u32 $0x10, v45;
	v44 =	vmul.f32 v44, v44;
	v60 =	vor.u32 $0x10, v48;
	v33 =	vld.idx.msk [tilespmem:v33+s18+$0x0], $0xffff  }
0x108: {  	v41 =	vor.u32 $0x10, v41;
	v25 =	vmul.f32 v25, v42;
	v42 =	vmul.f32 v42, v42;
	v28 =	vld.idx.msk [tilespmem:v28+s20+$0x0], $0xffff  }
0x109: {  	v40 =	vmul.f32 v40, v40;
	v63 =	vor.u32 $0x30, v48;
	v43 =	vor.u32 $0x10, v43;
	v32 =	vld.idx.msk [tilespmem:v32+s18+$0x0], $0xffff  }
0x10a: {  	v61 =	vor.u32 $0x10, v1;
	v56 =	vor.u32 $0x20, v1;
	v42 =	vadd.f32 v44, v42;
	v9 =	vld.idx.msk [tilespmem:v9+s20+$0x0], $0xffff  }
0x10b: {  	v44 =	vmul.f32 v35, v35;
	v45 =	vmul.f32 v31, v31;
	v31 =	vsub.f32 v34, v31;
	v29 =	vld.idx.msk [tilespmem:v48+s16+$0x0], $0xffff  }
0x10c: {  	v59 =	vsub.f32 v16, v18;
	v48 =	vor.u32 $0x20, v48;
	v37 =	vld.idx.msk [tilespmem:v60+s16+$0x0], $0xffff;
	v60 =	vor.u32 $0x20, v47  }
0x10d: {  	v40 =	vadd.f32 v40, v42;
	v41 =	vld.idx.msk [tilespmem:v41+s18+$0x0], $0xffff;
	v42 =	vadd.f32 v45, v44;
	v44 =	vmul.f32 v34, v34  }
0x10e: {  	v53 =	vld.idx.msk [tilespmem:v1+s18+$0x0], $0xffff;
	v50 =	vmul.f32 v59, v17;
	v59 =	vor.u32 $0x10, v47;
	v47 =	vor.u32 $0x30, v47  }
0x10f: {  	v62 =	vmul.f32 v36, v36;
	v49 =	vld.idx.msk [tilespmem:v63+s16+$0x0], $0xffff;
	v31 =	vmul.f32 v31, v35;
	v13 =	vadd.f32 v40, v13  }
0x110: {  	v51 =	vld.idx.msk [tilespmem:v61+s18+$0x0], $0xffff;
	v40 =	vadd.f32 v44, v42;
	v42 =	vmul.f32 v23, v23;
	v23 =	vsub.f32 v23, v36  }
0x111: {  	v61 =	vor.u32 $0x10, v46;
	v25 =	vadd.f32 v31, v25;
	v46 =	vld.idx.msk [tilespmem:v60+s20+$0x0], $0xffff;
	v60 =	vmul.f32 v24, v24  }
0x112: {  	v48 =	vld.idx.msk [tilespmem:v48+s16+$0x0], $0xffff;
	v13 =	vadd.f32 v40, v13;
	v23 =	vmul.f32 v23, v24;
	v24 =	vsub.f32 v9, v32  }
0x113: {  	v45 =	vld.idx.msk [tilespmem:v47+s20+$0x0], $0xffff;
	v47 =	vadd.f32 v62, v60;
	v60 =	vmul.f32 v10, v10;
	v62 =	vmul.f32 v22, v22  }
0x114: {  	v1 =	vor.u32 $0x30, v1;
	v59 =	vld.idx.msk [tilespmem:v59+s20+$0x0], $0xffff;
	v23 =	vadd.f32 v23, v25;
	v22 =	vsub.f32 v27, v22  }
0x115: {  	v56 =	vld.idx.msk [tilespmem:v56+s18+$0x0], $0xffff;
	v44 =	vadd.f32 v62, v60;
	v60 =	vmul.f32 v29, v29;
	v62 =	vmul.f32 v53, v53  }
0x116: {  	v43 =	vld.idx.msk [tilespmem:v43+s20+$0x0], $0xffff;
	v24 =	vmul.f32 v24, v26;
	v40 =	vadd.f32 v42, v47;
	v42 =	vmul.f32 v27, v27  }
0x117: {  	v63 =	vld.idx.msk [tilespmem:v7+s20+$0x0], $0xffff;
	v10 =	vmul.f32 v22, v10;
	v47 =	vadd.f32 v62, v60;
	v60 =	vmul.f32 v37, v37  }
0x118: {  	v61 =	vld.idx.msk [tilespmem:v61+s18+$0x0], $0xffff;
	v62 =	vmul.f32 v51, v51;
	v7 =	vadd.f32 v40, v13;
	v13 =	vadd.f32 v42, v44  }
0x119: {  	v1 =	vld.idx.msk [tilespmem:v1+s18+$0x0], $0xffff;
	v40 =	vmul.f32 v38, v38;
	v44 =	vmul.f32 v48, v48;
	v51 =	vsub.f32 v59, v51  }
0x11a: {  	v30 =	vld.idx.msk [tilespmem:v30+s16+$0x0], $0xffff;
	v38 =	vsub.f32 v38, v53;
	v42 =	vadd.f32 v62, v60;
	v60 =	vmul.f32 v56, v56  }
0x11b: {  	v54 =	vld.idx.msk [tilespmem:v54+s18+$0x0], $0xffff;
	v7 =	vadd.f32 v13, v7;
	v13 =	vadd.f32 v40, v47;
	v37 =	vmul.f32 v51, v37  }
0x11c: {  	v39 =	vld.idx.msk [tilespmem:v39+s16+$0x0], $0xffff;
	v51 =	vsub.f32 v28, v41;
	v29 =	vmul.f32 v38, v29;
	v38 =	vsub.f32 v63, v33  }
0x11d: {  	v15 =	vld.idx.msk [tilespmem:v15+s16+$0x0], $0xffff;
	v62 =	vmul.f32 v59, v59;
	v13 =	vadd.f32 v13, v7;
	v7 =	vsub.f32 v43, v61  }
0x11e: {  	v53 =	vld.idx.msk [tilespmem:v55+s16+$0x0], $0xffff;
	v59 =	vmul.f32 v1, v1;
	v1 =	vsub.f32 v45, v1;
	v44 =	vadd.f32 v60, v44  }
0x11f: {  	v40 =	vadd.f32 v62, v42;
	v62 =	vsub.f32 v19, v20;
	v55 =	vmul.f32 v7, v30;
	v7 =	vld.idx.msk [tilespmem:v58+s20+$0x0], $0xffff  }
0x120: {  	v42 =	vmul.f32 v46, v46;
	v60 =	vor.u32 s0, v3;
	v46 =	vsub.f32 v46, v56  }
0x121: {  	v51 =	vmul.f32 v51, v39;
	v56 =	vsub.f32 v8, v57;
	v34 =	vmul.f32 v62, v21;
	v62 =	vld.idx.msk [tilespmem:v52+s16+$0x0], $0xffff  }
0x122: {  	v29 =	vadd.f32 v37, v29;
	v31 =	vmul.f32 v38, v15;
	v48 =	vmul.f32 v46, v48  }
0x123: {  	v1 =	vmul.f32 v1, v49;
	v52 =	vadd.f32 v51, v50;
	v34 =	vadd.f32 v55, v34  }
0x124: {  	v55 =	vmul.f32 v56, v53;
	v29 =	vadd.f32 v48, v29;
	v56 =	vsub.f32 v7, v54  }
0x125: {  	v10 =	vadd.f32 v10, v23;
	v47 =	vmul.f32 v49, v49;
	v27 =	vadd.f32 v31, v34  }
0x126: {  	v31 =	vadd.f32 v55, v52;
	v1 =	vadd.f32 v1, v29;
	v58 =	vmul.f32 v56, v62  }
0x127: {  	[tilespmem:v60+s29+$0x0] =	vst.idx.msk $0xffff, v10;
	v22 =	vadd.f32 v24, v27;
	v24 =	vadd.f32 v59, v47  }
0x128: {  	[tilespmem:v12+s29+$0x0] =	vst.idx.msk $0xffff, v1;
	v1 =	vmul.f32 v21, v21;
	v25 =	vadd.f32 v58, v31  }
0x129: {  	v12 =	vadd.f32 v40, v13;
	[tilespmem:v11+s29+$0x0] =	vst.idx.msk $0xffff, v22;
	v11 =	vmul.f32 v20, v20  }
0x12a: {  	s15 =	simm.s32 $0x700;
	v13 =	vadd.f32 v42, v44;
	[tilespmem:v14+s29+$0x0] =	vst.idx.msk $0xffff, v25;
	v14 =	vmul.f32 v45, v45  }
0x12b: {  	v10 =	vmul.f32 v30, v30;
	v1 =	vadd.f32 v11, v1;
	v11 =	vmul.f32 v61, v61;
	[tilespmem:s16], [sflag:$0x1] =	stream.indirect.gather [hbm4b:s3+s14], $0x80, s15, s14, $0xb8;
	[tilespmem:$0x1AC80] =	vst v63  }
0x12c: {  	s17 =	simm.s32 $0x900;
	v12 =	vadd.f32 v13, v12;
	v13 =	vadd.f32 v14, v24;
	v14 =	vmul.f32 v19, v19  }
0x12d: {  	v10 =	vadd.f32 v11, v10;
	v11 =	vmul.f32 v15, v15;
	v15 =	vmul.f32 v33, v33;
	[tilespmem:s18], [sflag:$0x1] =	stream.indirect.gather [hbm4b:s4+s14], $0x80, s17, s14, $0xb8;
	[tilespmem:$0x1AC80] =	vst v63  }
0x12e: {  	s19 =	simm.s32 $0xB00;
	v12 =	vadd.f32 v13, v12;
	v1 =	vadd.f32 v14, v1;
	v13 =	vmul.f32 v43, v43  }
0x12f: {  	v11 =	vadd.f32 v15, v11;
	v15 =	vmul.f32 v32, v32;
	v14 =	vmul.f32 v26, v26;
	[tilespmem:s20], [sflag:$0x1] =	stream.indirect.gather [hbm4b:s4+s14], $0x80, s19, s14, $0xb8;
	[tilespmem:$0x1AC80] =	vst v63  }
0x130: {  	v1 =	vadd.f32 v1, v12;
	v10 =	vadd.f32 v13, v10;
	v12 =	vmul.f32 v63, v63;
	_ =	swait.ge [sflag:s1], $0x4000  }
0x131: {  	v13 =	vadd.f32 v15, v14;
	v14 =	vmul.f32 v17, v17;
	v15 =	vmul.f32 v18, v18;
	[sflag:s1] =	ssyncset.done $0x0  }
0x132: {  	v9 =	vmul.f32 v9, v9;
	s15 =	simm.s32 $0x0;
	v1 =	vadd.f32 v10, v1;
	[sflag:s1] =	ssyncadd.s32 $0xFFFFC000  }
0x133: {  	v10 =	vadd.f32 v12, v11;
	v11 =	vadd.f32 v15, v14;
	v12 =	vmov s15;
	_ =	swait.ge [sflag:s1], $0x4000  }
0x134: {  	v14 =	vmul.f32 v39, v39;
	v15 =	vmul.f32 v41, v41;
	v17 =	vor.u32 $0x80, v12;
	[sflag:s1] =	ssyncset.done $0x0  }
0x135: {  	s0 =	simm.s32 $0x3;
	v9 =	vadd.f32 v9, v13;
	v1 =	vadd.f32 v10, v1;
	[sflag:s1] =	ssyncadd.s32 $0xFFFFC000  }
0x136: {  	v10 =	vmul.f32 v16, v16;
	v13 =	vadd.f32 v15, v14;
	v14 =	vmov s0;
	_ =	swait.ge [sflag:s1], $0x4000  }
0x137: {  	v15 =	vmul.f32 v53, v53;
	v16 =	vmul.f32 v57, v57;
	v18 =	vor.u32 $0x80, v14;
	[sflag:s1] =	ssyncset.done $0x0  }
0x138: {  	s17 =	simm.s32 $0x2;
	v1 =	vadd.f32 v9, v1;
	v9 =	vadd.f32 v10, v11;
	[sflag:s1] =	ssyncadd.s32 $0xFFFFC000  }
0x139: {  	v10 =	vmul.f32 v28, v28;
	v11 =	vadd.f32 v16, v15;
	v16 =	vmov s17;
	v15 =	vld.idx.msk [tilespmem:v17+s13+$0x0], $0xffff  }
0x13a: {  	v20 =	vmul.f32 v54, v54;
	v19 =	vmul.f32 v62, v62;
	v22 =	vor.u32 $0x80, v16;
	v21 =	vld.idx.msk [tilespmem:v17+s2+$0x0], $0xffff  }
0x13b: {  	v8 =	vmul.f32 v8, v8;
	s19 =	simm.s32 $0x1;
	v1 =	vadd.f32 v9, v1;
	v9 =	vadd.f32 v10, v13;
	v10 =	vld.idx.msk [tilespmem:v17+s12+$0x0], $0xffff  }
0x13c: {  	v13 =	vmov s19;
	v17 =	vadd.f32 v20, v19;
	v19 =	vld.idx.msk [tilespmem:v18+s13+$0x0], $0xffff  }
0x13d: {  	v8 =	vadd.f32 v8, v11;
	v1 =	vadd.f32 v9, v1;
	v9 =	vor.u32 $0x80, v13;
	v11 =	vld.idx.msk [tilespmem:v18+s2+$0x0], $0xffff  }
0x13e: {  	v12 =	vshll.u32 v12, $0x7;
	v14 =	vshll.u32 v14, $0x7;
	v18 =	vld.idx.msk [tilespmem:v18+s12+$0x0], $0xffff;
	vm0 =	vgt.s32 v15, $0xCFFF  }
0x13f: {  	v16 =	vshll.u32 v16, $0x7;
	v15 =	vld.idx.msk [tilespmem:v22+s13+$0x0], $0xffff;
	vm1 =	vgt.s32 v21, $0xCFFF;
	v20 =	vsel vm0, v2, v0  }
0x140: {  	v21 =	vld.idx.msk [tilespmem:v22+s2+$0x0], $0xffff;
	v23 =	vsel vm1, v2, v0;
	vm0 =	vgt.s32 v10, $0xCFFF;
	v10 =	vor.u32 v12, v20  }
0x141: {  	v20 =	vld.idx.msk [tilespmem:v22+s12+$0x0], $0xffff;
	v22 =	vsel vm0, v2, v0;
	v23 =	vor.u32 v12, v23;
	vm0 =	vgt.s32 v19, $0xCFFF  }
0x142: {  	vm1 =	vgt.s32 v11, $0xCFFF;
	v19 =	vld.idx.msk [tilespmem:v9+s13+$0x0], $0xffff;
	v26 =	vor.u32 v12, v22;
	v11 =	vsel vm0, v2, v0  }
0x143: {  	v12 =	vld.idx.msk [tilespmem:v9+s2+$0x0], $0xffff;
	v22 =	vsel vm1, v2, v0;
	vm0 =	vgt.s32 v18, $0xCFFF;
	v11 =	vor.u32 v14, v11  }
0x144: {  	v9 =	vld.idx.msk [tilespmem:v9+s12+$0x0], $0xffff;
	v60 =	vor.u32 $0x10, v23;
	v27 =	vor.u32 v14, v22;
	vm1 =	vgt.s32 v15, $0xCFFF  }
0x145: {  	v15 =	vsel vm0, v2, v0;
	vm0 =	vgt.s32 v21, $0xCFFF;
	v47 =	vor.u32 $0x10, v27;
	v33 =	vld.idx.msk [tilespmem:v10+s26+$0x0], $0xffff  }
0x146: {  	v49 =	vor.u32 $0x20, v11;
	v18 =	vsel vm1, v2, v0;
	v28 =	vor.u32 v14, v15;
	v34 =	vld.idx.msk [tilespmem:v23+s22+$0x0], $0xffff  }
0x147: {  	v14 =	vsel vm0, v2, v0;
	v31 =	vor.u32 v16, v18;
	vm1 =	vgt.s32 v19, $0xCFFF;
	v35 =	vld.idx.msk [tilespmem:v26+s24+$0x0], $0xffff  }
0x148: {  	v36 =	vor.u32 v16, v14;
	v18 =	vshll.u32 v13, $0x7;
	v14 =	vsel vm1, v2, v0;
	v13 =	vld.idx.msk [tilespmem:v11+s26+$0x0], $0xffff  }
0x149: {  	v38 =	vor.u32 v18, v14;
	v14 =	vld.idx.msk [tilespmem:v27+s22+$0x0], $0xffff  }
0x14a: {  	v61 =	vor.u32 $0x10, v26;
	v62 =	vor.u32 $0x30, v27;
	v45 =	vor.u32 $0x20, v27;
	v27 =	vld.idx.msk [tilespmem:v60+s22+$0x0], $0xffff  }
0x14b: {  	vm0 =	vgt.s32 v20, $0xCFFF;
	v20 =	vor.u32 $0x30, v26;
	v46 =	vor.u32 $0x20, v28;
	v47 =	vld.idx.msk [tilespmem:v47+s22+$0x0], $0xffff  }
0x14c: {  	v15 =	vsel vm0, v2, v0;
	vm0 =	vgt.s32 v12, $0xCFFF;
	v26 =	vor.u32 $0x20, v26;
	v49 =	vld.idx.msk [tilespmem:v49+s26+$0x0], $0xffff  }
0x14d: {  	v7 =	vmul.f32 v7, v7;
	v63 =	vor.u32 $0x30, v36;
	v12 =	vsel vm0, v2, v0;
	v29 =	vld.idx.msk [tilespmem:v28+s24+$0x0], $0xffff  }
0x14e: {  	v53 =	vor.u32 $0x20, v31;
	v39 =	vor.u32 v18, v12;
	v12 =	vld.idx.msk [tilespmem:v31+s26+$0x0], $0xffff  }
0x14f: {  	v7 =	vadd.f32 v7, v17;
	v37 =	vor.u32 v16, v15;
	v17 =	vld.idx.msk [tilespmem:v36+s22+$0x0], $0xffff  }
0x150: {  	v32 =	vor.u32 $0x30, v11;
	v46 =	vld.idx.msk [tilespmem:v46+s24+$0x0], $0xffff  }
0x151: {  	v44 =	vor.u32 $0x30, v28;
	v48 =	vor.u32 $0x10, v28;
	v15 =	vor.u32 $0x30, v10;
	v28 =	vld.idx.msk [tilespmem:v26+s24+$0x0], $0xffff  }
0x152: {  	v52 =	vor.u32 $0x10, v11;
	vm0 =	vgt.s32 v9, $0xCFFF;
	v9 =	vor.u32 $0x20, v10;
	v11 =	vld.idx.msk [tilespmem:v63+s22+$0x0], $0xffff  }
0x153: {  	v1 =	vadd.f32 v8, v1;
	v10 =	vor.u32 $0x10, v10;
	v8 =	vsel vm0, v2, v0;
	v53 =	vld.idx.msk [tilespmem:v53+s26+$0x0], $0xffff  }
0x154: {  	v40 =	vor.u32 v18, v8;
	v18 =	vor.u32 $0x30, v23;
	v21 =	vld.idx.msk [tilespmem:v37+s24+$0x0], $0xffff  }
0x155: {  	v1 =	vadd.f32 v7, v1;
	v7 =	vor.u32 s19, v4;
	v24 =	vld.idx.msk [tilespmem:v38+s26+$0x0], $0xffff  }
0x156: {  	v30 =	vor.u32 $0x20, v23;
	v51 =	vor.u32 $0x30, v31;
	v55 =	vor.u32 $0x10, v31;
	v15 =	vld.idx.msk [tilespmem:v15+s26+$0x0], $0xffff  }
0x157: {  	v56 =	vor.u32 $0x20, v36;
	v54 =	vor.u32 $0x30, v37;
	v58 =	vor.u32 $0x20, v37;
	v23 =	vld.idx.msk [tilespmem:v9+s26+$0x0], $0xffff  }
0x158: {  	v59 =	vor.u32 $0x30, v38;
	v50 =	vor.u32 $0x10, v38;
	v60 =	vor.u32 $0x30, v39;
	v31 =	vld.idx.msk [tilespmem:v10+s26+$0x0], $0xffff  }
0x159: {  	v57 =	vor.u32 $0x10, v40;
	v36 =	vor.u32 $0x10, v36;
	v8 =	vsub.f32 v33, v35;
	v9 =	vld.idx.msk [tilespmem:v18+s22+$0x0], $0xffff  }
0x15a: {  	v43 =	vor.u32 $0x20, v40;
	v35 =	vmul.f32 v35, v35;
	v33 =	vmul.f32 v33, v33;
	v18 =	vld.idx.msk [tilespmem:v20+s24+$0x0], $0xffff  }
0x15b: {  	v37 =	vor.u32 $0x10, v37;
	v38 =	vor.u32 $0x20, v38;
	v16 =	vmul.f32 v8, v34;
	v20 =	vld.idx.msk [tilespmem:v30+s22+$0x0], $0xffff  }
0x15c: {  	v8 =	vor.u32 s17, v4;
	v34 =	vmul.f32 v34, v34;
	v19 =	vsub.f32 v13, v29;
	v30 =	vld.idx.msk [tilespmem:v61+s24+$0x0], $0xffff  }
0x15d: {  	v25 =	vld.idx.msk [tilespmem:v40+s24+$0x0], $0xffff;
	v61 =	vor.u32 $0x10, v39;
	v29 =	vmul.f32 v29, v29;
	v13 =	vmul.f32 v13, v13  }
0x15e: {  	v10 =	vld.idx.msk [tilespmem:v62+s22+$0x0], $0xffff;
	v34 =	vadd.f32 v35, v34;
	v19 =	vmul.f32 v19, v14;
	v14 =	vmul.f32 v14, v14  }
0x15f: {  	v22 =	vld.idx.msk [tilespmem:v39+s22+$0x0], $0xffff;
	v39 =	vor.u32 $0x20, v39;
	v35 =	vmul.f32 v27, v27;
	v63 =	vmul.f32 v53, v53  }
0x160: {  	v58 =	vld.idx.msk [tilespmem:v58+s24+$0x0], $0xffff;
	v34 =	vadd.f32 v33, v34;
	v14 =	vadd.f32 v29, v14;
	v29 =	vmul.f32 v47, v47  }
0x161: {  	v40 =	vor.u32 $0x30, v40;
	v26 =	vld.idx.msk [tilespmem:v60+s22+$0x0], $0xffff;
	v41 =	vmul.f32 v30, v30;
	v60 =	vmul.f32 v20, v20  }
0x162: {  	v42 =	vld.idx.msk [tilespmem:v61+s22+$0x0], $0xffff;
	v61 =	vmul.f32 v28, v28;
	v1 =	vadd.f32 v34, v1;
	v62 =	vmul.f32 v25, v25  }
0x163: {  	v57 =	vld.idx.msk [tilespmem:v57+s24+$0x0], $0xffff;
	v30 =	vsub.f32 v31, v30;
	v35 =	vadd.f32 v41, v35;
	v41 =	vmul.f32 v31, v31  }
0x164: {  	v33 =	vld.idx.msk [tilespmem:v39+s22+$0x0], $0xffff;
	v39 =	vadd.f32 v61, v60;
	v60 =	vmul.f32 v9, v9;
	v61 =	vmul.f32 v18, v18  }
0x165: {  	v52 =	vld.idx.msk [tilespmem:v52+s26+$0x0], $0xffff;
	v13 =	vadd.f32 v13, v14;
	v27 =	vmul.f32 v30, v27;
	v30 =	vsub.f32 v53, v58  }
0x166: {  	v43 =	vld.idx.msk [tilespmem:v43+s24+$0x0], $0xffff;
	v35 =	vadd.f32 v41, v35;
	v41 =	vmul.f32 v23, v23;
	v60 =	vadd.f32 v61, v60  }
0x167: {  	v50 =	vld.idx.msk [tilespmem:v50+s26+$0x0], $0xffff;
	v61 =	vmul.f32 v22, v22;
	v23 =	vsub.f32 v23, v28;
	v28 =	vsub.f32 v49, v46  }
0x168: {  	v59 =	vld.idx.msk [tilespmem:v59+s26+$0x0], $0xffff;
	v1 =	vadd.f32 v35, v1;
	v35 =	vadd.f32 v41, v39;
	v39 =	vmul.f32 v15, v15  }
0x169: {  	v34 =	vld.idx.msk [tilespmem:v40+s24+$0x0], $0xffff;
	v40 =	vadd.f32 v62, v61;
	v41 =	vmul.f32 v42, v42;
	v61 =	vmul.f32 v57, v57  }
0x16a: {  	v38 =	vld.idx.msk [tilespmem:v38+s26+$0x0], $0xffff;
	v1 =	vadd.f32 v35, v1;
	v35 =	vadd.f32 v39, v60;
	v39 =	vmul.f32 v24, v24  }
0x16b: {  	v36 =	vld.idx.msk [tilespmem:v36+s22+$0x0], $0xffff;
	v41 =	vadd.f32 v61, v41;
	v60 =	vmul.f32 v33, v33;
	v61 =	vmul.f32 v43, v43  }
0x16c: {  	v37 =	vld.idx.msk [tilespmem:v37+s24+$0x0], $0xffff;
	v14 =	vmul.f32 v52, v52;
	v24 =	vsub.f32 v24, v25;
	v1 =	vadd.f32 v35, v1  }
0x16d: {  	v35 =	vadd.f32 v39, v40;
	v39 =	vmul.f32 v50, v50;
	v40 =	vld.idx.msk [tilespmem:v56+s22+$0x0], $0xffff;
	v56 =	vadd.f32 v61, v60  }
0x16e: {  	v60 =	vmul.f32 v26, v26;
	v61 =	vmul.f32 v34, v34;
	v50 =	vsub.f32 v50, v57  }
0x16f: {  	v1 =	vadd.f32 v35, v1;
	v35 =	vadd.f32 v39, v41;
	v39 =	vmul.f32 v38, v38  }
0x170: {  	v41 =	vld.idx.msk [tilespmem:v55+s26+$0x0], $0xffff;
	v55 =	vadd.f32 v61, v60;
	v60 =	vmul.f32 v17, v17;
	v61 =	vmul.f32 v21, v21  }
0x171: {  	v54 =	vld.idx.msk [tilespmem:v54+s24+$0x0], $0xffff;
	v1 =	vadd.f32 v35, v1;
	v35 =	vadd.f32 v39, v56;
	v39 =	vmul.f32 v59, v59  }
0x172: {  	v56 =	vadd.f32 v61, v60;
	v60 =	vmul.f32 v36, v36;
	v61 =	vmul.f32 v37, v37  }
0x173: {  	v1 =	vadd.f32 v35, v1;
	v35 =	vadd.f32 v39, v55;
	v39 =	vmul.f32 v12, v12  }
0x174: {  	v51 =	vld.idx.msk [tilespmem:v51+s26+$0x0], $0xffff;
	v55 =	vadd.f32 v61, v60;
	v60 =	vmul.f32 v40, v40;
	v61 =	vmul.f32 v58, v58  }
0x175: {  	v1 =	vadd.f32 v35, v1;
	v35 =	vadd.f32 v39, v56;
	v39 =	vmul.f32 v41, v41  }
0x176: {  	v48 =	vld.idx.msk [tilespmem:v48+s24+$0x0], $0xffff;
	s17 =	simm.s32 $0x6;
	v56 =	vadd.f32 v61, v60;
	v60 =	vmul.f32 v11, v11;
	v61 =	vmul.f32 v54, v54  }
0x177: {  	v45 =	vld.idx.msk [tilespmem:v45+s22+$0x0], $0xffff;
	v53 =	vmov s17;
	v1 =	vadd.f32 v35, v1;
	v62 =	vadd.f32 v39, v55  }
0x178: {  	v22 =	vmul.f32 v24, v22;
	v21 =	vsub.f32 v12, v21;
	v61 =	vadd.f32 v61, v60  }
0x179: {  	v1 =	vadd.f32 v62, v1;
	v62 =	vadd.f32 v63, v56;
	v63 =	vmul.f32 v51, v51  }
0x17a: {  	v57 =	vor.u32 $0x80, v53;
	v42 =	vmul.f32 v50, v42;
	v17 =	vmul.f32 v21, v17  }
0x17b: {  	v44 =	vld.idx.msk [tilespmem:v44+s24+$0x0], $0xffff;
	v60 =	vmul.f32 v48, v48;
	v1 =	vadd.f32 v62, v1;
	v61 =	vadd.f32 v63, v61  }
0x17c: {  	s31 =	simm.s32 $0x7;
	v21 =	vadd.f32 v27, v16;
	v62 =	vmul.f32 v45, v45;
	v63 =	vmul.f32 v46, v46  }
0x17d: {  	v50 =	vmov s31;
	v29 =	vadd.f32 v60, v29;
	v1 =	vadd.f32 v61, v1  }
0x17e: {  	v37 =	vsub.f32 v41, v37;
	v39 =	vld.idx.msk [tilespmem:v32+s26+$0x0], $0xffff;
	v60 =	vmul.f32 v10, v10;
	v32 =	vadd.f32 v63, v62  }
0x17f: {  	v1 =	vadd.f32 v13, v1;
	v13 =	vadd.f32 v14, v29;
	v14 =	vor.u32 s0, v4;
	s0 =	simm.s32 $0x4  }
0x180: {  	v61 =	vmul.f32 v44, v44;
	v63 =	vsub.f32 v52, v48;
	v48 =	vmov s0  }
0x181: {  	s19 =	simm.s32 $0x5;
	v55 =	vadd.f32 v42, v22;
	v29 =	vmul.f32 v49, v49;
	v25 =	vor.u32 $0x80, v48  }
0x182: {  	v16 =	vmov s19;
	v22 =	vsub.f32 v15, v18;
	v35 =	vadd.f32 v61, v60  }
0x183: {  	v62 =	vmul.f32 v39, v39;
	v1 =	vadd.f32 v13, v1;
	v29 =	vadd.f32 v29, v32  }
0x184: {  	v18 =	vshll.u32 v50, $0x7;
	v52 =	vor.u32 $0x80, v50;
	v31 =	vmul.f32 v63, v47  }
0x185: {  	v15 =	vshll.u32 v53, $0x7;
	v1 =	vadd.f32 v29, v1;
	v29 =	vadd.f32 v62, v35  }
0x186: {  	v24 =	vadd.f32 v31, v19;
	v19 =	vsub.f32 v59, v34;
	v59 =	vmul.f32 v30, v40;
	v56 =	vld.idx.msk [tilespmem:v25+s13+$0x0], $0xffff  }
0x187: {  	v12 =	vadd.f32 v29, v1;
	v1 =	vsub.f32 v38, v43;
	v29 =	vmul.f32 v37, v36;
	v58 =	vld.idx.msk [tilespmem:v25+s2+$0x0], $0xffff  }
0x188: {  	v13 =	vor.u32 s15, v4;
	v32 =	vmul.f32 v28, v45;
	v31 =	vmul.f32 v23, v20;
	v28 =	vld.idx.msk [tilespmem:v25+s12+$0x0], $0xffff  }
0x189: {  	v30 =	vsub.f32 v51, v54;
	v60 =	vld.idx.msk [tilespmem:v52+s13+$0x0], $0xffff;
	v1 =	vmul.f32 v1, v33;
	v29 =	vadd.f32 v29, v17  }
0x18a: {  	v61 =	vld.idx.msk [tilespmem:v52+s2+$0x0], $0xffff;
	v27 =	vmul.f32 v19, v26;
	v17 =	vor.u32 $0x80, v16;
	v33 =	vsub.f32 v39, v44  }
0x18b: {  	v19 =	vld.idx.msk [tilespmem:v52+s12+$0x0], $0xffff;
	v23 =	vadd.f32 v1, v55;
	v25 =	vadd.f32 v59, v29;
	vm0 =	vgt.s32 v56, $0xCFFF  }
0x18c: {  	v26 =	vld.idx.msk [tilespmem:v57+s13+$0x0], $0xffff;
	v1 =	vshll.u32 v48, $0x7;
	vm1 =	vgt.s32 v58, $0xCFFF;
	v20 =	vsel vm0, v2, v0  }
0x18d: {  	v29 =	vld.idx.msk [tilespmem:v57+s2+$0x0], $0xffff;
	v62 =	vsel vm1, v2, v0;
	vm0 =	vgt.s32 v28, $0xCFFF;
	v28 =	vor.u32 v1, v20  }
0x18e: {  	vm1 =	vgt.s32 v60, $0xCFFF;
	v20 =	vld.idx.msk [tilespmem:v57+s12+$0x0], $0xffff;
	v63 =	vsel vm0, v2, v0;
	v35 =	vor.u32 v1, v62  }
0x18f: {  	s15 =	simm.s32 $0x8;
	v36 =	vld.idx.msk [tilespmem:v17+s13+$0x0], $0xffff;
	vm0 =	vgt.s32 v61, $0xCFFF;
	v37 =	vsel vm1, v2, v0;
	v34 =	vor.u32 v1, v63  }
.LBB2_6:
0x190: {  	p0 =	slt.u32 s15, $0x7C;
	v1 =	vld.idx.msk [tilespmem:v17+s2+$0x0], $0xffff;
	v38 =	vsel vm0, v2, v0;
	vm0 =	vgt.s32 v19, $0xCFFF;
	v39 =	vor.u32 v18, v37  }
0x191: {  	vm1 =	vgt.s32 v26, $0xCFFF;
	v17 =	vld.idx.msk [tilespmem:v17+s12+$0x0], $0xffff;
	v19 =	vsel vm0, v2, v0;
	v38 =	vor.u32 v18, v38  }
0x192: {  	vm0 =	vgt.s32 v29, $0xCFFF;
	v26 =	vsel vm1, v2, v0;
	v40 =	vld.idx.msk [tilespmem:v28+s26+$0x0], $0xffff;
	v41 =	vor.u32 v18, v19  }
0x193: {  	v18 =	vsel vm0, v2, v0;
	vm0 =	vgt.s32 v20, $0xCFFF;
	v46 =	vor.u32 v15, v26;
	v45 =	vld.idx.msk [tilespmem:v35+s22+$0x0], $0xffff  }
0x194: {  	vm1 =	vgt.s32 v36, $0xCFFF;
	v19 =	vsel vm0, v2, v0;
	v36 =	vor.u32 v15, v18;
	v47 =	vld.idx.msk [tilespmem:v34+s24+$0x0], $0xffff  }
0x195: {  	v16 =	vshll.u32 v16, $0x7;
	v18 =	vsel vm1, v2, v0;
	v48 =	vor.u32 v15, v19;
	v26 =	vld.idx.msk [tilespmem:v39+s26+$0x0], $0xffff  }
0x196: {  	v19 =	vadd.f32 v32, v24;
	vm0 =	vgt.s32 v1, $0xCFFF;
	v1 =	vor.u32 v16, v18;
	v29 =	vld.idx.msk [tilespmem:v38+s22+$0x0], $0xffff  }
0x197: {  	v15 =	vor.u32 $0x30, v28;
	v18 =	vsel vm0, v2, v0;
	vm0 =	vgt.s32 v17, $0xCFFF;
	v32 =	vld.idx.msk [tilespmem:v41+s24+$0x0], $0xffff  }
0x198: {  	v20 =	vadd.f32 v31, v21;
	v17 =	vsel vm0, v2, v0;
	v49 =	vor.u32 v16, v18;
	v18 =	vld.idx.msk [tilespmem:v46+s26+$0x0], $0xffff  }
0x199: {  	v11 =	vmul.f32 v30, v11;
	v10 =	vmul.f32 v33, v10;
	v50 =	vor.u32 v16, v17;
	v17 =	vld.idx.msk [tilespmem:v36+s22+$0x0], $0xffff  }
0x19a: {  	v30 =	vor.u32 $0x20, v28;
	v9 =	vmul.f32 v22, v9;
	v16 =	vsub.f32 v40, v47;
	v21 =	vld.idx.msk [tilespmem:v48+s24+$0x0], $0xffff  }
0x19b: {  	v22 =	vor.u32 $0x30, v35;
	v31 =	vadd.f32 v27, v23;
	v11 =	vadd.f32 v11, v25;
	v24 =	vld.idx.msk [tilespmem:v1+s26+$0x0], $0xffff  }
0x19c: {  	v33 =	vor.u32 $0x30, v34;
	v10 =	vadd.f32 v10, v19;
	v16 =	vmul.f32 v16, v45;
	v15 =	vld.idx.msk [tilespmem:v15+s26+$0x0], $0xffff  }
0x19d: {  	v44 =	vor.u32 $0x20, v35;
	v51 =	vadd.f32 v9, v20;
	v19 =	vsub.f32 v26, v32;
	v23 =	vld.idx.msk [tilespmem:v49+s22+$0x0], $0xffff  }
0x19e: {  	v42 =	vor.u32 s17, v4;
	v35 =	vor.u32 $0x10, v35;
	v27 =	vld.idx.msk [tilespmem:v50+s24+$0x0], $0xffff;
	[tilespmem:v7+s29+$0x0] =	vst.idx.msk $0xffff, v31;
	v7 =	vor.u32 s19, v4  }
0x19f: {  	v28 =	vor.u32 $0x10, v28;
	v31 =	vor.u32 $0x10, v34;
	v20 =	vmul.f32 v19, v29;
	v25 =	vld.idx.msk [tilespmem:v30+s26+$0x0], $0xffff;
	[tilespmem:v8+s29+$0x0] =	vst.idx.msk $0xffff, v11  }
0x1a0: {  	v52 =	vor.u32 $0x30, v38;
	v37 =	vor.u32 $0x30, v41;
	v11 =	vor.u32 $0x20, v34;
	v8 =	vmovc v42;
	v9 =	vld.idx.msk [tilespmem:v22+s22+$0x0], $0xffff;
	[tilespmem:v14+s29+$0x0] =	vst.idx.msk $0xffff, v10  }
0x1a1: {  	v43 =	vor.u32 $0x20, v38;
	v42 =	vor.u32 $0x20, v41;
	v14 =	vor.u32 $0x30, v39;
	v19 =	vld.idx.msk [tilespmem:v33+s24+$0x0], $0xffff;
	[tilespmem:v13+s29+$0x0] =	vst.idx.msk $0xffff, v51  }
0x1a2: {  	v53 =	vor.u32 $0x10, v41;
	v51 =	vor.u32 $0x10, v38;
	v13 =	vor.u32 $0x20, v39;
	v22 =	vld.idx.msk [tilespmem:v44+s22+$0x0], $0xffff  }
0x1a3: {  	v54 =	vor.u32 $0x30, v46;
	v44 =	vor.u32 $0x10, v39;
	v30 =	vld.idx.msk [tilespmem:v35+s22+$0x0], $0xffff;
	v35 =	vor.u32 $0x30, v36  }
0x1a4: {  	v55 =	vor.u32 $0x20, v46;
	v56 =	vor.u32 $0x30, v48;
	v38 =	vor.u32 $0x30, v49;
	v33 =	vld.idx.msk [tilespmem:v31+s24+$0x0], $0xffff  }
0x1a5: {  	v57 =	vor.u32 $0x10, v46;
	v41 =	vor.u32 $0x20, v36;
	v39 =	vor.u32 $0x10, v49;
	v31 =	vld.idx.msk [tilespmem:v11+s24+$0x0], $0xffff  }
0x1a6: {  	v58 =	vor.u32 $0x10, v36;
	v59 =	vor.u32 $0x20, v48;
	v46 =	vor.u32 $0x10, v50;
	v34 =	vld.idx.msk [tilespmem:v28+s26+$0x0], $0xffff  }
0x1a7: {  	v60 =	vor.u32 $0x10, v48;
	v36 =	vor.u32 $0x20, v49;
	v49 =	vor.u32 $0x30, v1;
	v10 =	vld.idx.msk [tilespmem:v52+s22+$0x0], $0xffff  }
0x1a8: {  	v47 =	vmul.f32 v47, v47;
	v48 =	vor.u32 $0x20, v50;
	v45 =	vmul.f32 v45, v45;
	v11 =	vld.idx.msk [tilespmem:v35+s22+$0x0], $0xffff  }
0x1a9: {  	v52 =	vor.u32 $0x10, v1;
	v35 =	vmul.f32 v40, v40;
	v28 =	vld.idx.msk [tilespmem:v38+s22+$0x0], $0xffff;
	v38 =	vor.u32 $0x30, v50  }
0x1aa: {  	v45 =	vadd.f32 v47, v45;
	v47 =	vmul.f32 v30, v30;
	v50 =	vmul.f32 v33, v33;
	v40 =	vld.idx.msk [tilespmem:v39+s22+$0x0], $0xffff  }
0x1ab: {  	v1 =	vor.u32 $0x20, v1;
	v39 =	vmul.f32 v22, v22;
	v61 =	vmul.f32 v31, v31;
	v46 =	vld.idx.msk [tilespmem:v46+s24+$0x0], $0xffff  }
0x1ac: {  	v45 =	vadd.f32 v35, v45;
	v47 =	vadd.f32 v50, v47;
	v50 =	vmul.f32 v34, v34;
	v35 =	vld.idx.msk [tilespmem:v36+s22+$0x0], $0xffff  }
0x1ad: {  	v62 =	vmul.f32 v19, v19;
	v61 =	vadd.f32 v61, v39;
	v36 =	vmul.f32 v9, v9;
	v39 =	vld.idx.msk [tilespmem:v48+s24+$0x0], $0xffff  }
0x1ae: {  	v12 =	vadd.f32 v45, v12;
	v45 =	vadd.f32 v50, v47;
	v47 =	vmul.f32 v25, v25;
	v50 =	vld.idx.msk [tilespmem:v52+s26+$0x0], $0xffff  }
0x1af: {  	v48 =	vmul.f32 v23, v23;
	v52 =	vadd.f32 v62, v36;
	v62 =	vmul.f32 v27, v27;
	v36 =	vld.idx.msk [tilespmem:v38+s24+$0x0], $0xffff  }
0x1b0: {  	v12 =	vadd.f32 v45, v12;
	v38 =	vadd.f32 v47, v61;
	v45 =	vmul.f32 v15, v15;
	v47 =	vld.idx.msk [tilespmem:v1+s26+$0x0], $0xffff  }
0x1b1: {  	v61 =	vmul.f32 v40, v40;
	v1 =	vadd.f32 v62, v48;
	v62 =	vmul.f32 v46, v46;
	v48 =	vld.idx.msk [tilespmem:v58+s22+$0x0], $0xffff  }
0x1b2: {  	v12 =	vadd.f32 v38, v12;
	v45 =	vadd.f32 v45, v52;
	v52 =	vmul.f32 v24, v24;
	v38 =	vld.idx.msk [tilespmem:v49+s26+$0x0], $0xffff  }
0x1b3: {  	v58 =	vmul.f32 v35, v35;
	v49 =	vadd.f32 v62, v61;
	v61 =	vmul.f32 v39, v39;
	v60 =	vld.idx.msk [tilespmem:v60+s24+$0x0], $0xffff  }
0x1b4: {  	v12 =	vadd.f32 v45, v12;
	v1 =	vadd.f32 v52, v1;
	v45 =	vmul.f32 v50, v50;
	v41 =	vld.idx.msk [tilespmem:v41+s22+$0x0], $0xffff  }
0x1b5: {  	v52 =	vadd.f32 v61, v58;
	v58 =	vmul.f32 v28, v28;
	v61 =	vmul.f32 v36, v36;
	v59 =	vld.idx.msk [tilespmem:v59+s24+$0x0], $0xffff  }
0x1b6: {  	v1 =	vadd.f32 v1, v12;
	v12 =	vadd.f32 v45, v49;
	v49 =	vmul.f32 v47, v47;
	v57 =	vld.idx.msk [tilespmem:v57+s26+$0x0], $0xffff  }
0x1b7: {  	v62 =	vmul.f32 v21, v21;
	v58 =	vadd.f32 v61, v58;
	v61 =	vmul.f32 v17, v17;
	v45 =	vld.idx.msk [tilespmem:v56+s24+$0x0], $0xffff  }
0x1b8: {  	v1 =	vadd.f32 v12, v1;
	v12 =	vadd.f32 v49, v52;
	v49 =	vmul.f32 v38, v38;
	v52 =	vld.idx.msk [tilespmem:v55+s26+$0x0], $0xffff  }
0x1b9: {  	v56 =	vmul.f32 v48, v48;
	v55 =	vadd.f32 v62, v61;
	v61 =	vmul.f32 v60, v60;
	v51 =	vld.idx.msk [tilespmem:v51+s22+$0x0], $0xffff  }
0x1ba: {  	v1 =	vadd.f32 v12, v1;
	v12 =	vadd.f32 v49, v58;
	v49 =	vmul.f32 v18, v18;
	v54 =	vld.idx.msk [tilespmem:v54+s26+$0x0], $0xffff  }
0x1bb: {  	v58 =	vmul.f32 v41, v41;
	v56 =	vadd.f32 v61, v56;
	v61 =	vmul.f32 v59, v59;
	v53 =	vld.idx.msk [tilespmem:v53+s24+$0x0], $0xffff  }
0x1bc: {  	v1 =	vadd.f32 v12, v1;
	v12 =	vadd.f32 v49, v55;
	v49 =	vmul.f32 v57, v57;
	v43 =	vld.idx.msk [tilespmem:v43+s22+$0x0], $0xffff  }
0x1bd: {  	v55 =	vadd.f32 v61, v58;
	v58 =	vmul.f32 v11, v11;
	v61 =	vmul.f32 v45, v45;
	v42 =	vld.idx.msk [tilespmem:v42+s24+$0x0], $0xffff  }
0x1be: {  	v1 =	vadd.f32 v12, v1;
	v12 =	vadd.f32 v49, v56;
	v49 =	vmul.f32 v52, v52;
	v44 =	vld.idx.msk [tilespmem:v44+s26+$0x0], $0xffff  }
0x1bf: {  	v32 =	vmul.f32 v32, v32;
	v29 =	vmul.f32 v29, v29;
	v56 =	vadd.f32 v61, v58;
	v37 =	vld.idx.msk [tilespmem:v37+s24+$0x0], $0xffff  }
0x1c0: {  	v1 =	vadd.f32 v12, v1;
	v12 =	vadd.f32 v49, v55;
	v49 =	vmul.f32 v54, v54;
	v55 =	vld.idx.msk [tilespmem:v13+s26+$0x0], $0xffff  }
0x1c1: {  	v13 =	vadd.f32 v32, v29;
	v29 =	vmul.f32 v51, v51;
	v32 =	vmul.f32 v53, v53  }
0x1c2: {  	v26 =	vmul.f32 v26, v26;
	v1 =	vadd.f32 v12, v1;
	v12 =	vadd.f32 v49, v56;
	v49 =	vld.idx.msk [tilespmem:v14+s26+$0x0], $0xffff  }
0x1c3: {  	v14 =	vadd.f32 v32, v29;
	v29 =	vmul.f32 v43, v43;
	v32 =	vmul.f32 v42, v42  }
0x1c4: {  	v1 =	vadd.f32 v12, v1;
	v12 =	vadd.f32 v26, v13;
	v13 =	vmul.f32 v44, v44  }
0x1c5: {  	v26 =	vadd.f32 v32, v29;
	v29 =	vmul.f32 v10, v10;
	v32 =	vmul.f32 v37, v37  }
0x1c6: {  	v1 =	vadd.f32 v12, v1;
	v12 =	vadd.f32 v13, v14;
	v13 =	vmul.f32 v55, v55  }
0x1c7: {  	v46 =	vsub.f32 v50, v46;
	v14 =	vor.u32 s31, v4;
	v29 =	vadd.f32 v32, v29  }
0x1c8: {  	v1 =	vadd.f32 v12, v1;
	v12 =	vadd.f32 v13, v26;
	v26 =	vmul.f32 v49, v49  }
0x1c9: {  	v44 =	vsub.f32 v44, v53;
	v32 =	vmul.f32 v46, v40;
	v40 =	vsub.f32 v57, v60  }
0x1ca: {  	v13 =	vor.u32 s0, v4;
	s0 =	smov.u32 s15;
	v1 =	vadd.f32 v12, v1;
	v12 =	vadd.f32 v26, v29  }
0x1cb: {  	v24 =	vsub.f32 v24, v27;
	v26 =	vmov s15;
	v29 =	vsub.f32 v34, v33  }
0x1cc: {  	v18 =	vsub.f32 v18, v21;
	v27 =	vor.u32 $0x80, v26;
	v12 =	vadd.f32 v12, v1  }
0x1cd: {  	s31 =	sadd.s32 $0x3, s15;
	v21 =	vmul.f32 v40, v48;
	v33 =	vmul.f32 v44, v51;
	v1 =	vsub.f32 v47, v39  }
0x1ce: {  	v23 =	vmul.f32 v24, v23;
	v34 =	vmov s31;
	v29 =	vmul.f32 v29, v30  }
0x1cf: {  	v17 =	vmul.f32 v18, v17;
	v18 =	vsub.f32 v52, v59;
	v39 =	vor.u32 $0x80, v34  }
0x1d0: {  	s17 =	sadd.s32 $0x2, s15;
	v25 =	vsub.f32 v25, v31;
	v30 =	vsub.f32 v55, v42;
	v1 =	vmul.f32 v1, v35  }
0x1d1: {  	v40 =	vmov s17;
	v23 =	vadd.f32 v32, v23;
	v42 =	vadd.f32 v21, v17;
	v35 =	vld.idx.msk [tilespmem:v27+s13+$0x0], $0xffff  }
0x1d2: {  	v46 =	vor.u32 $0x80, v40;
	v24 =	vadd.f32 v33, v20;
	v21 =	vadd.f32 v29, v16;
	v44 =	vld.idx.msk [tilespmem:v27+s2+$0x0], $0xffff  }
0x1d3: {  	s19 =	sadd.s32 $0x1, s15;
	v18 =	vmul.f32 v18, v41;
	v32 =	vmul.f32 v30, v43;
	v20 =	vld.idx.msk [tilespmem:v27+s12+$0x0], $0xffff;
	v27 =	vsub.f32 v38, v36  }
0x1d4: {  	v31 =	vmul.f32 v25, v22;
	v16 =	vmov s19;
	v30 =	vsub.f32 v54, v45;
	v38 =	vld.idx.msk [tilespmem:v39+s13+$0x0], $0xffff  }
0x1d5: {  	v22 =	vsub.f32 v15, v19;
	v33 =	vsub.f32 v49, v37;
	v17 =	vor.u32 $0x80, v16;
	v41 =	vld.idx.msk [tilespmem:v39+s2+$0x0], $0xffff  }
0x1d6: {  	v25 =	vadd.f32 v18, v42;
	v23 =	vadd.f32 v1, v23;
	v27 =	vmul.f32 v27, v28;
	v19 =	vld.idx.msk [tilespmem:v39+s12+$0x0], $0xffff  }
.Ltmp2:
0x1d7: {  	v18 =	vshll.u32 v34, $0x7;
	v1 =	vshll.u32 v26, $0x7;
	vm0 =	vgt.s32 v35, $0xCFFF;
	v26 =	vld.idx.msk [tilespmem:v46+s13+$0x0], $0xffff;
	(pc) =	sbr.rel @p0 .LBB2_6-.Ltmp2, $4  }
0x1d8: {  	v15 =	vshll.u32 v40, $0x7;
	vm1 =	vgt.s32 v44, $0xCFFF;
	v28 =	vsel vm0, v2, v0;
	v29 =	vld.idx.msk [tilespmem:v46+s2+$0x0], $0xffff  }
0x1d9: {  	v34 =	vsel vm1, v2, v0;
	vm0 =	vgt.s32 v20, $0xCFFF;
	v28 =	vor.u32 v1, v28;
	v20 =	vld.idx.msk [tilespmem:v46+s12+$0x0], $0xffff  }
0x1da: {  	v37 =	vsel vm0, v2, v0;
	v35 =	vor.u32 v1, v34;
	vm1 =	vgt.s32 v38, $0xCFFF;
	v36 =	vld.idx.msk [tilespmem:v17+s13+$0x0], $0xffff  }
0x1db: {  	s15 =	sadd.s32 $0x4, s15;
	v34 =	vor.u32 v1, v37;
	vm0 =	vgt.s32 v41, $0xCFFF;
	v37 =	vsel vm1, v2, v0  }
0x1dc: {  	v39 =	vor.u32 v18, v37;
	_ =	sdelay $0x4  }
0x1dd: {  	v38 =	vsel vm0, v2, v0;
	vm0 =	vgt.s32 v19, $0xCFFF;
	v52 =	vld.idx.msk [tilespmem:v39+s26+$0x0], $0xffff  }
0x1de: {  	v1 =	vld.idx.msk [tilespmem:v17+s2+$0x0], $0xffff;
	vm1 =	vgt.s32 v26, $0xCFFF;
	v19 =	vsel vm0, v2, v0;
	v38 =	vor.u32 v18, v38  }
0x1df: {  	v17 =	vld.idx.msk [tilespmem:v17+s12+$0x0], $0xffff;
	vm0 =	vgt.s32 v29, $0xCFFF;
	v26 =	vsel vm1, v2, v0;
	v41 =	vor.u32 v18, v19  }
0x1e0: {  	v40 =	vld.idx.msk [tilespmem:v28+s26+$0x0], $0xffff;
	v18 =	vsel vm0, v2, v0;
	vm0 =	vgt.s32 v20, $0xCFFF;
	v29 =	vor.u32 v15, v26  }
0x1e1: {  	v42 =	vld.idx.msk [tilespmem:v35+s22+$0x0], $0xffff;
	vm1 =	vgt.s32 v36, $0xCFFF;
	v19 =	vsel vm0, v2, v0;
	v37 =	vor.u32 v15, v18  }
0x1e2: {  	v43 =	vld.idx.msk [tilespmem:v34+s24+$0x0], $0xffff;
	v20 =	vshll.u32 v16, $0x7;
	v18 =	vsel vm1, v2, v0;
	v44 =	vor.u32 v15, v19;
	[tilespmem:$0x1FFF0] =	vst v52  }
0x1e3: {  	vm0 =	vgt.s32 v1, $0xCFFF;
	v1 =	vor.u32 v20, v18;
	v16 =	vld.idx.msk [tilespmem:v38+s22+$0x0], $0xffff  }
0x1e4: {  	v26 =	vor.u32 $0x30, v28;
	v18 =	vsel vm0, v2, v0;
	vm0 =	vgt.s32 v17, $0xCFFF;
	v17 =	vld.idx.msk [tilespmem:v41+s24+$0x0], $0xffff  }
0x1e5: {  	v47 =	vor.u32 $0x20, v28;
	v19 =	vsel vm0, v2, v0;
	v45 =	vor.u32 v20, v18;
	v18 =	vld.idx.msk [tilespmem:v29+s26+$0x0], $0xffff  }
0x1e6: {  	v48 =	vor.u32 $0x30, v35;
	v46 =	vor.u32 v20, v19;
	v20 =	vld.idx.msk [tilespmem:v37+s22+$0x0], $0xffff  }
0x1e7: {  	v49 =	vor.u32 $0x30, v34;
	v19 =	vld.idx.msk [tilespmem:v44+s24+$0x0], $0xffff  }
0x1e8: {  	v50 =	vor.u32 $0x20, v35;
	v36 =	vld.idx.msk [tilespmem:v1+s26+$0x0], $0xffff  }
0x1e9: {  	v31 =	vadd.f32 v31, v21;
	v56 =	vor.u32 $0x10, v35;
	v26 =	vld.idx.msk [tilespmem:v26+s26+$0x0], $0xffff  }
0x1ea: {  	v11 =	vmul.f32 v30, v11;
	v57 =	vor.u32 $0x10, v34;
	v21 =	vsub.f32 v40, v43;
	v30 =	vld.idx.msk [tilespmem:v47+s26+$0x0], $0xffff  }
0x1eb: {  	v32 =	vadd.f32 v32, v24;
	v58 =	vmul.f32 v22, v9;
	v59 =	vor.u32 $0x20, v34;
	v15 =	vld.idx.msk [tilespmem:v48+s22+$0x0], $0xffff  }
0x1ec: {  	v10 =	vmul.f32 v33, v10;
	v28 =	vor.u32 $0x10, v28;
	v22 =	vmul.f32 v21, v42;
	v21 =	vld.idx.msk [tilespmem:v49+s24+$0x0], $0xffff  }
0x1ed: {  	v27 =	vadd.f32 v27, v23;
	v31 =	vadd.f32 v58, v31;
	v58 =	vor.u32 $0x10, v1;
	v23 =	vld.idx.msk [tilespmem:v50+s22+$0x0], $0xffff  }
0x1ee: {  	v25 =	vadd.f32 v11, v25;
	v53 =	vor.u32 $0x30, v41;
	v35 =	vld.idx.msk [tilespmem:v56+s22+$0x0], $0xffff  }
0x1ef: {  	v32 =	vadd.f32 v10, v32;
	v10 =	vor.u32 s19, v4;
	v11 =	vor.u32 s17, v4;
	v33 =	vld.idx.msk [tilespmem:v57+s24+$0x0], $0xffff  }
0x1f0: {  	v54 =	vor.u32 $0x20, v38;
	v43 =	vmul.f32 v43, v43;
	v42 =	vmul.f32 v42, v42;
	v34 =	vld.idx.msk [tilespmem:v59+s24+$0x0], $0xffff  }
0x1f1: {  	v55 =	vor.u32 $0x20, v41;
	v40 =	vmul.f32 v40, v40;
	v62 =	vor.u32 $0x30, v45;
	v28 =	vld.idx.msk [tilespmem:v28+s26+$0x0], $0xffff  }
0x1f2: {  	v63 =	vor.u32 $0x10, v45;
	v60 =	vor.u32 $0x10, v46;
	v42 =	vadd.f32 v43, v42;
	v58 =	vld.idx.msk [tilespmem:v58+s26+$0x0], $0xffff  }
0x1f3: {  	v56 =	vor.u32 $0x20, v46;
	v57 =	vor.u32 $0x30, v39;
	v41 =	vor.u32 $0x10, v41;
	v53 =	vld.idx.msk [tilespmem:v53+s24+$0x0], $0xffff  }
0x1f4: {  	v59 =	vor.u32 $0x20, v39;
	[tilespmem:v7+s29+$0x0] =	vst.idx.msk $0xffff, v27;
	v7 =	vor.u32 $0x10, v39;
	v50 =	vor.u32 $0x20, v1;
	v24 =	vld.idx.msk [tilespmem:v45+s22+$0x0], $0xffff  }
0x1f5: {  	v27 =	vor.u32 $0x20, v29;
	[tilespmem:v8+s29+$0x0] =	vst.idx.msk $0xffff, v25;
	v25 =	vor.u32 $0x30, v44;
	v8 =	vor.u32 $0x10, v29;
	v51 =	vld.idx.msk [tilespmem:v46+s24+$0x0], $0xffff  }
0x1f6: {  	v1 =	vor.u32 $0x30, v1;
	[tilespmem:v14+s29+$0x0] =	vst.idx.msk $0xffff, v32;
	v14 =	vor.u32 $0x20, v37;
	v32 =	vor.u32 $0x10, v44;
	v49 =	vld.idx.msk [tilespmem:v62+s22+$0x0], $0xffff  }
0x1f7: {  	v44 =	vor.u32 $0x20, v44;
	v40 =	vadd.f32 v40, v42;
	[tilespmem:v13+s29+$0x0] =	vst.idx.msk $0xffff, v31;
	v13 =	vor.u32 $0x30, v37;
	v47 =	vld.idx.msk [tilespmem:v63+s22+$0x0], $0xffff  }
0x1f8: {  	v45 =	vor.u32 $0x20, v45;
	v61 =	vsub.f32 v52, v17;
	v56 =	vld.idx.msk [tilespmem:v56+s24+$0x0], $0xffff;
	v43 =	vmul.f32 v35, v35  }
0x1f9: {  	v46 =	vor.u32 $0x30, v46;
	v62 =	vmul.f32 v23, v23;
	v63 =	vmul.f32 v34, v34;
	v50 =	vld.idx.msk [tilespmem:v50+s26+$0x0], $0xffff  }
0x1fa: {  	v12 =	vadd.f32 v40, v12;
	v39 =	vld.idx.msk [tilespmem:v60+s24+$0x0], $0xffff;
	v48 =	vmul.f32 v61, v16;
	v61 =	vmul.f32 v33, v33  }
0x1fb: {  	v60 =	vor.u32 $0x10, v37;
	v52 =	vor.u32 $0x30, v38;
	v38 =	vor.u32 $0x10, v38;
	v9 =	vld.idx.msk [tilespmem:v1+s26+$0x0], $0xffff  }
0x1fc: {  	v32 =	vld.idx.msk [tilespmem:v32+s24+$0x0], $0xffff;
	v42 =	vadd.f32 v61, v43;
	v43 =	vmul.f32 v28, v28;
	v61 =	vadd.f32 v63, v62  }
0x1fd: {  	v14 =	vld.idx.msk [tilespmem:v14+s22+$0x0], $0xffff;
	v62 =	vmul.f32 v15, v15;
	v63 =	vmul.f32 v21, v21;
	v21 =	vsub.f32 v26, v21  }
0x1fe: {  	v44 =	vld.idx.msk [tilespmem:v44+s24+$0x0], $0xffff;
	v1 =	vmul.f32 v56, v56;
	v37 =	vmul.f32 v50, v50;
	v50 =	vsub.f32 v50, v56  }
0x1ff: {  	v8 =	vld.idx.msk [tilespmem:v8+s26+$0x0], $0xffff;
	v40 =	vadd.f32 v43, v42;
	v42 =	vmul.f32 v30, v30;
	v43 =	vadd.f32 v63, v62  }
0x200: {  	v45 =	vld.idx.msk [tilespmem:v45+s22+$0x0], $0xffff;
	v62 =	vmul.f32 v24, v24;
	v63 =	vmul.f32 v51, v51;
	v30 =	vsub.f32 v30, v34  }
0x201: {  	v41 =	vld.idx.msk [tilespmem:v41+s24+$0x0], $0xffff;
	v15 =	vmul.f32 v21, v15;
	v12 =	vadd.f32 v40, v12;
	v40 =	vadd.f32 v42, v61  }
0x202: {  	v27 =	vld.idx.msk [tilespmem:v27+s26+$0x0], $0xffff;
	v42 =	vmul.f32 v26, v26;
	v61 =	vadd.f32 v63, v62;
	v62 =	vmul.f32 v47, v47  }
0x203: {  	v46 =	vld.idx.msk [tilespmem:v46+s24+$0x0], $0xffff;
	v63 =	vmul.f32 v39, v39;
	v39 =	vsub.f32 v58, v39;
	v23 =	vmul.f32 v30, v23  }
0x204: {  	v40 =	vadd.f32 v40, v12;
	v42 =	vadd.f32 v42, v43;
	v12 =	vld.idx.msk [tilespmem:v7+s26+$0x0], $0xffff;
	v7 =	vor.u32 $0x30, v29  }
0x205: {  	v60 =	vld.idx.msk [tilespmem:v60+s22+$0x0], $0xffff;
	v43 =	vmul.f32 v36, v36;
	v62 =	vadd.f32 v63, v62;
	v63 =	vmul.f32 v45, v45  }
0x206: {  	v38 =	vld.idx.msk [tilespmem:v38+s22+$0x0], $0xffff;
	v39 =	vmul.f32 v39, v47;
	v47 =	vsub.f32 v8, v32;
	v45 =	vmul.f32 v50, v45  }
0x207: {  	v29 =	vadd.f32 v42, v40;
	v31 =	vadd.f32 v43, v61;
	v61 =	vmul.f32 v58, v58;
	v43 =	vld.idx.msk [tilespmem:v55+s24+$0x0], $0xffff  }
0x208: {  	v1 =	vadd.f32 v1, v63;
	v40 =	vmul.f32 v49, v49;
	v55 =	vld.idx.msk [tilespmem:v59+s26+$0x0], $0xffff;
	v63 =	vsub.f32 v18, v19  }
0x209: {  	v42 =	vmul.f32 v46, v46;
	v29 =	vadd.f32 v31, v29;
	v59 =	vld.idx.msk [tilespmem:v7+s26+$0x0], $0xffff;
	v7 =	vsub.f32 v28, v33  }
0x20a: {  	v25 =	vld.idx.msk [tilespmem:v25+s24+$0x0], $0xffff;
	v47 =	vmul.f32 v47, v60;
	v31 =	vadd.f32 v61, v62;
	v28 =	vsub.f32 v36, v51  }
0x20b: {  	v61 =	vor.u32 s31, v4;
	v58 =	vsub.f32 v12, v41;
	v33 =	vld.idx.msk [tilespmem:v54+s22+$0x0], $0xffff;
	v35 =	vmul.f32 v7, v35  }
0x20c: {  	v51 =	vsub.f32 v27, v44;
	v24 =	vmul.f32 v28, v24;
	v7 =	vld.idx.msk [tilespmem:v57+s26+$0x0], $0xffff;
	v28 =	vmul.f32 v63, v20  }
0x20d: {  	v13 =	vld.idx.msk [tilespmem:v13+s22+$0x0], $0xffff;
	v57 =	vmul.f32 v58, v38;
	v58 =	vsub.f32 v55, v43;
	v63 =	vsub.f32 v9, v46  }
0x20e: {  	v62 =	vld.idx.msk [tilespmem:v52+s22+$0x0], $0xffff;
	v36 =	vor.u32 s0, v4;
	v24 =	vadd.f32 v39, v24;
	v28 =	vadd.f32 v47, v28  }
0x20f: {  	v52 =	vmul.f32 v51, v14;
	v22 =	vadd.f32 v35, v22;
	v34 =	vadd.f32 v57, v48  }
0x210: {  	v35 =	vmul.f32 v63, v49;
	v30 =	vsub.f32 v59, v25;
	v24 =	vadd.f32 v45, v24  }
0x211: {  	v56 =	vmul.f32 v58, v33;
	v22 =	vadd.f32 v23, v22;
	v57 =	vsub.f32 v7, v53  }
0x212: {  	v26 =	vadd.f32 v52, v28;
	v28 =	vmul.f32 v30, v13;
	v24 =	vadd.f32 v35, v24  }
0x213: {  	v30 =	vadd.f32 v56, v34;
	v15 =	vadd.f32 v15, v22;
	v58 =	vmul.f32 v57, v62  }
0x214: {  	v1 =	vadd.f32 v37, v1;
	v21 =	vadd.f32 v28, v26;
	[tilespmem:v10+s29+$0x0] =	vst.idx.msk $0xffff, v24  }
0x215: {  	v9 =	vmul.f32 v9, v9;
	[tilespmem:v36+s29+$0x0] =	vst.idx.msk $0xffff, v15;
	v26 =	vadd.f32 v58, v30  }
0x216: {  	v10 =	vmul.f32 v20, v20;
	[tilespmem:v11+s29+$0x0] =	vst.idx.msk $0xffff, v21;
	v11 =	vmul.f32 v19, v19  }
0x217: {  	s15 =	simm.s32 $0x780;
	v23 =	vadd.f32 v42, v40;
	v19 =	vadd.f32 v31, v29;
	[tilespmem:v61+s29+$0x0] =	vst.idx.msk $0xffff, v26  }
0x218: {  	v15 =	vmul.f32 v32, v32;
	v10 =	vadd.f32 v11, v10;
	v11 =	vmul.f32 v60, v60;
	[tilespmem:s22], [sflag:$0x2] =	stream.indirect.gather [hbm4b:s3+s14], $0x80, s15, s14, $0xb8;
	[tilespmem:$0x1AC80] =	vst v63  }
0x219: {  	s17 =	simm.s32 $0x980;
	v18 =	vmul.f32 v18, v18;
	v9 =	vadd.f32 v9, v23;
	v1 =	vadd.f32 v1, v19  }
0x21a: {  	v14 =	vmul.f32 v14, v14;
	v11 =	vadd.f32 v15, v11;
	v15 =	vmul.f32 v44, v44;
	[tilespmem:s24], [sflag:$0x2] =	stream.indirect.gather [hbm4b:s4+s14], $0x80, s17, s14, $0xb8;
	[tilespmem:$0x1AC80] =	vst v63  }
0x21b: {  	s19 =	simm.s32 $0xB80;
	v8 =	vmul.f32 v8, v8;
	v1 =	vadd.f32 v9, v1;
	v9 =	vadd.f32 v18, v10  }
0x21c: {  	v13 =	vmul.f32 v13, v13;
	v10 =	vadd.f32 v15, v14;
	v14 =	vmul.f32 v25, v25;
	[tilespmem:s26], [sflag:$0x2] =	stream.indirect.gather [hbm4b:s4+s14], $0x80, s19, s14, $0xb8;
	[tilespmem:$0x1AC80] =	vst v63  }
0x21d: {  	v1 =	vadd.f32 v9, v1;
	v8 =	vadd.f32 v8, v11;
	v9 =	vmul.f32 v27, v27;
	_ =	swait.ge [sflag:s28], $0x4000  }
0x21e: {  	v11 =	vadd.f32 v14, v13;
	v13 =	vmul.f32 v16, v16;
	v14 =	vmul.f32 v17, v17;
	[sflag:s28] =	ssyncset.done $0x0  }
0x21f: {  	v1 =	vadd.f32 v8, v1;
	v8 =	vadd.f32 v9, v10;
	v9 =	vmul.f32 v59, v59;
	[sflag:s28] =	ssyncadd.s32 $0xFFFFC000  }
0x220: {  	s0 =	simm.s32 $0x0;
	v10 =	vadd.f32 v14, v13;
	_ =	swait.ge [sflag:s28], $0x4000  }
0x221: {  	v13 =	vmov s0;
	v1 =	vadd.f32 v8, v1;
	v8 =	vadd.f32 v9, v11;
	v9 =	vld [tilespmem:$0x1FFF0]  }
0x222: {  	v16 =	vor.u32 $0x100, v13;
	[sflag:s28] =	ssyncset.done $0x0  }
0x223: {  	[sflag:s28] =	ssyncadd.s32 $0xFFFFC000  }
0x224: {  	v15 =	vmul.f32 v41, v41;
	v14 =	vmul.f32 v38, v38;
	_ =	swait.ge [sflag:s28], $0x4000  }
0x225: {  	s15 =	simm.s32 $0x3;
	[sflag:s28] =	ssyncset.done $0x0  }
0x226: {  	v11 =	vadd.f32 v15, v14;
	v14 =	vmov s15;
	[sflag:s28] =	ssyncadd.s32 $0xFFFFC000;
	v9 =	vmul.f32 v9, v9  }
0x227: {  	v17 =	vmul.f32 v43, v43;
	v15 =	vmul.f32 v33, v33;
	v18 =	vor.u32 $0x100, v14;
	v20 =	vld.idx.msk [tilespmem:v16+s2+$0x0], $0xffff  }
0x228: {  	s17 =	simm.s32 $0x2;
	v1 =	vadd.f32 v8, v1;
	v8 =	vadd.f32 v9, v10  }
0x229: {  	v9 =	vmul.f32 v12, v12;
	v10 =	vadd.f32 v17, v15;
	v12 =	vld.idx.msk [tilespmem:v16+s13+$0x0], $0xffff;
	v15 =	vmov s17  }
0x22a: {  	v19 =	vmul.f32 v53, v53;
	v17 =	vmul.f32 v62, v62;
	v21 =	vor.u32 $0x100, v15  }
0x22b: {  	s19 =	simm.s32 $0x1;
	v1 =	vadd.f32 v8, v1;
	v8 =	vadd.f32 v9, v11;
	v9 =	vmul.f32 v55, v55;
	v11 =	vld.idx.msk [tilespmem:v16+s12+$0x0], $0xffff  }
0x22c: {  	v16 =	vadd.f32 v19, v17;
	v17 =	vmov s19;
	v19 =	vld.idx.msk [tilespmem:v18+s13+$0x0], $0xffff;
	vm1 =	vgt.s32 v20, $0xCFFF  }
0x22d: {  	v1 =	vadd.f32 v8, v1;
	v8 =	vadd.f32 v9, v10;
	v9 =	vor.u32 $0x100, v17;
	v10 =	vld.idx.msk [tilespmem:v18+s2+$0x0], $0xffff  }
0x22e: {  	v15 =	vshll.u32 v15, $0x7;
	v18 =	vld.idx.msk [tilespmem:v18+s12+$0x0], $0xffff;
	v23 =	vsel vm1, v2, v0;
	vm0 =	vgt.s32 v12, $0xCFFF  }
0x22f: {  	v12 =	vshll.u32 v13, $0x7;
	v13 =	vshll.u32 v14, $0x7;
	v14 =	vld.idx.msk [tilespmem:v21+s13+$0x0], $0xffff;
	v20 =	vsel vm0, v2, v0  }
0x230: {  	v22 =	vld.idx.msk [tilespmem:v21+s2+$0x0], $0xffff;
	v23 =	vor.u32 v12, v23;
	vm0 =	vgt.s32 v11, $0xCFFF;
	v11 =	vor.u32 v12, v20  }
0x231: {  	v20 =	vld.idx.msk [tilespmem:v21+s12+$0x0], $0xffff;
	v60 =	vor.u32 $0x10, v23;
	v21 =	vsel vm0, v2, v0;
	vm0 =	vgt.s32 v19, $0xCFFF  }
0x232: {  	v19 =	vld.idx.msk [tilespmem:v9+s13+$0x0], $0xffff;
	v26 =	vor.u32 v12, v21;
	vm1 =	vgt.s32 v10, $0xCFFF;
	v10 =	vsel vm0, v2, v0  }
0x233: {  	v21 =	vld.idx.msk [tilespmem:v9+s2+$0x0], $0xffff;
	vm0 =	vgt.s32 v18, $0xCFFF;
	v12 =	vsel vm1, v2, v0;
	v10 =	vor.u32 v13, v10  }
0x234: {  	v9 =	vld.idx.msk [tilespmem:v9+s12+$0x0], $0xffff;
	vm1 =	vgt.s32 v14, $0xCFFF;
	v14 =	vsel vm0, v2, v0;
	v27 =	vor.u32 v13, v12  }
0x235: {  	vm0 =	vgt.s32 v22, $0xCFFF;
	v34 =	vld.idx.msk [tilespmem:v23+s16+$0x0], $0xffff;
	v49 =	vor.u32 $0x20, v10;
	v12 =	vsel vm1, v2, v0  }
0x236: {  	v33 =	vld.idx.msk [tilespmem:v11+s20+$0x0], $0xffff;
	v28 =	vor.u32 v13, v14;
	v13 =	vsel vm0, v2, v0;
	vm0 =	vgt.s32 v20, $0xCFFF  }
0x237: {  	v32 =	vor.u32 $0x30, v10;
	v31 =	vor.u32 v15, v12;
	v12 =	vsel vm0, v2, v0;
	v35 =	vld.idx.msk [tilespmem:v26+s18+$0x0], $0xffff  }
0x238: {  	v37 =	vor.u32 v15, v12;
	v12 =	vld.idx.msk [tilespmem:v10+s20+$0x0], $0xffff  }
0x239: {  	v62 =	vor.u32 $0x30, v27;
	v14 =	vld.idx.msk [tilespmem:v27+s16+$0x0], $0xffff  }
0x23a: {  	v45 =	vor.u32 $0x20, v27;
	v47 =	vor.u32 $0x10, v27;
	v27 =	vld.idx.msk [tilespmem:v60+s16+$0x0], $0xffff  }
0x23b: {  	v7 =	vmul.f32 v7, v7;
	v17 =	vshll.u32 v17, $0x7;
	v1 =	vadd.f32 v8, v1;
	v49 =	vld.idx.msk [tilespmem:v49+s20+$0x0], $0xffff  }
0x23c: {  	v61 =	vor.u32 $0x10, v26;
	v52 =	vor.u32 $0x10, v10;
	v36 =	vor.u32 v15, v13;
	v32 =	vld.idx.msk [tilespmem:v32+s20+$0x0], $0xffff  }
0x23d: {  	v20 =	vor.u32 $0x30, v26;
	v46 =	vor.u32 $0x20, v28;
	vm1 =	vgt.s32 v19, $0xCFFF;
	v29 =	vld.idx.msk [tilespmem:v28+s18+$0x0], $0xffff  }
0x23e: {  	v44 =	vor.u32 $0x30, v28;
	vm0 =	vgt.s32 v21, $0xCFFF;
	v13 =	vsel vm1, v2, v0;
	v10 =	vld.idx.msk [tilespmem:v62+s16+$0x0], $0xffff  }
0x23f: {  	v38 =	vor.u32 v17, v13;
	v13 =	vsel vm0, v2, v0;
	vm0 =	vgt.s32 v9, $0xCFFF;
	v47 =	vld.idx.msk [tilespmem:v47+s16+$0x0], $0xffff  }
0x240: {  	v26 =	vor.u32 $0x20, v26;
	v8 =	vsel vm0, v2, v0;
	v39 =	vor.u32 v17, v13;
	v13 =	vld.idx.msk [tilespmem:v31+s20+$0x0], $0xffff  }
0x241: {  	v40 =	vor.u32 v17, v8;
	v17 =	vld.idx.msk [tilespmem:v36+s16+$0x0], $0xffff  }
0x242: {  	v7 =	vadd.f32 v7, v16;
	v9 =	vor.u32 $0x20, v11;
	v46 =	vld.idx.msk [tilespmem:v46+s18+$0x0], $0xffff  }
0x243: {  	v30 =	vor.u32 $0x20, v23;
	v18 =	vor.u32 $0x30, v23;
	v44 =	vld.idx.msk [tilespmem:v44+s18+$0x0], $0xffff  }
0x244: {  	v1 =	vadd.f32 v7, v1;
	v7 =	vor.u32 s17, v5;
	v48 =	vor.u32 $0x10, v28;
	v21 =	vld.idx.msk [tilespmem:v37+s18+$0x0], $0xffff  }
0x245: {  	v15 =	vor.u32 $0x30, v11;
	v63 =	vor.u32 $0x30, v36;
	v51 =	vor.u32 $0x30, v31;
	v28 =	vld.idx.msk [tilespmem:v26+s18+$0x0], $0xffff  }
0x246: {  	v53 =	vor.u32 $0x20, v31;
	v55 =	vor.u32 $0x10, v31;
	v56 =	vor.u32 $0x20, v36;
	v24 =	vld.idx.msk [tilespmem:v38+s20+$0x0], $0xffff  }
0x247: {  	v54 =	vor.u32 $0x30, v37;
	v58 =	vor.u32 $0x20, v37;
	v11 =	vor.u32 $0x10, v11;
	v23 =	vld.idx.msk [tilespmem:v9+s20+$0x0], $0xffff  }
0x248: {  	v59 =	vor.u32 $0x30, v38;
	v50 =	vor.u32 $0x10, v38;
	v60 =	vor.u32 $0x30, v39;
	v9 =	vld.idx.msk [tilespmem:v18+s16+$0x0], $0xffff  }
0x249: {  	v36 =	vor.u32 $0x10, v36;
	v8 =	vsub.f32 v33, v35;
	v57 =	vor.u32 $0x10, v40;
	v18 =	vld.idx.msk [tilespmem:v20+s18+$0x0], $0xffff  }
0x24a: {  	v37 =	vor.u32 $0x10, v37;
	v35 =	vmul.f32 v35, v35;
	v43 =	vor.u32 $0x20, v40;
	v20 =	vld.idx.msk [tilespmem:v30+s16+$0x0], $0xffff  }
0x24b: {  	v33 =	vmul.f32 v33, v33;
	v16 =	vmul.f32 v8, v34;
	v8 =	vor.u32 s19, v5;
	v30 =	vld.idx.msk [tilespmem:v61+s18+$0x0], $0xffff  }
0x24c: {  	v61 =	vor.u32 $0x10, v39;
	v31 =	vld.idx.msk [tilespmem:v11+s20+$0x0], $0xffff;
	v34 =	vmul.f32 v34, v34;
	v38 =	vor.u32 $0x20, v38  }
0x24d: {  	v19 =	vsub.f32 v12, v29;
	v22 =	vld.idx.msk [tilespmem:v39+s16+$0x0], $0xffff;
	v39 =	vor.u32 $0x20, v39;
	v29 =	vmul.f32 v29, v29  }
0x24e: {  	v15 =	vld.idx.msk [tilespmem:v15+s20+$0x0], $0xffff;
	v12 =	vmul.f32 v12, v12;
	v34 =	vadd.f32 v35, v34;
	v35 =	vmul.f32 v27, v27  }
0x24f: {  	v25 =	vld.idx.msk [tilespmem:v40+s18+$0x0], $0xffff;
	v40 =	vor.u32 $0x30, v40;
	v19 =	vmul.f32 v19, v14;
	v14 =	vmul.f32 v14, v14  }
0x250: {  	v26 =	vld.idx.msk [tilespmem:v60+s16+$0x0], $0xffff;
	v34 =	vadd.f32 v33, v34;
	v41 =	vmul.f32 v30, v30;
	v60 =	vmul.f32 v20, v20  }
0x251: {  	v42 =	vld.idx.msk [tilespmem:v61+s16+$0x0], $0xffff;
	v61 =	vmul.f32 v28, v28;
	v14 =	vadd.f32 v29, v14;
	v30 =	vsub.f32 v31, v30  }
0x252: {  	v57 =	vld.idx.msk [tilespmem:v57+s18+$0x0], $0xffff;
	v1 =	vadd.f32 v34, v1;
	v35 =	vadd.f32 v41, v35;
	v41 =	vmul.f32 v31, v31  }
0x253: {  	v33 =	vld.idx.msk [tilespmem:v39+s16+$0x0], $0xffff;
	v39 =	vadd.f32 v61, v60;
	v60 =	vmul.f32 v9, v9;
	v61 =	vmul.f32 v18, v18  }
0x254: {  	v53 =	vld.idx.msk [tilespmem:v53+s20+$0x0], $0xffff;
	v62 =	vmul.f32 v25, v25;
	v12 =	vadd.f32 v12, v14;
	v27 =	vmul.f32 v30, v27  }
0x255: {  	v58 =	vld.idx.msk [tilespmem:v58+s18+$0x0], $0xffff;
	v30 =	vsub.f32 v32, v44;
	v35 =	vadd.f32 v41, v35;
	v41 =	vmul.f32 v23, v23  }
0x256: {  	v43 =	vld.idx.msk [tilespmem:v43+s18+$0x0], $0xffff;
	v60 =	vadd.f32 v61, v60;
	v61 =	vmul.f32 v22, v22;
	v23 =	vsub.f32 v23, v28  }
0x257: {  	v50 =	vld.idx.msk [tilespmem:v50+s20+$0x0], $0xffff;
	v1 =	vadd.f32 v35, v1;
	v35 =	vadd.f32 v41, v39;
	v39 =	vmul.f32 v15, v15  }
0x258: {  	v34 =	vld.idx.msk [tilespmem:v40+s18+$0x0], $0xffff;
	v40 =	vadd.f32 v62, v61;
	v41 =	vmul.f32 v42, v42;
	v61 =	vmul.f32 v57, v57  }
0x259: {  	v11 =	vld.idx.msk [tilespmem:v63+s16+$0x0], $0xffff;
	v63 =	vmul.f32 v53, v53;
	v28 =	vsub.f32 v49, v46;
	v1 =	vadd.f32 v35, v1  }
0x25a: {  	v59 =	vld.idx.msk [tilespmem:v59+s20+$0x0], $0xffff;
	v35 =	vadd.f32 v39, v60;
	v39 =	vmul.f32 v24, v24;
	v41 =	vadd.f32 v61, v41  }
0x25b: {  	v38 =	vld.idx.msk [tilespmem:v38+s20+$0x0], $0xffff;
	v60 =	vmul.f32 v33, v33;
	v61 =	vmul.f32 v43, v43;
	v24 =	vsub.f32 v24, v25  }
0x25c: {  	v36 =	vld.idx.msk [tilespmem:v36+s16+$0x0], $0xffff;
	v1 =	vadd.f32 v35, v1;
	v35 =	vadd.f32 v39, v40;
	v39 =	vmul.f32 v50, v50  }
0x25d: {  	v40 =	vld.idx.msk [tilespmem:v56+s16+$0x0], $0xffff;
	v56 =	vadd.f32 v61, v60;
	v60 =	vmul.f32 v26, v26;
	v61 =	vmul.f32 v34, v34  }
0x25e: {  	v37 =	vld.idx.msk [tilespmem:v37+s18+$0x0], $0xffff;
	v50 =	vsub.f32 v50, v57;
	v22 =	vmul.f32 v24, v22;
	v24 =	vsub.f32 v53, v58  }
0x25f: {  	v29 =	vmul.f32 v47, v47;
	v1 =	vadd.f32 v35, v1;
	v35 =	vadd.f32 v39, v41  }
0x260: {  	v39 =	vmul.f32 v38, v38;
	v41 =	vld.idx.msk [tilespmem:v55+s20+$0x0], $0xffff;
	v55 =	vadd.f32 v61, v60;
	v60 =	vmul.f32 v17, v17  }
0x261: {  	v61 =	vmul.f32 v21, v21;
	v42 =	vmul.f32 v50, v42;
	v21 =	vsub.f32 v13, v21  }
0x262: {  	v54 =	vld.idx.msk [tilespmem:v54+s18+$0x0], $0xffff;
	v1 =	vadd.f32 v35, v1;
	v35 =	vadd.f32 v39, v56;
	v39 =	vmul.f32 v59, v59  }
0x263: {  	v56 =	vadd.f32 v61, v60;
	v60 =	vmul.f32 v36, v36;
	v61 =	vmul.f32 v37, v37  }
0x264: {  	v1 =	vadd.f32 v35, v1;
	v35 =	vadd.f32 v39, v55;
	v39 =	vmul.f32 v13, v13  }
0x265: {  	v51 =	vld.idx.msk [tilespmem:v51+s20+$0x0], $0xffff;
	v55 =	vadd.f32 v61, v60;
	v60 =	vmul.f32 v40, v40;
	v61 =	vmul.f32 v58, v58  }
0x266: {  	v1 =	vadd.f32 v35, v1;
	v35 =	vadd.f32 v39, v56;
	v39 =	vmul.f32 v41, v41  }
0x267: {  	s31 =	simm.s32 $0x4;
	v48 =	vld.idx.msk [tilespmem:v48+s18+$0x0], $0xffff;
	v56 =	vadd.f32 v61, v60;
	v60 =	vmul.f32 v11, v11;
	v61 =	vmul.f32 v54, v54  }
0x268: {  	v45 =	vld.idx.msk [tilespmem:v45+s16+$0x0], $0xffff;
	v50 =	vmov s31;
	v1 =	vadd.f32 v35, v1;
	v62 =	vadd.f32 v39, v55  }
0x269: {  	v52 =	vld.idx.msk [tilespmem:v52+s20+$0x0], $0xffff;
	v25 =	vor.u32 $0x100, v50;
	v17 =	vmul.f32 v21, v17;
	v61 =	vadd.f32 v61, v60  }
0x26a: {  	v1 =	vadd.f32 v62, v1;
	v62 =	vadd.f32 v63, v56;
	v63 =	vmul.f32 v51, v51  }
0x26b: {  	v22 =	vadd.f32 v42, v22;
	v21 =	vadd.f32 v27, v16;
	v27 =	vmul.f32 v23, v20  }
0x26c: {  	v60 =	vmul.f32 v48, v48;
	v1 =	vadd.f32 v62, v1;
	v61 =	vadd.f32 v63, v61  }
0x26d: {  	v20 =	vsub.f32 v15, v18;
	v62 =	vmul.f32 v45, v45;
	v63 =	vmul.f32 v46, v46  }
0x26e: {  	v14 =	vmul.f32 v52, v52;
	v29 =	vadd.f32 v60, v29;
	v1 =	vadd.f32 v61, v1  }
0x26f: {  	v60 =	vadd.f32 v63, v62;
	v61 =	vmul.f32 v10, v10;
	v62 =	vmul.f32 v44, v44  }
0x270: {  	v1 =	vadd.f32 v12, v1;
	v12 =	vadd.f32 v14, v29;
	v29 =	vmul.f32 v49, v49  }
0x271: {  	v48 =	vsub.f32 v52, v48;
	v63 =	vmul.f32 v32, v32;
	v39 =	vadd.f32 v62, v61  }
0x272: {  	v58 =	vld.idx.msk [tilespmem:v25+s13+$0x0], $0xffff;
	v1 =	vadd.f32 v12, v1;
	v29 =	vadd.f32 v29, v60;
	v12 =	vor.u32 s0, v5;
	s0 =	simm.s32 $0x7  }
0x273: {  	v37 =	vsub.f32 v41, v37;
	v31 =	vmul.f32 v48, v47;
	v52 =	vmov s0  }
0x274: {  	s17 =	simm.s32 $0x6;
	v1 =	vadd.f32 v29, v1;
	v29 =	vadd.f32 v63, v39;
	v55 =	vor.u32 $0x100, v52  }
0x275: {  	v40 =	vmul.f32 v24, v40;
	v24 =	vsub.f32 v51, v54;
	v56 =	vmov s17  }
0x276: {  	v16 =	vadd.f32 v31, v19;
	v19 =	vld.idx.msk [tilespmem:v25+s2+$0x0], $0xffff;
	v13 =	vadd.f32 v29, v1;
	v29 =	vmul.f32 v37, v36  }
0x277: {  	vm0 =	vgt.s32 v58, $0xCFFF;
	v31 =	vsub.f32 v59, v34;
	v60 =	vor.u32 $0x100, v56  }
0x278: {  	s19 =	simm.s32 $0x5;
	v1 =	vsub.f32 v38, v43;
	v57 =	vadd.f32 v29, v17;
	v17 =	vmul.f32 v28, v45;
	v28 =	vld.idx.msk [tilespmem:v25+s12+$0x0], $0xffff  }
0x279: {  	v15 =	vshll.u32 v56, $0x7;
	v34 =	vmov s19;
	v23 =	vmul.f32 v31, v26;
	v61 =	vld.idx.msk [tilespmem:v55+s13+$0x0], $0xffff  }
0x27a: {  	v14 =	vor.u32 s15, v5;
	v1 =	vmul.f32 v1, v33;
	v29 =	vor.u32 $0x100, v34;
	v62 =	vld.idx.msk [tilespmem:v55+s2+$0x0], $0xffff  }
0x27b: {  	vm1 =	vgt.s32 v19, $0xCFFF;
	v19 =	vsel vm0, v2, v0;
	v18 =	vshll.u32 v52, $0x7;
	v26 =	vld.idx.msk [tilespmem:v55+s12+$0x0], $0xffff  }
0x27c: {  	v63 =	vsel vm1, v2, v0;
	v35 =	vld.idx.msk [tilespmem:v60+s13+$0x0], $0xffff;
	v22 =	vadd.f32 v1, v22;
	v1 =	vshll.u32 v50, $0x7  }
0x27d: {  	v36 =	vld.idx.msk [tilespmem:v60+s2+$0x0], $0xffff;
	v25 =	vadd.f32 v40, v57;
	v19 =	vor.u32 v1, v19;
	vm0 =	vgt.s32 v28, $0xCFFF  }
0x27e: {  	v31 =	vld.idx.msk [tilespmem:v60+s12+$0x0], $0xffff;
	v33 =	vor.u32 v1, v63;
	v28 =	vsel vm0, v2, v0;
	vm1 =	vgt.s32 v61, $0xCFFF  }
0x27f: {  	s15 =	simm.s32 $0x8;
	v37 =	vld.idx.msk [tilespmem:v29+s13+$0x0], $0xffff;
	vm0 =	vgt.s32 v62, $0xCFFF;
	v28 =	vor.u32 v1, v28;
	v32 =	vsel vm1, v2, v0  }
.LBB2_8:
0x280: {  	p0 =	slt.u32 s15, $0x7C;
	v1 =	vld.idx.msk [tilespmem:v29+s2+$0x0], $0xffff;
	v38 =	vsel vm0, v2, v0;
	vm0 =	vgt.s32 v26, $0xCFFF;
	v39 =	vor.u32 v18, v32  }
0x281: {  	vm1 =	vgt.s32 v35, $0xCFFF;
	v32 =	vld.idx.msk [tilespmem:v29+s12+$0x0], $0xffff;
	v26 =	vsel vm0, v2, v0;
	v35 =	vor.u32 v18, v38  }
0x282: {  	vm0 =	vgt.s32 v36, $0xCFFF;
	v29 =	vsel vm1, v2, v0;
	v38 =	vld.idx.msk [tilespmem:v19+s20+$0x0], $0xffff;
	v36 =	vor.u32 v18, v26  }
0x283: {  	v18 =	vsel vm0, v2, v0;
	vm0 =	vgt.s32 v31, $0xCFFF;
	v41 =	vor.u32 v15, v29;
	v40 =	vld.idx.msk [tilespmem:v33+s16+$0x0], $0xffff  }
0x284: {  	vm1 =	vgt.s32 v37, $0xCFFF;
	v26 =	vsel vm0, v2, v0;
	v46 =	vor.u32 v15, v18;
	v45 =	vld.idx.msk [tilespmem:v28+s18+$0x0], $0xffff  }
0x285: {  	v31 =	vshll.u32 v34, $0x7;
	v18 =	vsel vm1, v2, v0;
	v47 =	vor.u32 v15, v26;
	v26 =	vld.idx.msk [tilespmem:v39+s20+$0x0], $0xffff  }
0x286: {  	v34 =	vadd.f32 v17, v16;
	vm0 =	vgt.s32 v1, $0xCFFF;
	v1 =	vor.u32 v31, v18;
	v29 =	vld.idx.msk [tilespmem:v35+s16+$0x0], $0xffff  }
0x287: {  	v15 =	vor.u32 $0x30, v19;
	v16 =	vsel vm0, v2, v0;
	vm0 =	vgt.s32 v32, $0xCFFF;
	v32 =	vld.idx.msk [tilespmem:v36+s18+$0x0], $0xffff  }
0x288: {  	v27 =	vadd.f32 v27, v21;
	v17 =	vsel vm0, v2, v0;
	v48 =	vor.u32 v31, v16;
	v18 =	vld.idx.msk [tilespmem:v41+s20+$0x0], $0xffff  }
0x289: {  	v11 =	vmul.f32 v24, v11;
	v10 =	vmul.f32 v30, v10;
	v49 =	vor.u32 v31, v17;
	v17 =	vld.idx.msk [tilespmem:v46+s16+$0x0], $0xffff  }
0x28a: {  	v30 =	vor.u32 $0x20, v19;
	v9 =	vmul.f32 v20, v9;
	v16 =	vsub.f32 v38, v45;
	v21 =	vld.idx.msk [tilespmem:v47+s18+$0x0], $0xffff  }
0x28b: {  	v20 =	vadd.f32 v23, v22;
	v11 =	vadd.f32 v11, v25;
	v31 =	vor.u32 $0x30, v33;
	v24 =	vld.idx.msk [tilespmem:v1+s20+$0x0], $0xffff  }
0x28c: {  	v22 =	vor.u32 $0x30, v28;
	v10 =	vadd.f32 v10, v34;
	v16 =	vmul.f32 v16, v40;
	v15 =	vld.idx.msk [tilespmem:v15+s20+$0x0], $0xffff  }
0x28d: {  	v44 =	vadd.f32 v9, v27;
	v34 =	vor.u32 $0x20, v33;
	v37 =	vsub.f32 v26, v32;
	v23 =	vld.idx.msk [tilespmem:v48+s16+$0x0], $0xffff  }
0x28e: {  	v42 =	vor.u32 s17, v5;
	v33 =	vor.u32 $0x10, v33;
	v27 =	vld.idx.msk [tilespmem:v49+s18+$0x0], $0xffff;
	[tilespmem:v8+s29+$0x0] =	vst.idx.msk $0xffff, v20;
	v8 =	vor.u32 s19, v5  }
0x28f: {  	v50 =	vor.u32 $0x10, v28;
	v51 =	vor.u32 $0x10, v19;
	v20 =	vmul.f32 v37, v29;
	v25 =	vld.idx.msk [tilespmem:v30+s20+$0x0], $0xffff;
	[tilespmem:v7+s29+$0x0] =	vst.idx.msk $0xffff, v11  }
0x290: {  	v37 =	vor.u32 $0x30, v36;
	v11 =	vor.u32 $0x20, v28;
	v28 =	vor.u32 $0x30, v35;
	v7 =	vmovc v42;
	v9 =	vld.idx.msk [tilespmem:v31+s16+$0x0], $0xffff;
	[tilespmem:v14+s29+$0x0] =	vst.idx.msk $0xffff, v10  }
0x291: {  	v43 =	vor.u32 $0x20, v35;
	v42 =	vor.u32 $0x20, v36;
	v14 =	vor.u32 $0x30, v39;
	v19 =	vld.idx.msk [tilespmem:v22+s18+$0x0], $0xffff;
	[tilespmem:v12+s29+$0x0] =	vst.idx.msk $0xffff, v44  }
0x292: {  	v52 =	vor.u32 $0x10, v35;
	v53 =	vor.u32 $0x10, v36;
	v12 =	vor.u32 $0x20, v39;
	v22 =	vld.idx.msk [tilespmem:v34+s16+$0x0], $0xffff  }
0x293: {  	v54 =	vor.u32 $0x30, v41;
	v35 =	vor.u32 $0x30, v46;
	v44 =	vor.u32 $0x10, v39;
	v30 =	vld.idx.msk [tilespmem:v33+s16+$0x0], $0xffff  }
0x294: {  	v55 =	vor.u32 $0x30, v47;
	v36 =	vor.u32 $0x30, v48;
	v33 =	vld.idx.msk [tilespmem:v50+s18+$0x0], $0xffff;
	v50 =	vor.u32 $0x20, v41  }
0x295: {  	v56 =	vor.u32 $0x10, v41;
	v39 =	vor.u32 $0x10, v48;
	v41 =	vor.u32 $0x20, v46;
	v31 =	vld.idx.msk [tilespmem:v11+s18+$0x0], $0xffff  }
0x296: {  	v57 =	vor.u32 $0x10, v46;
	v58 =	vor.u32 $0x20, v47;
	v34 =	vld.idx.msk [tilespmem:v51+s20+$0x0], $0xffff;
	v51 =	vor.u32 $0x10, v49  }
0x297: {  	v60 =	vor.u32 $0x10, v47;
	v59 =	vor.u32 $0x30, v1;
	v48 =	vor.u32 $0x20, v48;
	v10 =	vld.idx.msk [tilespmem:v28+s16+$0x0], $0xffff  }
0x298: {  	v45 =	vmul.f32 v45, v45;
	v47 =	vor.u32 $0x20, v49;
	v40 =	vmul.f32 v40, v40;
	v11 =	vld.idx.msk [tilespmem:v35+s16+$0x0], $0xffff  }
0x299: {  	v35 =	vmul.f32 v38, v38;
	v38 =	vor.u32 $0x10, v1;
	v28 =	vld.idx.msk [tilespmem:v36+s16+$0x0], $0xffff;
	v36 =	vor.u32 $0x30, v49  }
0x29a: {  	v45 =	vadd.f32 v45, v40;
	v49 =	vmul.f32 v30, v30;
	v61 =	vmul.f32 v33, v33;
	v40 =	vld.idx.msk [tilespmem:v39+s16+$0x0], $0xffff  }
0x29b: {  	v1 =	vor.u32 $0x20, v1;
	v39 =	vmul.f32 v22, v22;
	v62 =	vmul.f32 v31, v31;
	v46 =	vld.idx.msk [tilespmem:v51+s18+$0x0], $0xffff  }
0x29c: {  	v45 =	vadd.f32 v35, v45;
	v49 =	vadd.f32 v61, v49;
	v51 =	vmul.f32 v34, v34;
	v35 =	vld.idx.msk [tilespmem:v48+s16+$0x0], $0xffff  }
0x29d: {  	v61 =	vmul.f32 v9, v9;
	v48 =	vadd.f32 v62, v39;
	v62 =	vmul.f32 v19, v19;
	v39 =	vld.idx.msk [tilespmem:v47+s18+$0x0], $0xffff  }
0x29e: {  	v13 =	vadd.f32 v45, v13;
	v45 =	vadd.f32 v51, v49;
	v47 =	vmul.f32 v25, v25;
	v49 =	vld.idx.msk [tilespmem:v38+s20+$0x0], $0xffff  }
0x29f: {  	v51 =	vmul.f32 v23, v23;
	v38 =	vadd.f32 v62, v61;
	v61 =	vmul.f32 v27, v27;
	v36 =	vld.idx.msk [tilespmem:v36+s18+$0x0], $0xffff  }
0x2a0: {  	v62 =	vmul.f32 v15, v15;
	v13 =	vadd.f32 v45, v13;
	v45 =	vadd.f32 v47, v48;
	v47 =	vld.idx.msk [tilespmem:v1+s20+$0x0], $0xffff  }
0x2a1: {  	v1 =	vadd.f32 v61, v51;
	v51 =	vmul.f32 v40, v40;
	v61 =	vmul.f32 v46, v46;
	v48 =	vld.idx.msk [tilespmem:v57+s16+$0x0], $0xffff  }
0x2a2: {  	v13 =	vadd.f32 v45, v13;
	v45 =	vadd.f32 v62, v38;
	v57 =	vmul.f32 v24, v24;
	v38 =	vld.idx.msk [tilespmem:v59+s20+$0x0], $0xffff  }
0x2a3: {  	v51 =	vadd.f32 v61, v51;
	v59 =	vmul.f32 v35, v35;
	v61 =	vmul.f32 v39, v39;
	v60 =	vld.idx.msk [tilespmem:v60+s18+$0x0], $0xffff  }
0x2a4: {  	v13 =	vadd.f32 v45, v13;
	v1 =	vadd.f32 v57, v1;
	v45 =	vmul.f32 v49, v49;
	v41 =	vld.idx.msk [tilespmem:v41+s16+$0x0], $0xffff  }
0x2a5: {  	v57 =	vadd.f32 v61, v59;
	v59 =	vmul.f32 v28, v28;
	v61 =	vmul.f32 v36, v36;
	v58 =	vld.idx.msk [tilespmem:v58+s18+$0x0], $0xffff  }
0x2a6: {  	v1 =	vadd.f32 v1, v13;
	v13 =	vadd.f32 v45, v51;
	v51 =	vmul.f32 v47, v47;
	v56 =	vld.idx.msk [tilespmem:v56+s20+$0x0], $0xffff  }
0x2a7: {  	v62 =	vmul.f32 v21, v21;
	v59 =	vadd.f32 v61, v59;
	v61 =	vmul.f32 v17, v17;
	v45 =	vld.idx.msk [tilespmem:v55+s18+$0x0], $0xffff  }
0x2a8: {  	v1 =	vadd.f32 v13, v1;
	v13 =	vadd.f32 v51, v57;
	v51 =	vmul.f32 v38, v38;
	v50 =	vld.idx.msk [tilespmem:v50+s20+$0x0], $0xffff  }
0x2a9: {  	v57 =	vmul.f32 v48, v48;
	v55 =	vadd.f32 v62, v61;
	v61 =	vmul.f32 v60, v60;
	v52 =	vld.idx.msk [tilespmem:v52+s16+$0x0], $0xffff  }
0x2aa: {  	v1 =	vadd.f32 v13, v1;
	v13 =	vadd.f32 v51, v59;
	v51 =	vmul.f32 v18, v18;
	v54 =	vld.idx.msk [tilespmem:v54+s20+$0x0], $0xffff  }
0x2ab: {  	v59 =	vmul.f32 v41, v41;
	v57 =	vadd.f32 v61, v57;
	v61 =	vmul.f32 v58, v58;
	v53 =	vld.idx.msk [tilespmem:v53+s18+$0x0], $0xffff  }
0x2ac: {  	v1 =	vadd.f32 v13, v1;
	v13 =	vadd.f32 v51, v55;
	v51 =	vmul.f32 v56, v56;
	v43 =	vld.idx.msk [tilespmem:v43+s16+$0x0], $0xffff  }
0x2ad: {  	v55 =	vadd.f32 v61, v59;
	v59 =	vmul.f32 v11, v11;
	v61 =	vmul.f32 v45, v45;
	v42 =	vld.idx.msk [tilespmem:v42+s18+$0x0], $0xffff  }
0x2ae: {  	v1 =	vadd.f32 v13, v1;
	v13 =	vadd.f32 v51, v57;
	v51 =	vmul.f32 v50, v50;
	v44 =	vld.idx.msk [tilespmem:v44+s20+$0x0], $0xffff  }
0x2af: {  	v32 =	vmul.f32 v32, v32;
	v29 =	vmul.f32 v29, v29;
	v57 =	vadd.f32 v61, v59;
	v37 =	vld.idx.msk [tilespmem:v37+s18+$0x0], $0xffff  }
0x2b0: {  	v1 =	vadd.f32 v13, v1;
	v13 =	vadd.f32 v51, v55;
	v51 =	vmul.f32 v54, v54;
	v55 =	vld.idx.msk [tilespmem:v12+s20+$0x0], $0xffff  }
0x2b1: {  	v12 =	vadd.f32 v32, v29;
	v29 =	vmul.f32 v52, v52;
	v32 =	vmul.f32 v53, v53  }
0x2b2: {  	v26 =	vmul.f32 v26, v26;
	v1 =	vadd.f32 v13, v1;
	v13 =	vadd.f32 v51, v57;
	v51 =	vld.idx.msk [tilespmem:v14+s20+$0x0], $0xffff  }
0x2b3: {  	v14 =	vadd.f32 v32, v29;
	v29 =	vmul.f32 v43, v43;
	v32 =	vmul.f32 v42, v42  }
0x2b4: {  	v12 =	vadd.f32 v26, v12;
	v1 =	vadd.f32 v13, v1;
	v13 =	vmul.f32 v44, v44  }
0x2b5: {  	v26 =	vadd.f32 v32, v29;
	v29 =	vmul.f32 v10, v10;
	v32 =	vmul.f32 v37, v37  }
0x2b6: {  	v1 =	vadd.f32 v12, v1;
	v12 =	vadd.f32 v13, v14;
	v13 =	vmul.f32 v55, v55  }
0x2b7: {  	v46 =	vsub.f32 v49, v46;
	v14 =	vor.u32 s0, v5;
	v29 =	vadd.f32 v32, v29  }
0x2b8: {  	v1 =	vadd.f32 v12, v1;
	v13 =	vadd.f32 v13, v26;
	v26 =	vmul.f32 v51, v51  }
0x2b9: {  	v44 =	vsub.f32 v44, v53;
	v32 =	vmul.f32 v46, v40;
	v40 =	vsub.f32 v56, v60  }
0x2ba: {  	v12 =	vor.u32 s31, v5;
	s31 =	smov.u32 s15;
	v1 =	vadd.f32 v13, v1;
	v13 =	vadd.f32 v26, v29  }
0x2bb: {  	v24 =	vsub.f32 v24, v27;
	v46 =	vmov s15;
	v26 =	vsub.f32 v34, v33  }
0x2bc: {  	v18 =	vsub.f32 v18, v21;
	v27 =	vor.u32 $0x100, v46;
	v13 =	vadd.f32 v13, v1  }
0x2bd: {  	s0 =	sadd.s32 $0x3, s15;
	v21 =	vmul.f32 v40, v48;
	v29 =	vmul.f32 v44, v52;
	v1 =	vsub.f32 v47, v39  }
0x2be: {  	v23 =	vmul.f32 v24, v23;
	v33 =	vmov s0;
	v26 =	vmul.f32 v26, v30  }
0x2bf: {  	v17 =	vmul.f32 v18, v17;
	v18 =	vsub.f32 v50, v58;
	v39 =	vor.u32 $0x100, v33  }
0x2c0: {  	s17 =	sadd.s32 $0x2, s15;
	v24 =	vsub.f32 v25, v31;
	v25 =	vsub.f32 v55, v42;
	v1 =	vmul.f32 v1, v35  }
0x2c1: {  	v40 =	vmov s17;
	v23 =	vadd.f32 v32, v23;
	v32 =	vadd.f32 v21, v17;
	v31 =	vld.idx.msk [tilespmem:v27+s13+$0x0], $0xffff  }
0x2c2: {  	v44 =	vor.u32 $0x100, v40;
	v21 =	vadd.f32 v26, v16;
	v16 =	vadd.f32 v29, v20;
	v42 =	vld.idx.msk [tilespmem:v27+s2+$0x0], $0xffff  }
0x2c3: {  	s19 =	sadd.s32 $0x1, s15;
	v18 =	vmul.f32 v18, v41;
	v17 =	vmul.f32 v25, v43;
	v35 =	vsub.f32 v38, v36;
	v47 =	vld.idx.msk [tilespmem:v27+s12+$0x0], $0xffff  }
0x2c4: {  	v34 =	vmov s19;
	v27 =	vmul.f32 v24, v22;
	v24 =	vsub.f32 v54, v45;
	v38 =	vld.idx.msk [tilespmem:v39+s13+$0x0], $0xffff  }
0x2c5: {  	v30 =	vsub.f32 v51, v37;
	v29 =	vor.u32 $0x100, v34;
	v20 =	vsub.f32 v15, v19;
	v41 =	vld.idx.msk [tilespmem:v39+s2+$0x0], $0xffff  }
0x2c6: {  	v25 =	vadd.f32 v18, v32;
	v22 =	vadd.f32 v1, v23;
	v23 =	vmul.f32 v35, v28;
	v26 =	vld.idx.msk [tilespmem:v39+s12+$0x0], $0xffff  }
.Ltmp3:
0x2c7: {  	v18 =	vshll.u32 v33, $0x7;
	v1 =	vshll.u32 v46, $0x7;
	vm0 =	vgt.s32 v31, $0xCFFF;
	v35 =	vld.idx.msk [tilespmem:v44+s13+$0x0], $0xffff;
	(pc) =	sbr.rel @p0 .LBB2_8-.Ltmp3, $4  }
0x2c8: {  	v15 =	vshll.u32 v40, $0x7;
	vm1 =	vgt.s32 v42, $0xCFFF;
	v19 =	vsel vm0, v2, v0;
	v36 =	vld.idx.msk [tilespmem:v44+s2+$0x0], $0xffff  }
0x2c9: {  	v28 =	vsel vm1, v2, v0;
	vm0 =	vgt.s32 v47, $0xCFFF;
	v19 =	vor.u32 v1, v19;
	v31 =	vld.idx.msk [tilespmem:v44+s12+$0x0], $0xffff  }
0x2ca: {  	v32 =	vsel vm0, v2, v0;
	v33 =	vor.u32 v1, v28;
	vm1 =	vgt.s32 v38, $0xCFFF;
	v37 =	vld.idx.msk [tilespmem:v29+s13+$0x0], $0xffff  }
0x2cb: {  	s15 =	sadd.s32 $0x4, s15;
	v28 =	vor.u32 v1, v32;
	vm0 =	vgt.s32 v41, $0xCFFF;
	v32 =	vsel vm1, v2, v0  }
0x2cc: {  	_ = 	snop  }
0x2cd: {  	v1 =	vsel vm0, v2, v0  }
0x2ce: {  	vm0 =	vgt.s32 v26, $0xCFFF;
	v32 =	vor.u32 v18, v32;
	vm1 =	vgt.s32 v35, $0xCFFF  }
0x2cf: {  	v34 =	vshll.u32 v34, $0x7;
	v41 =	vor.u32 $0x30, v19;
	v11 =	vmul.f32 v24, v11  }
0x2d0: {  	v38 =	vld.idx.msk [tilespmem:v29+s2+$0x0], $0xffff;
	v45 =	vadd.f32 v23, v22;
	v22 =	vor.u32 $0x20, v33;
	v47 =	vor.u32 $0x30, v28  }
0x2d1: {  	v26 =	vld.idx.msk [tilespmem:v29+s12+$0x0], $0xffff;
	v61 =	vor.u32 $0x10, v33;
	v48 =	vor.u32 $0x10, v28;
	v29 =	vsel vm0, v2, v0  }
0x2d2: {  	v39 =	vld.idx.msk [tilespmem:v19+s20+$0x0], $0xffff;
	v1 =	vor.u32 v18, v1;
	vm0 =	vgt.s32 v36, $0xCFFF;
	v35 =	vsel vm1, v2, v0  }
0x2d3: {  	v63 =	vld.idx.msk [tilespmem:v28+s18+$0x0], $0xffff;
	v62 =	vor.u32 v18, v29;
	v18 =	vsel vm0, v2, v0;
	vm0 =	vgt.s32 v31, $0xCFFF  }
0x2d4: {  	v40 =	vld.idx.msk [tilespmem:v33+s16+$0x0], $0xffff;
	v28 =	vor.u32 $0x20, v28;
	v29 =	vor.u32 v15, v35;
	v59 =	vsel vm0, v2, v0  }
0x2d5: {  	vm1 =	vgt.s32 v37, $0xCFFF;
	v31 =	vor.u32 v15, v18;
	v37 =	vor.u32 v15, v59;
	v15 =	vld.idx.msk [tilespmem:v32+s20+$0x0], $0xffff  }
0x2d6: {  	v44 =	vadd.f32 v27, v21;
	v49 =	vor.u32 $0x10, v19;
	v46 =	vadd.f32 v11, v25;
	v11 =	vld.idx.msk [tilespmem:v41+s20+$0x0], $0xffff  }
0x2d7: {  	v10 =	vmul.f32 v30, v10;
	v30 =	vor.u32 $0x20, v19;
	v9 =	vmul.f32 v20, v9;
	v22 =	vld.idx.msk [tilespmem:v22+s16+$0x0], $0xffff  }
0x2d8: {  	v60 =	vor.u32 $0x30, v33;
	v52 =	vor.u32 $0x30, v32;
	v53 =	vor.u32 $0x20, v32;
	v33 =	vld.idx.msk [tilespmem:v61+s16+$0x0], $0xffff  }
0x2d9: {  	v44 =	vadd.f32 v9, v44;
	v9 =	vor.u32 s17, v5;
	v23 =	vor.u32 $0x30, v1;
	v48 =	vld.idx.msk [tilespmem:v48+s18+$0x0], $0xffff  }
0x2da: {  	v50 =	vor.u32 $0x20, v1;
	[tilespmem:v8+s29+$0x0] =	vst.idx.msk $0xffff, v45;
	v51 =	vor.u32 $0x20, v62;
	v36 =	vor.u32 $0x10, v62;
	v28 =	vld.idx.msk [tilespmem:v28+s18+$0x0], $0xffff  }
0x2db: {  	v18 =	vsel vm1, v2, v0;
	v56 =	vor.u32 $0x20, v31;
	[tilespmem:v12+s29+$0x0] =	vst.idx.msk $0xffff, v44;
	v12 =	vor.u32 $0x30, v31;
	v45 =	vld.idx.msk [tilespmem:v49+s20+$0x0], $0xffff  }
0x2dc: {  	vm0 =	vgt.s32 v38, $0xCFFF;
	v38 =	vor.u32 v34, v18;
	v18 =	vadd.f32 v17, v16;
	v8 =	vld.idx.msk [tilespmem:v47+s18+$0x0], $0xffff  }
0x2dd: {  	[tilespmem:v7+s29+$0x0] =	vst.idx.msk $0xffff, v46;
	vm1 =	vgt.s32 v26, $0xCFFF;
	v27 =	vsub.f32 v39, v63;
	v49 =	vor.u32 $0x10, v31;
	v30 =	vld.idx.msk [tilespmem:v30+s20+$0x0], $0xffff  }
0x2de: {  	v58 =	vor.u32 $0x20, v37;
	v35 =	vmul.f32 v63, v63;
	v7 =	vmul.f32 v39, v39;
	v16 =	vld.idx.msk [tilespmem:v1+s16+$0x0], $0xffff  }
0x2df: {  	v26 =	vsel vm0, v2, v0;
	v42 =	vsel vm1, v2, v0;
	v1 =	vor.u32 $0x10, v1;
	v53 =	vld.idx.msk [tilespmem:v53+s20+$0x0], $0xffff  }
0x2e0: {  	v39 =	vor.u32 $0x10, v38;
	v17 =	vld.idx.msk [tilespmem:v62+s18+$0x0], $0xffff;
	v43 =	vor.u32 v34, v26;
	v34 =	vor.u32 v34, v42  }
0x2e1: {  	v26 =	vld.idx.msk [tilespmem:v29+s20+$0x0], $0xffff;
	v20 =	vmul.f32 v27, v40;
	v41 =	vadd.f32 v10, v18;
	v10 =	vor.u32 s19, v5  }
0x2e2: {  	v42 =	vor.u32 $0x30, v62;
	v40 =	vmul.f32 v40, v40;
	v62 =	vor.u32 $0x20, v38;
	v21 =	vld.idx.msk [tilespmem:v31+s16+$0x0], $0xffff  }
0x2e3: {  	v54 =	vor.u32 $0x30, v43;
	v55 =	vor.u32 $0x10, v43;
	v57 =	vor.u32 $0x10, v34;
	v36 =	vld.idx.msk [tilespmem:v36+s18+$0x0], $0xffff  }
0x2e4: {  	v47 =	vor.u32 $0x20, v34;
	v46 =	vor.u32 $0x30, v34;
	v51 =	vld.idx.msk [tilespmem:v51+s18+$0x0], $0xffff;
	v35 =	vadd.f32 v35, v40;
	[tilespmem:v14+s29+$0x0] =	vst.idx.msk $0xffff, v41  }
0x2e5: {  	v14 =	vor.u32 $0x10, v32;
	v25 =	vld.idx.msk [tilespmem:v38+s20+$0x0], $0xffff;
	v40 =	vmul.f32 v33, v33;
	v59 =	vmul.f32 v48, v48  }
0x2e6: {  	v32 =	vor.u32 $0x20, v29;
	v61 =	vmul.f32 v28, v28;
	v18 =	vsub.f32 v15, v17;
	v27 =	vld.idx.msk [tilespmem:v43+s16+$0x0], $0xffff  }
0x2e7: {  	v7 =	vadd.f32 v7, v35;
	v34 =	vld.idx.msk [tilespmem:v34+s18+$0x0], $0xffff;
	v35 =	vadd.f32 v59, v40;
	v40 =	vmul.f32 v45, v45  }
0x2e8: {  	v38 =	vor.u32 $0x30, v38;
	v45 =	vsub.f32 v45, v48;
	v19 =	vmul.f32 v18, v16;
	v18 =	vld.idx.msk [tilespmem:v60+s16+$0x0], $0xffff  }
0x2e9: {  	v24 =	vld.idx.msk [tilespmem:v37+s18+$0x0], $0xffff;
	v7 =	vadd.f32 v7, v13;
	v60 =	vmul.f32 v22, v22;
	v13 =	vadd.f32 v40, v35  }
0x2ea: {  	v43 =	vor.u32 $0x20, v43;
	v57 =	vld.idx.msk [tilespmem:v57+s18+$0x0], $0xffff;
	v35 =	vmul.f32 v30, v30;
	v33 =	vmul.f32 v45, v33  }
0x2eb: {  	v55 =	vld.idx.msk [tilespmem:v55+s16+$0x0], $0xffff;
	v59 =	vadd.f32 v61, v60;
	v61 =	vmul.f32 v8, v8;
	v7 =	vadd.f32 v13, v7  }
0x2ec: {  	v40 =	vld.idx.msk [tilespmem:v47+s18+$0x0], $0xffff;
	v13 =	vor.u32 $0x10, v37;
	v47 =	vmul.f32 v27, v27;
	v63 =	vmul.f32 v34, v34  }
0x2ed: {  	v39 =	vld.idx.msk [tilespmem:v39+s20+$0x0], $0xffff;
	v20 =	vadd.f32 v33, v20;
	v8 =	vsub.f32 v11, v8;
	v60 =	vmul.f32 v18, v18  }
0x2ee: {  	v54 =	vld.idx.msk [tilespmem:v54+s16+$0x0], $0xffff;
	v37 =	vor.u32 $0x30, v37;
	v35 =	vadd.f32 v35, v59;
	v47 =	vadd.f32 v63, v47  }
0x2ef: {  	v43 =	vld.idx.msk [tilespmem:v43+s16+$0x0], $0xffff;
	v63 =	vmul.f32 v57, v57;
	v59 =	vadd.f32 v61, v60;
	v60 =	vmul.f32 v11, v11  }
0x2f0: {  	v8 =	vmul.f32 v8, v18;
	v7 =	vadd.f32 v35, v7;
	v61 =	vld.idx.msk [tilespmem:v62+s20+$0x0], $0xffff;
	v62 =	vmul.f32 v55, v55  }
0x2f1: {  	v46 =	vld.idx.msk [tilespmem:v46+s18+$0x0], $0xffff;
	v35 =	vor.u32 $0x10, v29;
	v29 =	vor.u32 $0x30, v29;
	v59 =	vadd.f32 v60, v59  }
0x2f2: {  	v56 =	vld.idx.msk [tilespmem:v56+s16+$0x0], $0xffff;
	v60 =	vmul.f32 v25, v25;
	v41 =	vadd.f32 v63, v62;
	v62 =	vmul.f32 v40, v40  }
0x2f3: {  	v49 =	vld.idx.msk [tilespmem:v49+s16+$0x0], $0xffff;
	v63 =	vmul.f32 v54, v54;
	v25 =	vsub.f32 v25, v34;
	v7 =	vadd.f32 v59, v7  }
0x2f4: {  	v58 =	vld.idx.msk [tilespmem:v58+s18+$0x0], $0xffff;
	v47 =	vadd.f32 v60, v47;
	v59 =	vmul.f32 v39, v39;
	v60 =	vmul.f32 v43, v43  }
0x2f5: {  	v38 =	vld.idx.msk [tilespmem:v38+s20+$0x0], $0xffff;
	v25 =	vmul.f32 v25, v27;
	v27 =	vsub.f32 v30, v28;
	v40 =	vsub.f32 v61, v40  }
0x2f6: {  	v13 =	vld.idx.msk [tilespmem:v13+s18+$0x0], $0xffff;
	v7 =	vadd.f32 v47, v7;
	v41 =	vadd.f32 v59, v41;
	v59 =	vmul.f32 v46, v46  }
0x2f7: {  	v14 =	vld.idx.msk [tilespmem:v14+s20+$0x0], $0xffff;
	v47 =	vadd.f32 v62, v60;
	v60 =	vmul.f32 v61, v61;
	v62 =	vmul.f32 v21, v21  }
0x2f8: {  	v35 =	vld.idx.msk [tilespmem:v35+s20+$0x0], $0xffff;
	v28 =	vsub.f32 v53, v51;
	v22 =	vmul.f32 v27, v22;
	v30 =	vmul.f32 v40, v43  }
0x2f9: {  	v37 =	vld.idx.msk [tilespmem:v37+s18+$0x0], $0xffff;
	v7 =	vadd.f32 v41, v7;
	v41 =	vmul.f32 v24, v24;
	v31 =	vadd.f32 v60, v47  }
0x2fa: {  	v29 =	vld.idx.msk [tilespmem:v29+s20+$0x0], $0xffff;
	v44 =	vadd.f32 v59, v63;
	v47 =	vmul.f32 v38, v38;
	v59 =	vmul.f32 v49, v49  }
0x2fb: {  	v1 =	vld.idx.msk [tilespmem:v1+s16+$0x0], $0xffff;
	v60 =	vmul.f32 v13, v13;
	v31 =	vadd.f32 v31, v7;
	v7 =	vsub.f32 v39, v57  }
0x2fc: {  	v32 =	vld.idx.msk [tilespmem:v32+s20+$0x0], $0xffff;
	v63 =	vor.u32 s31, v5;
	v24 =	vsub.f32 v26, v24;
	v20 =	vadd.f32 v22, v20  }
0x2fd: {  	v42 =	vld.idx.msk [tilespmem:v42+s18+$0x0], $0xffff;
	v41 =	vadd.f32 v41, v62;
	v55 =	vmul.f32 v7, v55;
	v7 =	vsub.f32 v35, v13  }
0x2fe: {  	v44 =	vadd.f32 v47, v44;
	v47 =	vmul.f32 v26, v26;
	v62 =	vld.idx.msk [tilespmem:v50+s16+$0x0], $0xffff;
	v13 =	vsub.f32 v14, v36  }
0x2ff: {  	v27 =	vsub.f32 v29, v37;
	v57 =	vmul.f32 v56, v56;
	v26 =	vmul.f32 v7, v49;
	v7 =	vld.idx.msk [tilespmem:v52+s20+$0x0], $0xffff  }
0x300: {  	v12 =	vld.idx.msk [tilespmem:v12+s16+$0x0], $0xffff;
	v39 =	vadd.f32 v60, v59;
	v59 =	vmul.f32 v58, v58;
	v13 =	vmul.f32 v13, v1  }
0x301: {  	v23 =	vld.idx.msk [tilespmem:v23+s16+$0x0], $0xffff;
	v21 =	vmul.f32 v24, v21;
	v24 =	vsub.f32 v32, v58;
	v25 =	vadd.f32 v55, v25  }
0x302: {  	v60 =	vor.u32 s0, v5;
	v13 =	vadd.f32 v13, v19;
	v19 =	vsub.f32 v38, v46  }
0x303: {  	v24 =	vmul.f32 v24, v56;
	v21 =	vadd.f32 v26, v21;
	v26 =	vmul.f32 v28, v62  }
0x304: {  	v25 =	vadd.f32 v30, v25;
	v19 =	vmul.f32 v19, v54;
	v28 =	vsub.f32 v7, v42  }
0x305: {  	v8 =	vadd.f32 v8, v20;
	v11 =	vadd.f32 v24, v21;
	v21 =	vmul.f32 v27, v12  }
0x306: {  	v13 =	vadd.f32 v26, v13;
	v19 =	vadd.f32 v19, v25;
	v24 =	vmul.f32 v28, v23  }
0x307: {  	v18 =	vadd.f32 v44, v31;
	[tilespmem:v63+s29+$0x0] =	vst.idx.msk $0xffff, v8;
	v11 =	vadd.f32 v21, v11  }
0x308: {  	v12 =	vmul.f32 v12, v12;
	[tilespmem:v10+s29+$0x0] =	vst.idx.msk $0xffff, v19;
	v13 =	vadd.f32 v24, v13  }
0x309: {  	v10 =	vadd.f32 v47, v41;
	[tilespmem:v9+s29+$0x0] =	vst.idx.msk $0xffff, v11;
	v9 =	vmul.f32 v35, v35  }
0x30a: {  	v11 =	vadd.f32 v59, v57;
	[tilespmem:v60+s29+$0x0] =	vst.idx.msk $0xffff, v13;
	v13 =	vmul.f32 v37, v37  }
0x30b: {  	v8 =	vadd.f32 v10, v18;
	v9 =	vadd.f32 v9, v39;
	v10 =	vmul.f32 v32, v32;
	_ =	swait.ge [sflag:s1], $0x4000  }
0x30c: {  	v12 =	vadd.f32 v13, v12;
	v13 =	vmul.f32 v16, v16;
	v16 =	vmul.f32 v17, v17;
	[sflag:s1] =	ssyncset.done $0x0  }
0x30d: {  	s0 =	simm.s32 $0x0;
	v8 =	vadd.f32 v9, v8;
	v9 =	vadd.f32 v10, v11;
	[sflag:s1] =	ssyncadd.s32 $0xFFFFC000  }
0x30e: {  	v10 =	vmul.f32 v29, v29;
	v11 =	vadd.f32 v16, v13;
	_ =	swait.ge [sflag:s1], $0x4000;
	v13 =	vmov s0  }
0x30f: {  	v1 =	vmul.f32 v1, v1;
	[sflag:s1] =	ssyncset.done $0x0;
	v17 =	vor.u32 $0x180, v13  }
0x310: {  	s15 =	simm.s32 $0x3;
	v8 =	vadd.f32 v9, v8;
	v16 =	vmul.f32 v36, v36;
	v9 =	vadd.f32 v10, v12;
	[sflag:s1] =	ssyncadd.s32 $0xFFFFC000  }
0x311: {  	v10 =	vmul.f32 v15, v15;
	v12 =	vmov s15;
	v15 =	vmul.f32 v62, v62;
	_ =	swait.ge [sflag:s1], $0x4000  }
0x312: {  	v18 =	vor.u32 $0x180, v12;
	v1 =	vadd.f32 v16, v1;
	v16 =	vmul.f32 v51, v51;
	[sflag:s1] =	ssyncset.done $0x0  }
0x313: {  	s17 =	simm.s32 $0x2;
	v8 =	vadd.f32 v9, v8;
	v9 =	vadd.f32 v10, v11;
	[sflag:s1] =	ssyncadd.s32 $0xFFFFC000  }
0x314: {  	v10 =	vmul.f32 v14, v14;
	v11 =	vadd.f32 v16, v15;
	v15 =	vmov s17;
	v14 =	vld.idx.msk [tilespmem:v17+s13+$0x0], $0xffff  }
0x315: {  	v19 =	vmul.f32 v42, v42;
	v16 =	vmul.f32 v23, v23;
	v21 =	vor.u32 $0x180, v15;
	v20 =	vld.idx.msk [tilespmem:v17+s2+$0x0], $0xffff  }
0x316: {  	s19 =	simm.s32 $0x1;
	v8 =	vadd.f32 v9, v8;
	v1 =	vadd.f32 v10, v1;
	v9 =	vmul.f32 v53, v53;
	v10 =	vld.idx.msk [tilespmem:v17+s12+$0x0], $0xffff  }
0x317: {  	v16 =	vadd.f32 v19, v16;
	v17 =	vmov s19;
	v19 =	vld.idx.msk [tilespmem:v18+s13+$0x0], $0xffff  }
0x318: {  	v1 =	vadd.f32 v1, v8;
	v8 =	vadd.f32 v9, v11;
	v11 =	vld.idx.msk [tilespmem:v18+s2+$0x0], $0xffff;
	v9 =	vor.u32 $0x180, v17  }
0x319: {  	v7 =	vmul.f32 v7, v7;
	v13 =	vshll.u32 v13, $0x7;
	v18 =	vld.idx.msk [tilespmem:v18+s12+$0x0], $0xffff;
	vm0 =	vgt.s32 v14, $0xCFFF  }
0x31a: {  	v12 =	vshll.u32 v12, $0x7;
	v22 =	vld.idx.msk [tilespmem:v21+s2+$0x0], $0xffff;
	vm1 =	vgt.s32 v20, $0xCFFF;
	v20 =	vsel vm0, v2, v0  }
0x31b: {  	v14 =	vld.idx.msk [tilespmem:v21+s13+$0x0], $0xffff;
	v23 =	vsel vm1, v2, v0;
	vm0 =	vgt.s32 v10, $0xCFFF;
	v10 =	vor.u32 v13, v20  }
0x31c: {  	v20 =	vld.idx.msk [tilespmem:v21+s12+$0x0], $0xffff;
	v21 =	vsel vm0, v2, v0;
	v23 =	vor.u32 v13, v23;
	vm0 =	vgt.s32 v19, $0xCFFF  }
0x31d: {  	vm1 =	vgt.s32 v11, $0xCFFF;
	v19 =	vld.idx.msk [tilespmem:v9+s13+$0x0], $0xffff;
	v26 =	vor.u32 v13, v21;
	v11 =	vsel vm0, v2, v0  }
0x31e: {  	v15 =	vshll.u32 v15, $0x7;
	v13 =	vld.idx.msk [tilespmem:v9+s2+$0x0], $0xffff;
	v21 =	vsel vm1, v2, v0;
	v11 =	vor.u32 v12, v11  }
0x31f: {  	v17 =	vshll.u32 v17, $0x7;
	v1 =	vadd.f32 v8, v1;
	v9 =	vld.idx.msk [tilespmem:v9+s12+$0x0], $0xffff;
	v27 =	vor.u32 v12, v21  }
0x320: {  	vm0 =	vgt.s32 v18, $0xCFFF;
	v60 =	vor.u32 $0x10, v23;
	vm1 =	vgt.s32 v14, $0xCFFF;
	v33 =	vld.idx.msk [tilespmem:v10+s26+$0x0], $0xffff  }
0x321: {  	v14 =	vsel vm0, v2, v0;
	vm0 =	vgt.s32 v22, $0xCFFF;
	v47 =	vor.u32 $0x10, v27;
	v34 =	vld.idx.msk [tilespmem:v23+s22+$0x0], $0xffff  }
0x322: {  	v49 =	vor.u32 $0x20, v11;
	v28 =	vor.u32 v12, v14;
	v12 =	vsel vm0, v2, v0;
	v35 =	vld.idx.msk [tilespmem:v26+s24+$0x0], $0xffff  }
0x323: {  	v18 =	vsel vm1, v2, v0;
	vm0 =	vgt.s32 v20, $0xCFFF;
	v36 =	vor.u32 v15, v12;
	v12 =	vld.idx.msk [tilespmem:v11+s26+$0x0], $0xffff  }
0x324: {  	v31 =	vor.u32 v15, v18;
	v14 =	vsel vm0, v2, v0;
	vm0 =	vgt.s32 v13, $0xCFFF;
	v13 =	vld.idx.msk [tilespmem:v27+s22+$0x0], $0xffff  }
0x325: {  	v7 =	vadd.f32 v7, v16;
	v62 =	vor.u32 $0x30, v27;
	v45 =	vor.u32 $0x20, v27;
	v27 =	vld.idx.msk [tilespmem:v60+s22+$0x0], $0xffff  }
0x326: {  	v61 =	vor.u32 $0x10, v26;
	v20 =	vor.u32 $0x30, v26;
	v26 =	vor.u32 $0x20, v26;
	v47 =	vld.idx.msk [tilespmem:v47+s22+$0x0], $0xffff  }
0x327: {  	vm1 =	vgt.s32 v19, $0xCFFF;
	v63 =	vor.u32 $0x30, v36;
	v53 =	vor.u32 $0x20, v31;
	v49 =	vld.idx.msk [tilespmem:v49+s26+$0x0], $0xffff  }
0x328: {  	v37 =	vor.u32 v15, v14;
	v14 =	vsel vm0, v2, v0;
	vm0 =	vgt.s32 v9, $0xCFFF;
	v29 =	vld.idx.msk [tilespmem:v28+s24+$0x0], $0xffff  }
0x329: {  	v18 =	vsel vm1, v2, v0;
	v8 =	vsel vm0, v2, v0;
	v39 =	vor.u32 v17, v14;
	v14 =	vld.idx.msk [tilespmem:v31+s26+$0x0], $0xffff  }
0x32a: {  	v44 =	vor.u32 $0x30, v28;
	v38 =	vor.u32 v17, v18;
	v40 =	vor.u32 v17, v8;
	v17 =	vld.idx.msk [tilespmem:v36+s22+$0x0], $0xffff  }
0x32b: {  	v46 =	vor.u32 $0x20, v28;
	v48 =	vor.u32 $0x10, v28;
	v9 =	vor.u32 $0x20, v10;
	v28 =	vld.idx.msk [tilespmem:v26+s24+$0x0], $0xffff  }
0x32c: {  	v32 =	vor.u32 $0x30, v11;
	v52 =	vor.u32 $0x10, v11;
	v18 =	vor.u32 $0x30, v23;
	v11 =	vld.idx.msk [tilespmem:v63+s22+$0x0], $0xffff  }
0x32d: {  	v1 =	vadd.f32 v7, v1;
	v53 =	vld.idx.msk [tilespmem:v53+s26+$0x0], $0xffff  }
0x32e: {  	v7 =	vor.u32 s17, v6;
	v30 =	vor.u32 $0x20, v23;
	v51 =	vor.u32 $0x30, v31;
	v21 =	vld.idx.msk [tilespmem:v37+s24+$0x0], $0xffff  }
0x32f: {  	v55 =	vor.u32 $0x10, v31;
	v56 =	vor.u32 $0x20, v36;
	v15 =	vor.u32 $0x30, v10;
	v24 =	vld.idx.msk [tilespmem:v38+s26+$0x0], $0xffff  }
0x330: {  	v10 =	vor.u32 $0x10, v10;
	v54 =	vor.u32 $0x30, v37;
	v58 =	vor.u32 $0x20, v37;
	v23 =	vld.idx.msk [tilespmem:v9+s26+$0x0], $0xffff  }
0x331: {  	v59 =	vor.u32 $0x30, v38;
	v50 =	vor.u32 $0x10, v38;
	v60 =	vor.u32 $0x30, v39;
	v9 =	vld.idx.msk [tilespmem:v18+s22+$0x0], $0xffff  }
0x332: {  	v57 =	vor.u32 $0x10, v40;
	v36 =	vor.u32 $0x10, v36;
	v43 =	vor.u32 $0x20, v40;
	v18 =	vld.idx.msk [tilespmem:v20+s24+$0x0], $0xffff  }
0x333: {  	v8 =	vsub.f32 v33, v35;
	v35 =	vmul.f32 v35, v35;
	v33 =	vmul.f32 v33, v33;
	v20 =	vld.idx.msk [tilespmem:v30+s22+$0x0], $0xffff  }
0x334: {  	v30 =	vld.idx.msk [tilespmem:v61+s24+$0x0], $0xffff;
	v61 =	vor.u32 $0x10, v39;
	v37 =	vor.u32 $0x10, v37;
	v38 =	vor.u32 $0x20, v38  }
0x335: {  	v31 =	vld.idx.msk [tilespmem:v10+s26+$0x0], $0xffff;
	v16 =	vmul.f32 v8, v34;
	v34 =	vmul.f32 v34, v34;
	v19 =	vsub.f32 v12, v29  }
0x336: {  	v22 =	vld.idx.msk [tilespmem:v39+s22+$0x0], $0xffff;
	v39 =	vor.u32 $0x20, v39;
	v29 =	vmul.f32 v29, v29;
	v12 =	vmul.f32 v12, v12  }
0x337: {  	v15 =	vld.idx.msk [tilespmem:v15+s26+$0x0], $0xffff;
	v34 =	vadd.f32 v35, v34;
	v35 =	vmul.f32 v27, v27;
	v19 =	vmul.f32 v19, v13  }
0x338: {  	v8 =	vor.u32 s19, v6;
	v25 =	vld.idx.msk [tilespmem:v40+s24+$0x0], $0xffff;
	v63 =	vmul.f32 v53, v53;
	v13 =	vmul.f32 v13, v13  }
0x339: {  	v40 =	vor.u32 $0x30, v40;
	v26 =	vld.idx.msk [tilespmem:v60+s22+$0x0], $0xffff;
	v41 =	vmul.f32 v30, v30;
	v60 =	vmul.f32 v20, v20  }
0x33a: {  	v42 =	vld.idx.msk [tilespmem:v61+s22+$0x0], $0xffff;
	v61 =	vmul.f32 v28, v28;
	v34 =	vadd.f32 v33, v34;
	v30 =	vsub.f32 v31, v30  }
0x33b: {  	v57 =	vld.idx.msk [tilespmem:v57+s24+$0x0], $0xffff;
	v13 =	vadd.f32 v29, v13;
	v35 =	vadd.f32 v41, v35;
	v41 =	vmul.f32 v31, v31  }
0x33c: {  	v33 =	vld.idx.msk [tilespmem:v39+s22+$0x0], $0xffff;
	v39 =	vadd.f32 v61, v60;
	v60 =	vmul.f32 v9, v9;
	v61 =	vmul.f32 v18, v18  }
0x33d: {  	v10 =	vld.idx.msk [tilespmem:v62+s22+$0x0], $0xffff;
	v1 =	vadd.f32 v34, v1;
	v62 =	vmul.f32 v25, v25;
	v27 =	vmul.f32 v30, v27  }
0x33e: {  	v46 =	vld.idx.msk [tilespmem:v46+s24+$0x0], $0xffff;
	v12 =	vadd.f32 v12, v13;
	v35 =	vadd.f32 v41, v35;
	v41 =	vmul.f32 v23, v23  }
0x33f: {  	v43 =	vld.idx.msk [tilespmem:v43+s24+$0x0], $0xffff;
	v60 =	vadd.f32 v61, v60;
	v61 =	vmul.f32 v22, v22;
	v23 =	vsub.f32 v23, v28  }
0x340: {  	v50 =	vld.idx.msk [tilespmem:v50+s26+$0x0], $0xffff;
	v1 =	vadd.f32 v35, v1;
	v35 =	vadd.f32 v41, v39;
	v39 =	vmul.f32 v15, v15  }
0x341: {  	v34 =	vld.idx.msk [tilespmem:v40+s24+$0x0], $0xffff;
	v40 =	vadd.f32 v62, v61;
	v41 =	vmul.f32 v42, v42;
	v61 =	vmul.f32 v57, v57  }
0x342: {  	v59 =	vld.idx.msk [tilespmem:v59+s26+$0x0], $0xffff;
	v29 =	vmul.f32 v47, v47;
	v16 =	vadd.f32 v27, v16;
	v1 =	vadd.f32 v35, v1  }
0x343: {  	v38 =	vld.idx.msk [tilespmem:v38+s26+$0x0], $0xffff;
	v35 =	vadd.f32 v39, v60;
	v39 =	vmul.f32 v24, v24;
	v41 =	vadd.f32 v61, v41  }
0x344: {  	v36 =	vld.idx.msk [tilespmem:v36+s22+$0x0], $0xffff;
	v60 =	vmul.f32 v33, v33;
	v61 =	vmul.f32 v43, v43;
	v24 =	vsub.f32 v24, v25  }
0x345: {  	v37 =	vld.idx.msk [tilespmem:v37+s24+$0x0], $0xffff;
	v1 =	vadd.f32 v35, v1;
	v35 =	vadd.f32 v39, v40;
	v39 =	vmul.f32 v50, v50  }
0x346: {  	v40 =	vld.idx.msk [tilespmem:v56+s22+$0x0], $0xffff;
	v56 =	vadd.f32 v61, v60;
	v60 =	vmul.f32 v26, v26;
	v61 =	vmul.f32 v34, v34  }
0x347: {  	v50 =	vsub.f32 v50, v57;
	v22 =	vmul.f32 v24, v22;
	v24 =	vsub.f32 v49, v46  }
0x348: {  	v58 =	vld.idx.msk [tilespmem:v58+s24+$0x0], $0xffff;
	v1 =	vadd.f32 v35, v1;
	v35 =	vadd.f32 v39, v41;
	v39 =	vmul.f32 v38, v38  }
0x349: {  	v41 =	vld.idx.msk [tilespmem:v55+s26+$0x0], $0xffff;
	v55 =	vadd.f32 v61, v60;
	v60 =	vmul.f32 v17, v17;
	v61 =	vmul.f32 v21, v21  }
0x34a: {  	v54 =	vld.idx.msk [tilespmem:v54+s24+$0x0], $0xffff;
	v1 =	vadd.f32 v35, v1;
	v35 =	vadd.f32 v39, v56;
	v39 =	vmul.f32 v59, v59  }
0x34b: {  	v52 =	vld.idx.msk [tilespmem:v52+s26+$0x0], $0xffff;
	v56 =	vadd.f32 v61, v60;
	v60 =	vmul.f32 v36, v36;
	v61 =	vmul.f32 v37, v37  }
0x34c: {  	v45 =	vld.idx.msk [tilespmem:v45+s22+$0x0], $0xffff;
	v1 =	vadd.f32 v35, v1;
	v35 =	vadd.f32 v39, v55;
	v39 =	vmul.f32 v14, v14  }
0x34d: {  	v51 =	vld.idx.msk [tilespmem:v51+s26+$0x0], $0xffff;
	v55 =	vadd.f32 v61, v60;
	v60 =	vmul.f32 v40, v40;
	v61 =	vmul.f32 v58, v58  }
0x34e: {  	v48 =	vld.idx.msk [tilespmem:v48+s24+$0x0], $0xffff;
	v1 =	vadd.f32 v35, v1;
	v35 =	vadd.f32 v39, v56;
	v39 =	vmul.f32 v41, v41  }
0x34f: {  	v56 =	vadd.f32 v61, v60;
	v60 =	vmul.f32 v11, v11;
	v61 =	vmul.f32 v54, v54  }
0x350: {  	v13 =	vmul.f32 v52, v52;
	v1 =	vadd.f32 v35, v1;
	v62 =	vadd.f32 v39, v55  }
0x351: {  	v34 =	vsub.f32 v59, v34;
	v42 =	vmul.f32 v50, v42;
	v61 =	vadd.f32 v61, v60  }
0x352: {  	s31 =	simm.s32 $0x4;
	v44 =	vld.idx.msk [tilespmem:v44+s24+$0x0], $0xffff;
	v1 =	vadd.f32 v62, v1;
	v62 =	vadd.f32 v63, v56;
	v63 =	vmul.f32 v51, v51  }
0x353: {  	v50 =	vsub.f32 v52, v48;
	v52 =	vmov s31;
	v27 =	vmul.f32 v24, v45  }
0x354: {  	v60 =	vmul.f32 v48, v48;
	v1 =	vadd.f32 v62, v1;
	v61 =	vadd.f32 v63, v61  }
0x355: {  	v32 =	vld.idx.msk [tilespmem:v32+s26+$0x0], $0xffff;
	v21 =	vsub.f32 v14, v21;
	v62 =	vmul.f32 v45, v45;
	v63 =	vmul.f32 v46, v46  }
0x356: {  	v25 =	vor.u32 $0x180, v52;
	v29 =	vadd.f32 v60, v29;
	v1 =	vadd.f32 v61, v1  }
0x357: {  	v60 =	vadd.f32 v63, v62;
	v61 =	vmul.f32 v10, v10;
	v62 =	vmul.f32 v44, v44  }
0x358: {  	s19 =	simm.s32 $0x5;
	v13 =	vadd.f32 v13, v29;
	v29 =	vmul.f32 v49, v49;
	v1 =	vadd.f32 v12, v1  }
0x359: {  	v24 =	vmov s19;
	v31 =	vmul.f32 v50, v47;
	v39 =	vadd.f32 v62, v61  }
0x35a: {  	v63 =	vmul.f32 v32, v32;
	v29 =	vadd.f32 v29, v60;
	v1 =	vadd.f32 v13, v1  }
0x35b: {  	v17 =	vmul.f32 v21, v17;
	v37 =	vsub.f32 v41, v37;
	v13 =	vor.u32 s0, v6;
	s0 =	simm.s32 $0x7  }
0x35c: {  	v55 =	vmov s0;
	v1 =	vadd.f32 v29, v1;
	v29 =	vadd.f32 v63, v39  }
0x35d: {  	v21 =	vsub.f32 v53, v58;
	v28 =	vadd.f32 v42, v22;
	v57 =	vld.idx.msk [tilespmem:v25+s13+$0x0], $0xffff;
	v30 =	vor.u32 $0x180, v55  }
0x35e: {  	v12 =	vor.u32 s15, v6;
	s15 =	simm.s32 $0x6;
	v14 =	vadd.f32 v29, v1;
	v29 =	vmul.f32 v37, v36  }
0x35f: {  	v22 =	vsub.f32 v15, v18;
	v56 =	vmov s15;
	v1 =	vsub.f32 v38, v43  }
0x360: {  	v58 =	vor.u32 $0x180, v56;
	v29 =	vadd.f32 v29, v17;
	v17 =	vadd.f32 v31, v19;
	v19 =	vld.idx.msk [tilespmem:v25+s2+$0x0], $0xffff  }
0x361: {  	v40 =	vmul.f32 v21, v40;
	v21 =	vsub.f32 v51, v54;
	v60 =	vld.idx.msk [tilespmem:v25+s12+$0x0], $0xffff;
	v1 =	vmul.f32 v1, v33  }
0x362: {  	vm0 =	vgt.s32 v57, $0xCFFF;
	v18 =	vshll.u32 v56, $0x7;
	v31 =	vmul.f32 v23, v20;
	v61 =	vld.idx.msk [tilespmem:v30+s13+$0x0], $0xffff  }
0x363: {  	v20 =	vor.u32 $0x180, v24;
	v33 =	vsub.f32 v32, v44;
	v62 =	vld.idx.msk [tilespmem:v30+s2+$0x0], $0xffff;
	v23 =	vadd.f32 v1, v28  }
0x364: {  	v15 =	vld.idx.msk [tilespmem:v30+s12+$0x0], $0xffff;
	v28 =	vmul.f32 v34, v26;
	v25 =	vadd.f32 v40, v29;
	v1 =	vshll.u32 v52, $0x7  }
0x365: {  	v32 =	vld.idx.msk [tilespmem:v58+s13+$0x0], $0xffff;
	v26 =	vshll.u32 v55, $0x7;
	vm1 =	vgt.s32 v19, $0xCFFF;
	v19 =	vsel vm0, v2, v0  }
0x366: {  	v34 =	vld.idx.msk [tilespmem:v58+s2+$0x0], $0xffff;
	vm0 =	vgt.s32 v60, $0xCFFF;
	v30 =	vsel vm1, v2, v0;
	v19 =	vor.u32 v1, v19  }
0x367: {  	v29 =	vld.idx.msk [tilespmem:v58+s12+$0x0], $0xffff;
	v63 =	vsel vm0, v2, v0;
	vm1 =	vgt.s32 v61, $0xCFFF;
	v35 =	vor.u32 v1, v30  }
0x368: {  	s17 =	simm.s32 $0x8;
	v36 =	vld.idx.msk [tilespmem:v20+s13+$0x0], $0xffff;
	vm0 =	vgt.s32 v62, $0xCFFF;
	v30 =	vor.u32 v1, v63;
	v37 =	vsel vm1, v2, v0  }
.LBB2_10:
0x369: {  	p0 =	slt.u32 s17, $0x7C;
	v1 =	vld.idx.msk [tilespmem:v20+s2+$0x0], $0xffff;
	v38 =	vsel vm0, v2, v0;
	vm0 =	vgt.s32 v15, $0xCFFF;
	v39 =	vor.u32 v26, v37  }
0x36a: {  	vm1 =	vgt.s32 v32, $0xCFFF;
	v15 =	vld.idx.msk [tilespmem:v20+s12+$0x0], $0xffff;
	v20 =	vsel vm0, v2, v0;
	v38 =	vor.u32 v26, v38  }
0x36b: {  	vm0 =	vgt.s32 v34, $0xCFFF;
	v32 =	vsel vm1, v2, v0;
	v40 =	vld.idx.msk [tilespmem:v19+s26+$0x0], $0xffff;
	v34 =	vor.u32 v26, v20  }
0x36c: {  	v20 =	vsel vm0, v2, v0;
	vm0 =	vgt.s32 v29, $0xCFFF;
	v45 =	vor.u32 v18, v32;
	v41 =	vld.idx.msk [tilespmem:v35+s22+$0x0], $0xffff  }
0x36d: {  	vm1 =	vgt.s32 v36, $0xCFFF;
	v26 =	vsel vm0, v2, v0;
	v36 =	vor.u32 v18, v20;
	v46 =	vld.idx.msk [tilespmem:v30+s24+$0x0], $0xffff  }
0x36e: {  	v24 =	vshll.u32 v24, $0x7;
	v20 =	vsel vm1, v2, v0;
	v47 =	vor.u32 v18, v26;
	v26 =	vld.idx.msk [tilespmem:v39+s26+$0x0], $0xffff  }
0x36f: {  	vm0 =	vgt.s32 v1, $0xCFFF;
	v1 =	vor.u32 v24, v20;
	v20 =	vadd.f32 v27, v17;
	v29 =	vld.idx.msk [tilespmem:v38+s22+$0x0], $0xffff  }
0x370: {  	v27 =	vor.u32 $0x30, v19;
	v17 =	vsel vm0, v2, v0;
	vm0 =	vgt.s32 v15, $0xCFFF;
	v32 =	vld.idx.msk [tilespmem:v34+s24+$0x0], $0xffff  }
0x371: {  	v31 =	vadd.f32 v31, v16;
	v15 =	vsel vm0, v2, v0;
	v48 =	vor.u32 v24, v17;
	v18 =	vld.idx.msk [tilespmem:v45+s26+$0x0], $0xffff  }
0x372: {  	v11 =	vmul.f32 v21, v11;
	v10 =	vmul.f32 v33, v10;
	v49 =	vor.u32 v24, v15;
	v17 =	vld.idx.msk [tilespmem:v36+s22+$0x0], $0xffff  }
0x373: {  	v33 =	vor.u32 $0x20, v19;
	v9 =	vmul.f32 v22, v9;
	v15 =	vsub.f32 v40, v46;
	v21 =	vld.idx.msk [tilespmem:v47+s24+$0x0], $0xffff  }
0x374: {  	v22 =	vor.u32 $0x30, v35;
	v28 =	vadd.f32 v28, v23;
	v11 =	vadd.f32 v11, v25;
	v24 =	vld.idx.msk [tilespmem:v1+s26+$0x0], $0xffff  }
0x375: {  	v42 =	vor.u32 $0x30, v30;
	v10 =	vadd.f32 v10, v20;
	v16 =	vmul.f32 v15, v41;
	v15 =	vld.idx.msk [tilespmem:v27+s26+$0x0], $0xffff  }
0x376: {  	v44 =	vor.u32 $0x20, v35;
	v31 =	vadd.f32 v9, v31;
	v20 =	vsub.f32 v26, v32;
	v23 =	vld.idx.msk [tilespmem:v48+s22+$0x0], $0xffff  }
0x377: {  	v43 =	vor.u32 s15, v6;
	v35 =	vor.u32 $0x10, v35;
	v27 =	vld.idx.msk [tilespmem:v49+s24+$0x0], $0xffff;
	[tilespmem:v8+s29+$0x0] =	vst.idx.msk $0xffff, v28;
	v8 =	vor.u32 s19, v6  }
0x378: {  	v50 =	vor.u32 $0x10, v19;
	v28 =	vor.u32 $0x10, v30;
	v20 =	vmul.f32 v20, v29;
	v25 =	vld.idx.msk [tilespmem:v33+s26+$0x0], $0xffff;
	[tilespmem:v7+s29+$0x0] =	vst.idx.msk $0xffff, v11  }
0x379: {  	v51 =	vor.u32 $0x30, v38;
	v37 =	vor.u32 $0x30, v34;
	v11 =	vor.u32 $0x20, v30;
	v7 =	vmovc v43;
	v9 =	vld.idx.msk [tilespmem:v22+s22+$0x0], $0xffff;
	[tilespmem:v12+s29+$0x0] =	vst.idx.msk $0xffff, v10  }
0x37a: {  	v43 =	vor.u32 $0x20, v38;
	v12 =	vor.u32 $0x30, v39;
	v19 =	vld.idx.msk [tilespmem:v42+s24+$0x0], $0xffff;
	v42 =	vor.u32 $0x20, v34;
	[tilespmem:v13+s29+$0x0] =	vst.idx.msk $0xffff, v31  }
0x37b: {  	v52 =	vor.u32 $0x10, v38;
	v53 =	vor.u32 $0x10, v34;
	v13 =	vor.u32 $0x20, v39;
	v22 =	vld.idx.msk [tilespmem:v44+s22+$0x0], $0xffff  }
0x37c: {  	v54 =	vor.u32 $0x30, v45;
	v44 =	vor.u32 $0x10, v39;
	v30 =	vld.idx.msk [tilespmem:v35+s22+$0x0], $0xffff;
	v35 =	vor.u32 $0x30, v36  }
0x37d: {  	v55 =	vor.u32 $0x20, v45;
	v56 =	vor.u32 $0x30, v47;
	v33 =	vld.idx.msk [tilespmem:v28+s24+$0x0], $0xffff;
	v28 =	vor.u32 $0x30, v48  }
0x37e: {  	v57 =	vor.u32 $0x20, v36;
	v45 =	vor.u32 $0x10, v45;
	v38 =	vor.u32 $0x10, v48;
	v31 =	vld.idx.msk [tilespmem:v11+s24+$0x0], $0xffff  }
0x37f: {  	v58 =	vor.u32 $0x20, v47;
	v39 =	vor.u32 $0x10, v49;
	v34 =	vld.idx.msk [tilespmem:v50+s26+$0x0], $0xffff;
	v50 =	vor.u32 $0x10, v36  }
0x380: {  	v60 =	vor.u32 $0x10, v47;
	v59 =	vor.u32 $0x30, v1;
	v36 =	vor.u32 $0x20, v48;
	v10 =	vld.idx.msk [tilespmem:v51+s22+$0x0], $0xffff  }
0x381: {  	v46 =	vmul.f32 v46, v46;
	v47 =	vor.u32 $0x20, v49;
	v41 =	vmul.f32 v41, v41;
	v11 =	vld.idx.msk [tilespmem:v35+s22+$0x0], $0xffff  }
0x382: {  	v49 =	vor.u32 $0x30, v49;
	v48 =	vor.u32 $0x10, v1;
	v35 =	vmul.f32 v40, v40;
	v28 =	vld.idx.msk [tilespmem:v28+s22+$0x0], $0xffff  }
0x383: {  	v41 =	vadd.f32 v46, v41;
	v51 =	vmul.f32 v30, v30;
	v61 =	vmul.f32 v33, v33;
	v40 =	vld.idx.msk [tilespmem:v38+s22+$0x0], $0xffff  }
0x384: {  	v1 =	vor.u32 $0x20, v1;
	v38 =	vmul.f32 v22, v22;
	v62 =	vmul.f32 v31, v31;
	v46 =	vld.idx.msk [tilespmem:v39+s24+$0x0], $0xffff  }
0x385: {  	v41 =	vadd.f32 v35, v41;
	v51 =	vadd.f32 v61, v51;
	v61 =	vmul.f32 v34, v34;
	v35 =	vld.idx.msk [tilespmem:v36+s22+$0x0], $0xffff  }
0x386: {  	v38 =	vadd.f32 v62, v38;
	v36 =	vmul.f32 v9, v9;
	v62 =	vmul.f32 v19, v19;
	v39 =	vld.idx.msk [tilespmem:v47+s24+$0x0], $0xffff  }
0x387: {  	v14 =	vadd.f32 v41, v14;
	v41 =	vadd.f32 v61, v51;
	v47 =	vmul.f32 v25, v25;
	v51 =	vld.idx.msk [tilespmem:v48+s26+$0x0], $0xffff  }
0x388: {  	v61 =	vadd.f32 v62, v36;
	v48 =	vmul.f32 v23, v23;
	v62 =	vmul.f32 v27, v27;
	v36 =	vld.idx.msk [tilespmem:v49+s24+$0x0], $0xffff  }
0x389: {  	v14 =	vadd.f32 v41, v14;
	v38 =	vadd.f32 v47, v38;
	v41 =	vmul.f32 v15, v15;
	v47 =	vld.idx.msk [tilespmem:v1+s26+$0x0], $0xffff  }
0x38a: {  	v49 =	vmul.f32 v40, v40;
	v1 =	vadd.f32 v62, v48;
	v62 =	vmul.f32 v46, v46;
	v48 =	vld.idx.msk [tilespmem:v50+s22+$0x0], $0xffff  }
0x38b: {  	v14 =	vadd.f32 v38, v14;
	v41 =	vadd.f32 v41, v61;
	v50 =	vmul.f32 v24, v24;
	v38 =	vld.idx.msk [tilespmem:v59+s26+$0x0], $0xffff  }
0x38c: {  	v49 =	vadd.f32 v62, v49;
	v59 =	vmul.f32 v35, v35;
	v61 =	vmul.f32 v39, v39;
	v60 =	vld.idx.msk [tilespmem:v60+s24+$0x0], $0xffff  }
0x38d: {  	v14 =	vadd.f32 v41, v14;
	v1 =	vadd.f32 v50, v1;
	v50 =	vmul.f32 v51, v51;
	v41 =	vld.idx.msk [tilespmem:v57+s22+$0x0], $0xffff  }
0x38e: {  	v57 =	vadd.f32 v61, v59;
	v59 =	vmul.f32 v28, v28;
	v61 =	vmul.f32 v36, v36;
	v58 =	vld.idx.msk [tilespmem:v58+s24+$0x0], $0xffff  }
0x38f: {  	v1 =	vadd.f32 v1, v14;
	v14 =	vadd.f32 v50, v49;
	v49 =	vmul.f32 v47, v47;
	v50 =	vld.idx.msk [tilespmem:v45+s26+$0x0], $0xffff  }
0x390: {  	v62 =	vmul.f32 v21, v21;
	v59 =	vadd.f32 v61, v59;
	v61 =	vmul.f32 v17, v17;
	v45 =	vld.idx.msk [tilespmem:v56+s24+$0x0], $0xffff  }
0x391: {  	v1 =	vadd.f32 v14, v1;
	v14 =	vadd.f32 v49, v57;
	v49 =	vmul.f32 v38, v38;
	v55 =	vld.idx.msk [tilespmem:v55+s26+$0x0], $0xffff  }
0x392: {  	v57 =	vmul.f32 v48, v48;
	v56 =	vadd.f32 v62, v61;
	v61 =	vmul.f32 v60, v60;
	v52 =	vld.idx.msk [tilespmem:v52+s22+$0x0], $0xffff  }
0x393: {  	v1 =	vadd.f32 v14, v1;
	v14 =	vadd.f32 v49, v59;
	v49 =	vmul.f32 v18, v18;
	v54 =	vld.idx.msk [tilespmem:v54+s26+$0x0], $0xffff  }
0x394: {  	v59 =	vmul.f32 v41, v41;
	v57 =	vadd.f32 v61, v57;
	v61 =	vmul.f32 v58, v58;
	v53 =	vld.idx.msk [tilespmem:v53+s24+$0x0], $0xffff  }
0x395: {  	v1 =	vadd.f32 v14, v1;
	v14 =	vadd.f32 v49, v56;
	v49 =	vmul.f32 v50, v50;
	v43 =	vld.idx.msk [tilespmem:v43+s22+$0x0], $0xffff  }
0x396: {  	v56 =	vadd.f32 v61, v59;
	v59 =	vmul.f32 v11, v11;
	v61 =	vmul.f32 v45, v45;
	v42 =	vld.idx.msk [tilespmem:v42+s24+$0x0], $0xffff  }
0x397: {  	v1 =	vadd.f32 v14, v1;
	v14 =	vadd.f32 v49, v57;
	v49 =	vmul.f32 v55, v55;
	v44 =	vld.idx.msk [tilespmem:v44+s26+$0x0], $0xffff  }
0x398: {  	v32 =	vmul.f32 v32, v32;
	v29 =	vmul.f32 v29, v29;
	v57 =	vadd.f32 v61, v59;
	v37 =	vld.idx.msk [tilespmem:v37+s24+$0x0], $0xffff  }
0x399: {  	v1 =	vadd.f32 v14, v1;
	v14 =	vadd.f32 v49, v56;
	v49 =	vmul.f32 v54, v54;
	v56 =	vld.idx.msk [tilespmem:v13+s26+$0x0], $0xffff  }
0x39a: {  	v13 =	vadd.f32 v32, v29;
	v29 =	vmul.f32 v52, v52;
	v32 =	vmul.f32 v53, v53  }
0x39b: {  	v26 =	vmul.f32 v26, v26;
	v1 =	vadd.f32 v14, v1;
	v14 =	vadd.f32 v49, v57;
	v49 =	vld.idx.msk [tilespmem:v12+s26+$0x0], $0xffff  }
0x39c: {  	v12 =	vadd.f32 v32, v29;
	v29 =	vmul.f32 v43, v43;
	v32 =	vmul.f32 v42, v42  }
0x39d: {  	v13 =	vadd.f32 v26, v13;
	v1 =	vadd.f32 v14, v1;
	v14 =	vmul.f32 v44, v44  }
0x39e: {  	v26 =	vadd.f32 v32, v29;
	v29 =	vmul.f32 v10, v10;
	v32 =	vmul.f32 v37, v37  }
0x39f: {  	v1 =	vadd.f32 v13, v1;
	v13 =	vadd.f32 v14, v12;
	v14 =	vmul.f32 v56, v56  }
0x3a0: {  	v46 =	vsub.f32 v51, v46;
	v12 =	vor.u32 s0, v6;
	v29 =	vadd.f32 v32, v29  }
0x3a1: {  	v1 =	vadd.f32 v13, v1;
	v14 =	vadd.f32 v14, v26;
	v26 =	vmul.f32 v49, v49  }
0x3a2: {  	v44 =	vsub.f32 v44, v53;
	v32 =	vmul.f32 v46, v40;
	v40 =	vsub.f32 v50, v60  }
0x3a3: {  	v13 =	vor.u32 s31, v6;
	s31 =	smov.u32 s17;
	v1 =	vadd.f32 v14, v1;
	v14 =	vadd.f32 v26, v29  }
0x3a4: {  	v24 =	vsub.f32 v24, v27;
	v26 =	vmov s17;
	v29 =	vsub.f32 v34, v33  }
0x3a5: {  	v18 =	vsub.f32 v18, v21;
	v27 =	vor.u32 $0x180, v26;
	v14 =	vadd.f32 v14, v1  }
0x3a6: {  	s0 =	sadd.s32 $0x3, s17;
	v21 =	vmul.f32 v40, v48;
	v33 =	vmul.f32 v44, v52;
	v1 =	vsub.f32 v47, v39  }
0x3a7: {  	v23 =	vmul.f32 v24, v23;
	v34 =	vmov s0;
	v29 =	vmul.f32 v29, v30  }
0x3a8: {  	v17 =	vmul.f32 v18, v17;
	v18 =	vsub.f32 v55, v58;
	v30 =	vor.u32 $0x180, v34  }
0x3a9: {  	s15 =	sadd.s32 $0x2, s17;
	v25 =	vsub.f32 v25, v31;
	v24 =	vsub.f32 v56, v42;
	v1 =	vmul.f32 v1, v35  }
0x3aa: {  	v23 =	vadd.f32 v32, v23;
	v32 =	vadd.f32 v21, v17;
	v39 =	vmov s15;
	v35 =	vld.idx.msk [tilespmem:v27+s13+$0x0], $0xffff  }
0x3ab: {  	v17 =	vadd.f32 v33, v20;
	v42 =	vor.u32 $0x180, v39;
	v16 =	vadd.f32 v29, v16;
	v40 =	vld.idx.msk [tilespmem:v27+s2+$0x0], $0xffff  }
0x3ac: {  	s19 =	sadd.s32 $0x1, s17;
	v36 =	vsub.f32 v38, v36;
	v18 =	vmul.f32 v18, v41;
	v29 =	vld.idx.msk [tilespmem:v27+s12+$0x0], $0xffff;
	v27 =	vmul.f32 v24, v43  }
0x3ad: {  	v31 =	vmul.f32 v25, v22;
	v21 =	vsub.f32 v54, v45;
	v24 =	vmov s19;
	v38 =	vld.idx.msk [tilespmem:v30+s13+$0x0], $0xffff  }
0x3ae: {  	v22 =	vsub.f32 v15, v19;
	v33 =	vsub.f32 v49, v37;
	v20 =	vor.u32 $0x180, v24;
	v41 =	vld.idx.msk [tilespmem:v30+s2+$0x0], $0xffff  }
0x3af: {  	v28 =	vmul.f32 v36, v28;
	v25 =	vadd.f32 v18, v32;
	v23 =	vadd.f32 v1, v23;
	v15 =	vld.idx.msk [tilespmem:v30+s12+$0x0], $0xffff  }
.Ltmp4:
0x3b0: {  	v1 =	vshll.u32 v26, $0x7;
	v26 =	vshll.u32 v34, $0x7;
	vm0 =	vgt.s32 v35, $0xCFFF;
	v32 =	vld.idx.msk [tilespmem:v42+s13+$0x0], $0xffff;
	(pc) =	sbr.rel @p0 .LBB2_10-.Ltmp4, $4  }
0x3b1: {  	v18 =	vshll.u32 v39, $0x7;
	vm1 =	vgt.s32 v40, $0xCFFF;
	v19 =	vsel vm0, v2, v0;
	v34 =	vld.idx.msk [tilespmem:v42+s2+$0x0], $0xffff  }
0x3b2: {  	v30 =	vsel vm1, v2, v0;
	vm0 =	vgt.s32 v29, $0xCFFF;
	v19 =	vor.u32 v1, v19;
	v29 =	vld.idx.msk [tilespmem:v42+s12+$0x0], $0xffff  }
0x3b3: {  	v37 =	vsel vm0, v2, v0;
	v35 =	vor.u32 v1, v30;
	vm1 =	vgt.s32 v38, $0xCFFF;
	v36 =	vld.idx.msk [tilespmem:v20+s13+$0x0], $0xffff  }
0x3b4: {  	s17 =	sadd.s32 $0x4, s17;
	v30 =	vor.u32 v1, v37;
	vm0 =	vgt.s32 v41, $0xCFFF;
	v37 =	vsel vm1, v2, v0  }
0x3b5: {  	_ =	sdelay $0x2  }
0x3b6: {  	v1 =	vsel vm0, v2, v0  }
0x3b7: {  	v38 =	vld.idx.msk [tilespmem:v20+s2+$0x0], $0xffff;
	vm10 =	vgt.s32 v15, $0xCFFF;
	v15 =	vor.u32 v26, v37;
	vm1 =	vgt.s32 v32, $0xCFFF  }
0x3b8: {  	v63 =	vld.idx.msk [tilespmem:v20+s12+$0x0], $0xffff;
	v52 =	vshll.u32 v24, $0x7;
	v47 =	vsel vm10, v2, v0;
	v1 =	vor.u32 v26, v1  }
0x3b9: {  	v39 =	vld.idx.msk [tilespmem:v19+s26+$0x0], $0xffff;
	vm11 =	vgt.s32 v34, $0xCFFF;
	v48 =	vsel vm1, v2, v0;
	v32 =	vor.u32 v26, v47  }
0x3ba: {  	v42 =	vld.idx.msk [tilespmem:v30+s24+$0x0], $0xffff;
	v49 =	vsel vm11, v2, v0;
	vm12 =	vgt.s32 v29, $0xCFFF;
	v41 =	vor.u32 v18, v48  }
0x3bb: {  	v40 =	vld.idx.msk [tilespmem:v35+s22+$0x0], $0xffff;
	vm13 =	vgt.s32 v36, $0xCFFF;
	v50 =	vsel vm12, v2, v0;
	v43 =	vor.u32 v18, v49  }
0x3bc: {  	v53 =	vadd.f32 v27, v17;
	v51 =	vsel vm13, v2, v0;
	v44 =	vor.u32 v18, v50;
	v20 =	vld.idx.msk [tilespmem:v15+s26+$0x0], $0xffff  }
0x3bd: {  	v54 =	vor.u32 $0x30, v19;
	v11 =	vmul.f32 v21, v11;
	v45 =	vor.u32 v52, v51;
	v24 =	vld.idx.msk [tilespmem:v1+s22+$0x0], $0xffff  }
0x3be: {  	v10 =	vmul.f32 v33, v10;
	v57 =	vor.u32 $0x30, v35;
	v59 =	vor.u32 $0x10, v35;
	v27 =	vld.idx.msk [tilespmem:v32+s24+$0x0], $0xffff  }
0x3bf: {  	v62 =	vor.u32 $0x10, v30;
	v37 =	vor.u32 $0x10, v19;
	v58 =	vsub.f32 v39, v42;
	v17 =	vld.idx.msk [tilespmem:v41+s26+$0x0], $0xffff  }
0x3c0: {  	v34 =	vadd.f32 v31, v16;
	v48 =	vor.u32 $0x20, v19;
	v60 =	vadd.f32 v11, v25;
	v16 =	vld.idx.msk [tilespmem:v43+s22+$0x0], $0xffff  }
0x3c1: {  	v26 =	vadd.f32 v10, v53;
	v49 =	vor.u32 $0x20, v35;
	v61 =	vmul.f32 v58, v40;
	v18 =	vld.idx.msk [tilespmem:v44+s24+$0x0], $0xffff  }
0x3c2: {  	v53 =	vor.u32 $0x20, v1;
	v10 =	vor.u32 $0x10, v1;
	v36 =	vmul.f32 v22, v9;
	v21 =	vld.idx.msk [tilespmem:v45+s26+$0x0], $0xffff;
	[tilespmem:$0x1FFD0] =	vst v60  }
0x3c3: {  	v35 =	vor.u32 $0x30, v30;
	v50 =	vadd.f32 v28, v23;
	vm14 =	vgt.s32 v38, $0xCFFF;
	[tilespmem:$0x1FFE0] =	vst v61  }
0x3c4: {  	vm15 =	vgt.s32 v63, $0xCFFF;
	v63 =	vor.u32 $0x20, v30;
	v38 =	vor.u32 $0x30, v32;
	v29 =	vld.idx.msk [tilespmem:v54+s26+$0x0], $0xffff  }
0x3c5: {  	v9 =	vmul.f32 v42, v42;
	v39 =	vmul.f32 v39, v39;
	v55 =	vsel vm14, v2, v0;
	v11 =	vld.idx.msk [tilespmem:v57+s22+$0x0], $0xffff  }
0x3c6: {  	v34 =	vadd.f32 v36, v34;
	v56 =	vsel vm15, v2, v0;
	v46 =	vor.u32 v52, v55;
	v19 =	vld.idx.msk [tilespmem:v49+s22+$0x0], $0xffff  }
0x3c7: {  	v47 =	vor.u32 v52, v56;
	v52 =	vor.u32 $0x30, v1;
	v55 =	vor.u32 $0x20, v41;
	v25 =	vld.idx.msk [tilespmem:v59+s22+$0x0], $0xffff  }
0x3c8: {  	v58 =	vor.u32 $0x20, v43;
	v56 =	vor.u32 $0x10, v46;
	v42 =	vor.u32 $0x20, v47;
	v30 =	vld.idx.msk [tilespmem:v62+s24+$0x0], $0xffff  }
0x3c9: {  	v60 =	vor.u32 $0x20, v44;
	v61 =	vor.u32 $0x30, v45;
	v49 =	vor.u32 $0x30, v43;
	v28 =	vld.idx.msk [tilespmem:v63+s24+$0x0], $0xffff  }
0x3ca: {  	v54 =	vor.u32 $0x30, v46;
	v57 =	vor.u32 $0x10, v41;
	v59 =	vor.u32 $0x10, v47;
	v33 =	vld.idx.msk [tilespmem:v37+s26+$0x0], $0xffff  }
0x3cb: {  	v43 =	vor.u32 $0x10, v43;
	v62 =	vor.u32 $0x10, v44;
	v23 =	vld.idx.msk [tilespmem:v35+s24+$0x0], $0xffff;
	v35 =	vmul.f32 v40, v40  }
0x3cc: {  	v31 =	vld.idx.msk [tilespmem:v48+s26+$0x0], $0xffff;
	v48 =	vor.u32 $0x10, v45;
	v63 =	vor.u32 $0x30, v47;
	v45 =	vor.u32 $0x20, v45  }
0x3cd: {  	v41 =	vor.u32 $0x30, v41;
	[tilespmem:v8+s29+$0x0] =	vst.idx.msk $0xffff, v50;
	v22 =	vld.idx.msk [tilespmem:v46+s22+$0x0], $0xffff;
	v51 =	vsub.f32 v20, v27;
	v46 =	vor.u32 $0x20, v46  }
0x3ce: {  	v37 =	vld.idx.msk [tilespmem:v47+s24+$0x0], $0xffff;
	v27 =	vmul.f32 v27, v27;
	v20 =	vmul.f32 v20, v20;
	v35 =	vadd.f32 v9, v35  }
0x3cf: {  	v8 =	vor.u32 $0x20, v32;
	v56 =	vld.idx.msk [tilespmem:v56+s22+$0x0], $0xffff;
	v40 =	vmul.f32 v25, v25;
	v47 =	vmul.f32 v30, v30  }
0x3d0: {  	v39 =	vadd.f32 v39, v35;
	v60 =	vld.idx.msk [tilespmem:v60+s24+$0x0], $0xffff;
	v9 =	vmul.f32 v19, v19;
	v1 =	vmul.f32 v28, v28  }
0x3d1: {  	v59 =	vld.idx.msk [tilespmem:v59+s24+$0x0], $0xffff;
	v30 =	vsub.f32 v33, v30;
	v40 =	vadd.f32 v47, v40;
	v47 =	vmul.f32 v33, v33  }
0x3d2: {  	v35 =	vld.idx.msk [tilespmem:v46+s22+$0x0], $0xffff;
	v46 =	vmul.f32 v23, v23;
	v1 =	vadd.f32 v1, v9;
	v9 =	vmul.f32 v11, v11  }
0x3d3: {  	v39 =	vadd.f32 v39, v14;
	v40 =	vadd.f32 v47, v40;
	v47 =	vmul.f32 v31, v31  }
0x3d4: {  	v42 =	vld.idx.msk [tilespmem:v42+s24+$0x0], $0xffff;
	v14 =	vmul.f32 v37, v37;
	v9 =	vadd.f32 v46, v9;
	v46 =	vmul.f32 v22, v22  }
0x3d5: {  	v45 =	vld.idx.msk [tilespmem:v45+s26+$0x0], $0xffff;
	v39 =	vadd.f32 v40, v39;
	v1 =	vadd.f32 v47, v1;
	v40 =	vmul.f32 v29, v29  }
0x3d6: {  	v48 =	vld.idx.msk [tilespmem:v48+s26+$0x0], $0xffff;
	v14 =	vadd.f32 v14, v46;
	v46 =	vmul.f32 v56, v56;
	v47 =	vmul.f32 v59, v59  }
0x3d7: {  	v54 =	vld.idx.msk [tilespmem:v54+s22+$0x0], $0xffff;
	v25 =	vmul.f32 v30, v25;
	v50 =	vmul.f32 v60, v60;
	v1 =	vadd.f32 v1, v39  }
0x3d8: {  	v9 =	vadd.f32 v40, v9;
	v39 =	vmul.f32 v21, v21;
	v40 =	vld.idx.msk [tilespmem:v43+s22+$0x0], $0xffff;
	v43 =	vadd.f32 v47, v46  }
0x3d9: {  	v63 =	vld.idx.msk [tilespmem:v63+s24+$0x0], $0xffff;
	v46 =	vmul.f32 v35, v35;
	v47 =	vmul.f32 v42, v42;
	v21 =	vsub.f32 v21, v37  }
0x3da: {  	v58 =	vld.idx.msk [tilespmem:v58+s22+$0x0], $0xffff;
	v37 =	vor.u32 s31, v6;
	v42 =	vsub.f32 v45, v42;
	v1 =	vadd.f32 v9, v1  }
0x3db: {  	v61 =	vld.idx.msk [tilespmem:v61+s26+$0x0], $0xffff;
	v9 =	vadd.f32 v39, v14;
	v14 =	vmul.f32 v48, v48;
	v39 =	vor.u32 $0x30, v44  }
0x3dc: {  	v44 =	vld.idx.msk [tilespmem:v62+s24+$0x0], $0xffff;
	v46 =	vadd.f32 v47, v46;
	v47 =	vmul.f32 v54, v54;
	v62 =	vmul.f32 v16, v16  }
0x3dd: {  	v1 =	vadd.f32 v9, v1;
	v9 =	vadd.f32 v14, v43;
	v14 =	vmul.f32 v45, v45  }
0x3de: {  	v21 =	vmul.f32 v21, v22;
	v43 =	vmul.f32 v63, v63;
	v45 =	vsub.f32 v31, v28  }
0x3df: {  	v49 =	vld.idx.msk [tilespmem:v49+s22+$0x0], $0xffff;
	v1 =	vadd.f32 v9, v1;
	v9 =	vmul.f32 v18, v18;
	v14 =	vadd.f32 v14, v46  }
0x3e0: {  	v57 =	vld.idx.msk [tilespmem:v57+s26+$0x0], $0xffff;
	v46 =	vor.u32 $0x10, v32;
	v43 =	vadd.f32 v43, v47;
	v47 =	vmul.f32 v61, v61  }
0x3e1: {  	v32 =	vmul.f32 v58, v58;
	v39 =	vld.idx.msk [tilespmem:v39+s24+$0x0], $0xffff;
	v9 =	vadd.f32 v9, v62;
	v62 =	vmul.f32 v40, v40  }
0x3e2: {  	v41 =	vld.idx.msk [tilespmem:v41+s26+$0x0], $0xffff;
	v1 =	vadd.f32 v14, v1;
	v43 =	vadd.f32 v47, v43;
	v47 =	vmul.f32 v17, v17  }
0x3e3: {  	v14 =	vld.idx.msk [tilespmem:v55+s26+$0x0], $0xffff;
	v55 =	vmul.f32 v44, v44;
	v32 =	vadd.f32 v50, v32;
	v17 =	vsub.f32 v17, v18  }
0x3e4: {  	v10 =	vld.idx.msk [tilespmem:v10+s22+$0x0], $0xffff;
	v50 =	vmul.f32 v49, v49;
	v1 =	vadd.f32 v43, v1;
	v9 =	vadd.f32 v47, v9  }
0x3e5: {  	v53 =	vld.idx.msk [tilespmem:v53+s22+$0x0], $0xffff;
	v47 =	vadd.f32 v55, v62;
	v55 =	vmul.f32 v57, v57;
	v16 =	vmul.f32 v17, v16  }
0x3e6: {  	v38 =	vld.idx.msk [tilespmem:v38+s24+$0x0], $0xffff;
	v43 =	vor.u32 $0x10, v15;
	v17 =	vmul.f32 v45, v19;
	v62 =	vmul.f32 v39, v39  }
0x3e7: {  	v8 =	vld.idx.msk [tilespmem:v8+s24+$0x0], $0xffff;
	v1 =	vadd.f32 v9, v1;
	v9 =	vor.u32 $0x20, v15;
	v47 =	vadd.f32 v55, v47  }
0x3e8: {  	v46 =	vld.idx.msk [tilespmem:v46+s24+$0x0], $0xffff;
	v55 =	vmul.f32 v14, v14;
	v36 =	vadd.f32 v62, v50;
	v62 =	vmul.f32 v41, v41  }
0x3e9: {  	v14 =	vsub.f32 v14, v60;
	v50 =	vmul.f32 v51, v24;
	v51 =	vld.idx.msk [tilespmem:v52+s22+$0x0], $0xffff;
	v1 =	vadd.f32 v47, v1  }
0x3ea: {  	v24 =	vmul.f32 v24, v24;
	v32 =	vadd.f32 v55, v32;
	v36 =	vadd.f32 v62, v36;
	v62 =	vld [tilespmem:$0x1FFD0]  }
0x3eb: {  	v15 =	vor.u32 $0x30, v15;
	v43 =	vld.idx.msk [tilespmem:v43+s26+$0x0], $0xffff;
	v14 =	vmul.f32 v14, v58;
	v58 =	vsub.f32 v29, v23  }
0x3ec: {  	v47 =	vmul.f32 v53, v53;
	v24 =	vadd.f32 v27, v24;
	v1 =	vadd.f32 v32, v1;
	v9 =	vld.idx.msk [tilespmem:v9+s26+$0x0], $0xffff  }
0x3ed: {  	v52 =	vor.u32 s19, v6;
	v27 =	vmul.f32 v46, v46;
	[tilespmem:v12+s29+$0x0] =	vst.idx.msk $0xffff, v26;
	v32 =	vmul.f32 v10, v10  }
0x3ee: {  	v12 =	vor.u32 s0, v6;
	[tilespmem:v13+s29+$0x0] =	vst.idx.msk $0xffff, v34;
	v1 =	vadd.f32 v36, v1;
	v36 =	vmul.f32 v8, v8  }
0x3ef: {  	v55 =	vadd.f32 v27, v32;
	[tilespmem:v7+s29+$0x0] =	vst.idx.msk $0xffff, v62;
	v7 =	vadd.f32 v20, v24;
	v20 =	vor.u32 s15, v6  }
0x3f0: {  	v15 =	vld.idx.msk [tilespmem:v15+s26+$0x0], $0xffff;
	v62 =	vmul.f32 v43, v43;
	v32 =	vadd.f32 v36, v47;
	v43 =	vsub.f32 v43, v46  }
0x3f1: {  	v36 =	vmul.f32 v51, v51;
	v47 =	vmul.f32 v42, v35;
	v8 =	vsub.f32 v9, v8  }
0x3f2: {  	v24 =	vadd.f32 v62, v55;
	v55 =	vsub.f32 v48, v59;
	v10 =	vmul.f32 v43, v10  }
0x3f3: {  	v27 =	vmul.f32 v9, v9;
	v1 =	vadd.f32 v7, v1;
	v59 =	vsub.f32 v57, v44;
	v48 =	vld [tilespmem:$0x1FFE0]  }
0x3f4: {  	v8 =	vmul.f32 v8, v53;
	v62 =	vmul.f32 v55, v56;
	v10 =	vadd.f32 v10, v50  }
0x3f5: {  	v40 =	vmul.f32 v59, v40;
	v50 =	vsub.f32 v61, v63;
	v56 =	vsub.f32 v15, v38  }
0x3f6: {  	v7 =	vmul.f32 v38, v38;
	v55 =	vsub.f32 v41, v39;
	v46 =	vadd.f32 v62, v21  }
0x3f7: {  	v16 =	vadd.f32 v40, v16;
	v8 =	vadd.f32 v8, v10;
	v60 =	vmul.f32 v56, v51  }
0x3f8: {  	v57 =	vmul.f32 v50, v54;
	v18 =	vadd.f32 v25, v48;
	v9 =	vadd.f32 v47, v46  }
0x3f9: {  	v59 =	vmul.f32 v55, v49;
	v14 =	vadd.f32 v14, v16;
	v8 =	vadd.f32 v60, v8  }
0x3fa: {  	v11 =	vmul.f32 v58, v11;
	v17 =	vadd.f32 v17, v18;
	v9 =	vadd.f32 v57, v9  }
0x3fb: {  	v7 =	vadd.f32 v7, v36;
	v14 =	vadd.f32 v59, v14;
	[tilespmem:v12+s29+$0x0] =	vst.idx.msk $0xffff, v8  }
0x3fc: {  	v1 =	vadd.f32 v24, v1;
	v61 =	vadd.f32 v11, v17;
	[tilespmem:v52+s29+$0x0] =	vst.idx.msk $0xffff, v9  }
0x3fd: {  	v63 =	vmul.f32 v15, v15;
	v62 =	vadd.f32 v27, v32;
	[tilespmem:v20+s29+$0x0] =	vst.idx.msk $0xffff, v14  }
0x3fe: {  	[tilespmem:v37+s29+$0x0] =	vst.idx.msk $0xffff, v61  }
0x3ff: {  	v7 =	vadd.f32 v63, v7;
	v1 =	vadd.f32 v62, v1;
	[hbm4b:s8+s21] =	stream.strided.scatter [tilespmem:s29], [sflag:$0x3], $0x2000, s23, s21, $0x38;
	[tilespmem:$0x1AC80] =	vst v63  }
0x400: {  	_ =	swait.ge [sflag:s11], $0x2000  }
0x401: {  	s30 =	sadd.s32 $0x1, s30;
	v1 =	vadd.f32 v7, v1;
	[sflag:s11] =	ssyncset.done $0x0  }
0x402: {  	p0 =	sne.s32 s30, s10;
	[sflag:s11] =	ssyncadd.s32 $0xFFFFE000  }
.Ltmp5:
0x403: {  	[tilespmem:$0x1AC00] =	vst v1;
	(pc) =	sbr.rel @p0 .LBB2_1-.Ltmp5, $4  }
0x404: {  	[hbm4b:s9+s2] =	stream.linear.scatter [tilespmem:s25], [sflag:$0x3], $0x80, $0x38;
	[tilespmem:$0x1AC80] =	vst v63  }
0x405: {  	_ =	swait.ge [sflag:s11], $0x80  }
0x406: {  	[sflag:s11] =	ssyncset.done $0x0  }
0x407: {  	v1 =	vimm.s32 $0xFFFF3000;
	[sflag:s11] =	ssyncadd.s32 $0xFFFFFF80  }
0x408: {  	_ =	sfence.sel $0x180000  }
0x409: {  	[bflag:$0x0] =	sbarrier.arrive $0xFFFF  }
0x40a: {  	_ =	strace $0x90000047  }
0x40b: {  	s0 =	stileid.u32;
	[bflag:$0x2] =	sbarrier.arrive $0xFFFF  }
0x40c: {  	p0 =	sne.s32 s0, $0x0;
	s0 =	rddreg [dreg:$0x4]  }
0x40d: {  	s0 =	sadd.s32 @!p0 $0x100000, s0  }
0x40e: {  	[sflag:s0] =	ssyncadd.tile.s32 @!p0 $0x1;
	_ =	shalt  }
.Lfunc_end2:
_tile_overlayer_lowered:
.L_overlay_start_2:
0x40f: {  	(tag) =	ssettag $0x2  }
0x410: {  	s0 =	rddreg [dreg:$0x0];
	s2 =	stileid.u32  }
0x411: {  	s1 =	rddreg [dreg:$0x1];
	p0 =	sne.s32 s2, $0x0  }
0x412: {  	s3 =	rddreg [dreg:$0x2];
	[bflag:$0x3] =	sbarrier.arrive $0xFFFF;
	s2 =	simm.s32 @!p0 $0x1C03  }
0x413: {  	[timem:s3], [sflag:s2] =	dma.local @!p0 [hbm:s0], s1  }
0x414: {  	s0 =	simm.s32 @!p0 $0x3  }
0x415: {  	_ =	swait.ge @!p0 [sflag:s0], s1  }
0x416: {  	s1 =	ssub.s32 @!p0 $0x0, s1;
	[sflag:s0] =	ssyncset.done @!p0 $0x0  }
0x417: {  	[sflag:s0] =	ssyncadd.s32 @!p0 s1  }
0x418: {  	[bflag:$0x3] =	sbarrier.arrive $0xFFFF  }
0x419: {  	_ =	shalt  }

</sc_bundles>
